<compile_context>
chip_gen: v7x
topology: tpu7x:2x2x1
jax: 0.10.2.dev20260603
libtpu: 0.0.44.dev20260713+nightly
codegen_flags: <defaults>
</compile_context>

<pallas_src>
import functools

import jax
import jax.numpy as jnp
from jax import lax
from jax.experimental import pallas as pl
from jax.experimental.pallas import tpu as pltpu
from jax.experimental.pallas import tpu_sc as plsc

_NC = 2
_NS = 16
_C = 128
_RZ = 64


@functools.lru_cache(maxsize=None)
def _make_agg(n_pad, f, j_chunks, with_count):
  mesh = plsc.VectorSubcoreMesh(core_axis_name="c", subcore_axis_name="s")
  rp = n_pad // _NS

  out_type = [jax.ShapeDtypeStruct((_NC, n_pad, f), jnp.float32)]
  scratch = [
      pltpu.VMEM((j_chunks, _C), jnp.int32),
      pltpu.VMEM((j_chunks, _C), jnp.int32),
      pltpu.VMEM((_C, f), jnp.float32),
      pltpu.VMEM((_RZ, f), jnp.float32),
      pltpu.VMEM_SHARED((n_pad, f), jnp.float32),
      pltpu.SemaphoreType.DMA,
  ]
  if with_count:
    out_type.append(jax.ShapeDtypeStruct((_NC, n_pad), jnp.float32))
    scratch += [
        pltpu.VMEM((rp,), jnp.float32),
        pltpu.VMEM((_C,), jnp.float32),
        pltpu.VMEM_SHARED((n_pad,), jnp.float32),
    ]

  def body(*refs):
    if with_count:
      (x_hbm, srcs_hbm, dsts_hbm, za_hbm, zc_hbm, oc_hbm,
       sums_hbm, cnts_hbm,
       src_v, dst_v, rows_v, zbuf_v, acc_sh, sem,
       zcnt_v, ones_v, cnt_sh) = refs
    else:
      (x_hbm, srcs_hbm, dsts_hbm, za_hbm,
       sums_hbm,
       src_v, dst_v, rows_v, zbuf_v, acc_sh, sem) = refs
    c = lax.axis_index("c")
    s = lax.axis_index("s")
    w = c * _NS + s

    pltpu.sync_copy(srcs_hbm.at[w], src_v)
    pltpu.sync_copy(dsts_hbm.at[w], dst_v)

    pltpu.sync_copy(za_hbm, zbuf_v)
    for k in range(rp // _RZ):
      pltpu.sync_copy(zbuf_v, acc_sh.at[pl.ds(s * rp + k * _RZ, _RZ)])
    if with_count:
      pltpu.sync_copy(zc_hbm, zcnt_v)
      pltpu.sync_copy(zcnt_v, cnt_sh.at[pl.ds(s * rp, rp)])
      pltpu.sync_copy(oc_hbm, ones_v)
    plsc.subcore_barrier()

    def step(jj, carry):
      pltpu.async_copy(x_hbm.at[src_v.at[jj]], rows_v, sem).wait()
      pltpu.sync_copy(rows_v, acc_sh.at[dst_v.at[jj]], add=True)
      if with_count:
        pltpu.sync_copy(ones_v, cnt_sh.at[dst_v.at[jj]], add=True)
      return carry
    lax.fori_loop(0, j_chunks, step, 0)

    plsc.subcore_barrier()
    for k in range(rp // _RZ):
      pltpu.sync_copy(acc_sh.at[pl.ds(s * rp + k * _RZ, _RZ)], zbuf_v)
      pltpu.sync_copy(zbuf_v, sums_hbm.at[c, pl.ds(s * rp + k * _RZ, _RZ)])
    if with_count:
      pltpu.sync_copy(cnt_sh.at[pl.ds(s * rp, rp)], zcnt_v)
      pltpu.sync_copy(zcnt_v, cnts_hbm.at[c, pl.ds(s * rp, rp)])

  return pl.kernel(body, out_type=out_type, mesh=mesh, scratch_types=scratch)


def _tc_body(sums_ref, cnts_ref, x_ref, wl_ref, wr_ref, bl_ref, br_ref, o_ref):
  ssum = sums_ref[0] + sums_ref[1]
  cnt = cnts_ref[0] + cnts_ref[1]
  mean = ssum / jnp.maximum(cnt, 1.0)
  acc = lax.dot_general(mean, wl_ref[...], (((1,), (1,)), ((), ())),
                        preferred_element_type=jnp.float32)
  acc = acc + lax.dot_general(x_ref[...], wr_ref[...], (((1,), (1,)), ((), ())),
                              preferred_element_type=jnp.float32)
  o_ref[...] = jnp.maximum(acc + bl_ref[...] + br_ref[...], 0.0)


def _combine(sums, cnts, x, wl, wr, bl, br):
  n, f = x.shape
  br_rows = 1000
  grid = (n // br_rows,)
  return pl.pallas_call(
      _tc_body,
      grid=grid,
      in_specs=[
          pl.BlockSpec((_NC, br_rows, f), lambda i: (0, i, 0)),
          pl.BlockSpec((_NC, br_rows, 1), lambda i: (0, i, 0)),
          pl.BlockSpec((br_rows, f), lambda i: (i, 0)),
          pl.BlockSpec((f, f), lambda i: (0, 0)),
          pl.BlockSpec((f, f), lambda i: (0, 0)),
          pl.BlockSpec((1, f), lambda i: (0, 0)),
          pl.BlockSpec((1, f), lambda i: (0, 0)),
      ],
      out_specs=pl.BlockSpec((br_rows, f), lambda i: (i, 0)),
      out_shape=jax.ShapeDtypeStruct((n, f), jnp.float32),
  )(sums, cnts, x, wl, wr, bl, br)


def kernel(x, edge_index, Wl0, bl0, Wr0, br0, Wl1, bl1, Wr1, br1):
  n, f = x.shape
  e = edge_index.shape[1]
  nw = _NC * _NS
  j_chunks = -(-e // (nw * _C))
  ep = nw * _C * j_chunks
  n_pad = -(-n // (_NS * _RZ)) * (_NS * _RZ)

  pad = ep - e
  src = jnp.concatenate([edge_index[0], jnp.zeros((pad,), jnp.int32)])
  dst = jnp.concatenate([edge_index[1], jnp.full((pad,), n, jnp.int32)])
  srcs = src.reshape(nw, j_chunks, _C)
  dsts = dst.reshape(nw, j_chunks, _C)

  za = jnp.zeros((_RZ, f), jnp.float32)
  zc = jnp.zeros((n_pad // _NS,), jnp.float32)
  oc = jnp.ones((_C,), jnp.float32)

  agg_c = _make_agg(n_pad, f, j_chunks, True)
  sums, cnts = agg_c(x, srcs, dsts, za, zc, oc)
  cnts = cnts.reshape(_NC, n_pad, 1)
  h = _combine(sums, cnts, x, Wl0, Wr0, bl0.reshape(1, f), br0.reshape(1, f))

  agg = _make_agg(n_pad, f, j_chunks, False)
  (sums2,) = agg(h, srcs, dsts, za)
  out = _combine(sums2, cnts, h, Wl1, Wr1, bl1.reshape(1, f), br1.reshape(1, f))
  return out

# --- scband reference (transcript-rebuilt; emitter-appended) ---
"""Pipeline reference for scband-graph-sageprimitive-41807211659463 (READ-ONLY COPY).

The authoritative reference and input builder live on the scoring server;
editing this copy changes nothing except your own understanding.
"""

import jax, jax.numpy as jnp
import numpy as np

N = 10000
E = 320000
F = 128


def setup_inputs(seed: int = 0) -> dict:
    key = jax.random.key(seed)
    ks = jax.random.split(key, 10)
    x = jax.random.normal(ks[0], (N, F), dtype=jnp.float32)
    edge_index = jax.random.randint(ks[1], (2, E), 0, N, dtype=jnp.int32)
    s = 1.0 / np.sqrt(F)
    Wl0 = jax.random.normal(ks[2], (F, F), dtype=jnp.float32) * s
    bl0 = jnp.zeros((F,), dtype=jnp.float32)
    Wr0 = jax.random.normal(ks[3], (F, F), dtype=jnp.float32) * s
    br0 = jnp.zeros((F,), dtype=jnp.float32)
    Wl1 = jax.random.normal(ks[4], (F, F), dtype=jnp.float32) * s
    bl1 = jnp.zeros((F,), dtype=jnp.float32)
    Wr1 = jax.random.normal(ks[5], (F, F), dtype=jnp.float32) * s
    br1 = jnp.zeros((F,), dtype=jnp.float32)
    return {"x": x, "edge_index": edge_index,
            "Wl0": Wl0, "bl0": bl0, "Wr0": Wr0, "br0": br0,
            "Wl1": Wl1, "bl1": bl1, "Wr1": Wr1, "br1": br1}


def _sage_layer(x, edge_index, Wl, bl, Wr, br):
    num_nodes = x.shape[0]
    src = edge_index[0]
    dst = edge_index[1]
    # P2_Gather
    x_j = jnp.take(x, src, axis=0)
    # P3_ScatterAdd
    sum_agg = jax.ops.segment_sum(x_j, dst, num_segments=num_nodes)
    # P3_ScatterAdd_Count
    count = jax.ops.segment_sum(jnp.ones((edge_index.shape[1],), dtype=x.dtype), dst, num_segments=num_nodes)
    # P4_ElewiseDiv (clamp to avoid div by zero for isolated nodes)
    mean_agg = sum_agg / jnp.clip(count, 1.0)[:, None]
    # P1_Matmul_Dual
    out = mean_agg @ Wl.T + bl + x @ Wr.T + br
    # P5_ElewiseAct
    return jax.nn.relu(out)


def reference(x, edge_index, Wl0, bl0, Wr0, br0, Wl1, bl1, Wr1, br1):
    h = _sage_layer(x, edge_index, Wl0, bl0, Wr0, br0)
    h = _sage_layer(h, edge_index, Wl1, bl1, Wr1, br1)
    return h

if __name__ == "__main__":
    import jax
    _d = setup_inputs()
    print(jax.jit(kernel)(*tuple(_d.values())))

</pallas_src>

<mosaic_0001>
#map = affine_map<(d0, d1) -> (0, 0)>
#map1 = affine_map<(d0, d1) -> (0, 0, 0)>
#map2 = affine_map<(d0, d1) -> (0)>
module attributes {stable_mosaic.version = 14 : i64} {
  func.func @body(%arg0: i32, %arg1: i32, %arg2: memref<10000x128xf32, #tpu.memory_space<hbm>>, %arg3: memref<32x79x128xi32, #tpu.memory_space<hbm>>, %arg4: memref<32x79x128xi32, #tpu.memory_space<hbm>>, %arg5: memref<64x128xf32, #tpu.memory_space<hbm>>, %arg6: memref<640xf32, #tpu.memory_space<hbm>>, %arg7: memref<128xf32, #tpu.memory_space<hbm>>, %arg8: memref<2x10240x128xf32, #tpu.memory_space<hbm>>, %arg9: memref<2x10240xf32, #tpu.memory_space<hbm>>, %arg10: memref<79x128xi32, #tpu.memory_space<vmem>>, %arg11: memref<79x128xi32, #tpu.memory_space<vmem>>, %arg12: memref<128x128xf32, #tpu.memory_space<vmem>>, %arg13: memref<64x128xf32, #tpu.memory_space<vmem>>, %arg14: memref<10240x128xf32, #tpu.memory_space<vmem_shared>>, %arg15: memref<!tpu.dma_semaphore, #tpu.memory_space<semaphore_mem>>, %arg16: memref<640xf32, #tpu.memory_space<vmem>>, %arg17: memref<128xf32, #tpu.memory_space<vmem>>, %arg18: memref<10240xf32, #tpu.memory_space<vmem_shared>>) attributes {dimension_semantics = [#tpu.dimension_semantics<core_parallel>, #tpu.dimension_semantics<subcore_parallel>], iteration_bounds = array<i64: 2, 16>, scalar_prefetch = 0 : i64, scratch_operands = 9 : i64, tpu.core_type = #tpu.core_type<sc_vector_subcore>, window_params = [{transform_indices = #map}, {transform_indices = #map1}, {transform_indices = #map1}, {transform_indices = #map}, {transform_indices = #map2}, {transform_indices = #map2}, {transform_indices = #map1}, {transform_indices = #map}]} {
    %mul3A = arith.constant 16 : i32
    %mul3A_0 = arith.muli %arg0, %mul3A : i32
    %add3A = arith.addi %mul3A_0, %arg1 : i32
    "tpu.region"() ({
      %run_scoped3A = tpu.sem_alloc : memref<!tpu.dma_semaphore, #tpu.memory_space<semaphore_mem>>
      %dma_start3A = arith.constant 0 : i32
      %dma_start3A_133 = arith.constant 0 : i32
      %dma_start3A_134 = tpu.memref_slice %arg3[%add3A, %dma_start3A, %dma_start3A_133] : memref<32x79x128xi32, #tpu.memory_space<hbm>> -> memref<1x79x128xi32, #tpu.memory_space<hbm>>
      %dma_start3A_135 = tpu.memref_squeeze %dma_start3A_134 : memref<1x79x128xi32, #tpu.memory_space<hbm>> -> memref<79x128xi32, #tpu.memory_space<hbm>>
      %dma_start3A_136 = arith.constant 0 : i32
      %dma_start3A_137 = arith.constant 0 : i32
      %dma_start3A_138 = tpu.memref_slice %arg3[%add3A, %dma_start3A_136, %dma_start3A_137] : memref<32x79x128xi32, #tpu.memory_space<hbm>> -> memref<1x79x128xi32, #tpu.memory_space<hbm>>
      %dma_start3A_139 = tpu.memref_squeeze %dma_start3A_138 : memref<1x79x128xi32, #tpu.memory_space<hbm>> -> memref<79x128xi32, #tpu.memory_space<hbm>>
      tpu.enqueue_dma source(%dma_start3A_139 : memref<79x128xi32, #tpu.memory_space<hbm>>) target(%arg10 : memref<79x128xi32, #tpu.memory_space<vmem>>) target_semaphore(%run_scoped3A : memref<!tpu.dma_semaphore, #tpu.memory_space<semaphore_mem>>)
      %dma_wait3A = arith.constant 0 : i32
      %dma_wait3A_140 = arith.constant 0 : i32
      %dma_wait3A_141 = tpu.memref_slice %arg3[%add3A, %dma_wait3A, %dma_wait3A_140] : memref<32x79x128xi32, #tpu.memory_space<hbm>> -> memref<1x79x128xi32, #tpu.memory_space<hbm>>
      %dma_wait3A_142 = tpu.memref_squeeze %dma_wait3A_141 : memref<1x79x128xi32, #tpu.memory_space<hbm>> -> memref<79x128xi32, #tpu.memory_space<hbm>>
      %dma_wait3A_143 = arith.constant 0 : i32
      %dma_wait3A_144 = arith.constant 0 : i32
      %dma_wait3A_145 = tpu.memref_slice %arg3[%add3A, %dma_wait3A_143, %dma_wait3A_144] : memref<32x79x128xi32, #tpu.memory_space<hbm>> -> memref<1x79x128xi32, #tpu.memory_space<hbm>>
      %dma_wait3A_146 = tpu.memref_squeeze %dma_wait3A_145 : memref<1x79x128xi32, #tpu.memory_space<hbm>> -> memref<79x128xi32, #tpu.memory_space<hbm>>
      tpu.wait_dma2 semaphore(%run_scoped3A : memref<!tpu.dma_semaphore, #tpu.memory_space<semaphore_mem>>) src(%dma_wait3A_146 : memref<79x128xi32, #tpu.memory_space<hbm>>) dst(%arg10 : memref<79x128xi32, #tpu.memory_space<vmem>>)
      tpu.yield
    }) : () -> ()
    "tpu.region"() ({
      %run_scoped3A = tpu.sem_alloc : memref<!tpu.dma_semaphore, #tpu.memory_space<semaphore_mem>>
      %dma_start3A = arith.constant 0 : i32
      %dma_start3A_133 = arith.constant 0 : i32
      %dma_start3A_134 = tpu.memref_slice %arg4[%add3A, %dma_start3A, %dma_start3A_133] : memref<32x79x128xi32, #tpu.memory_space<hbm>> -> memref<1x79x128xi32, #tpu.memory_space<hbm>>
      %dma_start3A_135 = tpu.memref_squeeze %dma_start3A_134 : memref<1x79x128xi32, #tpu.memory_space<hbm>> -> memref<79x128xi32, #tpu.memory_space<hbm>>
      %dma_start3A_136 = arith.constant 0 : i32
      %dma_start3A_137 = arith.constant 0 : i32
      %dma_start3A_138 = tpu.memref_slice %arg4[%add3A, %dma_start3A_136, %dma_start3A_137] : memref<32x79x128xi32, #tpu.memory_space<hbm>> -> memref<1x79x128xi32, #tpu.memory_space<hbm>>
      %dma_start3A_139 = tpu.memref_squeeze %dma_start3A_138 : memref<1x79x128xi32, #tpu.memory_space<hbm>> -> memref<79x128xi32, #tpu.memory_space<hbm>>
      tpu.enqueue_dma source(%dma_start3A_139 : memref<79x128xi32, #tpu.memory_space<hbm>>) target(%arg11 : memref<79x128xi32, #tpu.memory_space<vmem>>) target_semaphore(%run_scoped3A : memref<!tpu.dma_semaphore, #tpu.memory_space<semaphore_mem>>)
      %dma_wait3A = arith.constant 0 : i32
      %dma_wait3A_140 = arith.constant 0 : i32
      %dma_wait3A_141 = tpu.memref_slice %arg4[%add3A, %dma_wait3A, %dma_wait3A_140] : memref<32x79x128xi32, #tpu.memory_space<hbm>> -> memref<1x79x128xi32, #tpu.memory_space<hbm>>
      %dma_wait3A_142 = tpu.memref_squeeze %dma_wait3A_141 : memref<1x79x128xi32, #tpu.memory_space<hbm>> -> memref<79x128xi32, #tpu.memory_space<hbm>>
      %dma_wait3A_143 = arith.constant 0 : i32
      %dma_wait3A_144 = arith.constant 0 : i32
      %dma_wait3A_145 = tpu.memref_slice %arg4[%add3A, %dma_wait3A_143, %dma_wait3A_144] : memref<32x79x128xi32, #tpu.memory_space<hbm>> -> memref<1x79x128xi32, #tpu.memory_space<hbm>>
      %dma_wait3A_146 = tpu.memref_squeeze %dma_wait3A_145 : memref<1x79x128xi32, #tpu.memory_space<hbm>> -> memref<79x128xi32, #tpu.memory_space<hbm>>
      tpu.wait_dma2 semaphore(%run_scoped3A : memref<!tpu.dma_semaphore, #tpu.memory_space<semaphore_mem>>) src(%dma_wait3A_146 : memref<79x128xi32, #tpu.memory_space<hbm>>) dst(%arg11 : memref<79x128xi32, #tpu.memory_space<vmem>>)
      tpu.yield
    }) : () -> ()
    "tpu.region"() ({
      %run_scoped3A = tpu.sem_alloc : memref<!tpu.dma_semaphore, #tpu.memory_space<semaphore_mem>>
      tpu.enqueue_dma source(%arg5 : memref<64x128xf32, #tpu.memory_space<hbm>>) target(%arg13 : memref<64x128xf32, #tpu.memory_space<vmem>>) target_semaphore(%run_scoped3A : memref<!tpu.dma_semaphore, #tpu.memory_space<semaphore_mem>>)
      tpu.wait_dma2 semaphore(%run_scoped3A : memref<!tpu.dma_semaphore, #tpu.memory_space<semaphore_mem>>) src(%arg5 : memref<64x128xf32, #tpu.memory_space<hbm>>) dst(%arg13 : memref<64x128xf32, #tpu.memory_space<vmem>>)
      tpu.yield
    }) : () -> ()
    %mul3A_1 = arith.constant 640 : i32
    %mul3A_2 = arith.muli %arg1, %mul3A_1 : i32
    %add3A_3 = arith.constant 0 : i32
    %add3A_4 = arith.addi %mul3A_2, %add3A_3 : i32
    "tpu.region"() ({
      %run_scoped3A = tpu.sem_alloc : memref<!tpu.dma_semaphore, #tpu.memory_space<semaphore_mem>>
      %dma_start3A = arith.constant 0 : i32
      %dma_start3A_133 = tpu.memref_slice %arg14[%add3A_4, %dma_start3A] : memref<10240x128xf32, #tpu.memory_space<vmem_shared>> -> memref<64x128xf32, #tpu.memory_space<vmem_shared>>
      %dma_start3A_134 = arith.constant 0 : i32
      %dma_start3A_135 = tpu.memref_slice %arg14[%add3A_4, %dma_start3A_134] : memref<10240x128xf32, #tpu.memory_space<vmem_shared>> -> memref<64x128xf32, #tpu.memory_space<vmem_shared>>
      tpu.enqueue_dma source(%arg13 : memref<64x128xf32, #tpu.memory_space<vmem>>) target(%dma_start3A_135 : memref<64x128xf32, #tpu.memory_space<vmem_shared>>) target_semaphore(%run_scoped3A : memref<!tpu.dma_semaphore, #tpu.memory_space<semaphore_mem>>)
      %dma_wait3A = arith.constant 0 : i32
      %dma_wait3A_136 = tpu.memref_slice %arg14[%add3A_4, %dma_wait3A] : memref<10240x128xf32, #tpu.memory_space<vmem_shared>> -> memref<64x128xf32, #tpu.memory_space<vmem_shared>>
      %dma_wait3A_137 = arith.constant 0 : i32
      %dma_wait3A_138 = tpu.memref_slice %arg14[%add3A_4, %dma_wait3A_137] : memref<10240x128xf32, #tpu.memory_space<vmem_shared>> -> memref<64x128xf32, #tpu.memory_space<vmem_shared>>
      tpu.wait_dma2 semaphore(%run_scoped3A : memref<!tpu.dma_semaphore, #tpu.memory_space<semaphore_mem>>) src(%arg13 : memref<64x128xf32, #tpu.memory_space<vmem>>) dst(%dma_wait3A_138 : memref<64x128xf32, #tpu.memory_space<vmem_shared>>)
      tpu.yield
    }) : () -> ()
    %mul3A_5 = arith.constant 640 : i32
    %mul3A_6 = arith.muli %arg1, %mul3A_5 : i32
    %add3A_7 = arith.constant 64 : i32
    %add3A_8 = arith.addi %mul3A_6, %add3A_7 : i32
    "tpu.region"() ({
      %run_scoped3A = tpu.sem_alloc : memref<!tpu.dma_semaphore, #tpu.memory_space<semaphore_mem>>
      %dma_start3A = arith.constant 0 : i32
      %dma_start3A_133 = tpu.memref_slice %arg14[%add3A_8, %dma_start3A] : memref<10240x128xf32, #tpu.memory_space<vmem_shared>> -> memref<64x128xf32, #tpu.memory_space<vmem_shared>>
      %dma_start3A_134 = arith.constant 0 : i32
      %dma_start3A_135 = tpu.memref_slice %arg14[%add3A_8, %dma_start3A_134] : memref<10240x128xf32, #tpu.memory_space<vmem_shared>> -> memref<64x128xf32, #tpu.memory_space<vmem_shared>>
      tpu.enqueue_dma source(%arg13 : memref<64x128xf32, #tpu.memory_space<vmem>>) target(%dma_start3A_135 : memref<64x128xf32, #tpu.memory_space<vmem_shared>>) target_semaphore(%run_scoped3A : memref<!tpu.dma_semaphore, #tpu.memory_space<semaphore_mem>>)
      %dma_wait3A = arith.constant 0 : i32
      %dma_wait3A_136 = tpu.memref_slice %arg14[%add3A_8, %dma_wait3A] : memref<10240x128xf32, #tpu.memory_space<vmem_shared>> -> memref<64x128xf32, #tpu.memory_space<vmem_shared>>
      %dma_wait3A_137 = arith.constant 0 : i32
      %dma_wait3A_138 = tpu.memref_slice %arg14[%add3A_8, %dma_wait3A_137] : memref<10240x128xf32, #tpu.memory_space<vmem_shared>> -> memref<64x128xf32, #tpu.memory_space<vmem_shared>>
      tpu.wait_dma2 semaphore(%run_scoped3A : memref<!tpu.dma_semaphore, #tpu.memory_space<semaphore_mem>>) src(%arg13 : memref<64x128xf32, #tpu.memory_space<vmem>>) dst(%dma_wait3A_138 : memref<64x128xf32, #tpu.memory_space<vmem_shared>>)
      tpu.yield
    }) : () -> ()
    %mul3A_9 = arith.constant 640 : i32
    %mul3A_10 = arith.muli %arg1, %mul3A_9 : i32
    %add3A_11 = arith.constant 128 : i32
    %add3A_12 = arith.addi %mul3A_10, %add3A_11 : i32
    "tpu.region"() ({
      %run_scoped3A = tpu.sem_alloc : memref<!tpu.dma_semaphore, #tpu.memory_space<semaphore_mem>>
      %dma_start3A = arith.constant 0 : i32
      %dma_start3A_133 = tpu.memref_slice %arg14[%add3A_12, %dma_start3A] : memref<10240x128xf32, #tpu.memory_space<vmem_shared>> -> memref<64x128xf32, #tpu.memory_space<vmem_shared>>
      %dma_start3A_134 = arith.constant 0 : i32
      %dma_start3A_135 = tpu.memref_slice %arg14[%add3A_12, %dma_start3A_134] : memref<10240x128xf32, #tpu.memory_space<vmem_shared>> -> memref<64x128xf32, #tpu.memory_space<vmem_shared>>
      tpu.enqueue_dma source(%arg13 : memref<64x128xf32, #tpu.memory_space<vmem>>) target(%dma_start3A_135 : memref<64x128xf32, #tpu.memory_space<vmem_shared>>) target_semaphore(%run_scoped3A : memref<!tpu.dma_semaphore, #tpu.memory_space<semaphore_mem>>)
      %dma_wait3A = arith.constant 0 : i32
      %dma_wait3A_136 = tpu.memref_slice %arg14[%add3A_12, %dma_wait3A] : memref<10240x128xf32, #tpu.memory_space<vmem_shared>> -> memref<64x128xf32, #tpu.memory_space<vmem_shared>>
      %dma_wait3A_137 = arith.constant 0 : i32
      %dma_wait3A_138 = tpu.memref_slice %arg14[%add3A_12, %dma_wait3A_137] : memref<10240x128xf32, #tpu.memory_space<vmem_shared>> -> memref<64x128xf32, #tpu.memory_space<vmem_shared>>
      tpu.wait_dma2 semaphore(%run_scoped3A : memref<!tpu.dma_semaphore, #tpu.memory_space<semaphore_mem>>) src(%arg13 : memref<64x128xf32, #tpu.memory_space<vmem>>) dst(%dma_wait3A_138 : memref<64x128xf32, #tpu.memory_space<vmem_shared>>)
      tpu.yield
    }) : () -> ()
    %mul3A_13 = arith.constant 640 : i32
    %mul3A_14 = arith.muli %arg1, %mul3A_13 : i32
    %add3A_15 = arith.constant 192 : i32
    %add3A_16 = arith.addi %mul3A_14, %add3A_15 : i32
    "tpu.region"() ({
      %run_scoped3A = tpu.sem_alloc : memref<!tpu.dma_semaphore, #tpu.memory_space<semaphore_mem>>
      %dma_start3A = arith.constant 0 : i32
      %dma_start3A_133 = tpu.memref_slice %arg14[%add3A_16, %dma_start3A] : memref<10240x128xf32, #tpu.memory_space<vmem_shared>> -> memref<64x128xf32, #tpu.memory_space<vmem_shared>>
      %dma_start3A_134 = arith.constant 0 : i32
      %dma_start3A_135 = tpu.memref_slice %arg14[%add3A_16, %dma_start3A_134] : memref<10240x128xf32, #tpu.memory_space<vmem_shared>> -> memref<64x128xf32, #tpu.memory_space<vmem_shared>>
      tpu.enqueue_dma source(%arg13 : memref<64x128xf32, #tpu.memory_space<vmem>>) target(%dma_start3A_135 : memref<64x128xf32, #tpu.memory_space<vmem_shared>>) target_semaphore(%run_scoped3A : memref<!tpu.dma_semaphore, #tpu.memory_space<semaphore_mem>>)
      %dma_wait3A = arith.constant 0 : i32
      %dma_wait3A_136 = tpu.memref_slice %arg14[%add3A_16, %dma_wait3A] : memref<10240x128xf32, #tpu.memory_space<vmem_shared>> -> memref<64x128xf32, #tpu.memory_space<vmem_shared>>
      %dma_wait3A_137 = arith.constant 0 : i32
      %dma_wait3A_138 = tpu.memref_slice %arg14[%add3A_16, %dma_wait3A_137] : memref<10240x128xf32, #tpu.memory_space<vmem_shared>> -> memref<64x128xf32, #tpu.memory_space<vmem_shared>>
      tpu.wait_dma2 semaphore(%run_scoped3A : memref<!tpu.dma_semaphore, #tpu.memory_space<semaphore_mem>>) src(%arg13 : memref<64x128xf32, #tpu.memory_space<vmem>>) dst(%dma_wait3A_138 : memref<64x128xf32, #tpu.memory_space<vmem_shared>>)
      tpu.yield
    }) : () -> ()
    %mul3A_17 = arith.constant 640 : i32
    %mul3A_18 = arith.muli %arg1, %mul3A_17 : i32
    %add3A_19 = arith.constant 256 : i32
    %add3A_20 = arith.addi %mul3A_18, %add3A_19 : i32
    "tpu.region"() ({
      %run_scoped3A = tpu.sem_alloc : memref<!tpu.dma_semaphore, #tpu.memory_space<semaphore_mem>>
      %dma_start3A = arith.constant 0 : i32
      %dma_start3A_133 = tpu.memref_slice %arg14[%add3A_20, %dma_start3A] : memref<10240x128xf32, #tpu.memory_space<vmem_shared>> -> memref<64x128xf32, #tpu.memory_space<vmem_shared>>
      %dma_start3A_134 = arith.constant 0 : i32
      %dma_start3A_135 = tpu.memref_slice %arg14[%add3A_20, %dma_start3A_134] : memref<10240x128xf32, #tpu.memory_space<vmem_shared>> -> memref<64x128xf32, #tpu.memory_space<vmem_shared>>
      tpu.enqueue_dma source(%arg13 : memref<64x128xf32, #tpu.memory_space<vmem>>) target(%dma_start3A_135 : memref<64x128xf32, #tpu.memory_space<vmem_shared>>) target_semaphore(%run_scoped3A : memref<!tpu.dma_semaphore, #tpu.memory_space<semaphore_mem>>)
      %dma_wait3A = arith.constant 0 : i32
      %dma_wait3A_136 = tpu.memref_slice %arg14[%add3A_20, %dma_wait3A] : memref<10240x128xf32, #tpu.memory_space<vmem_shared>> -> memref<64x128xf32, #tpu.memory_space<vmem_shared>>
      %dma_wait3A_137 = arith.constant 0 : i32
      %dma_wait3A_138 = tpu.memref_slice %arg14[%add3A_20, %dma_wait3A_137] : memref<10240x128xf32, #tpu.memory_space<vmem_shared>> -> memref<64x128xf32, #tpu.memory_space<vmem_shared>>
      tpu.wait_dma2 semaphore(%run_scoped3A : memref<!tpu.dma_semaphore, #tpu.memory_space<semaphore_mem>>) src(%arg13 : memref<64x128xf32, #tpu.memory_space<vmem>>) dst(%dma_wait3A_138 : memref<64x128xf32, #tpu.memory_space<vmem_shared>>)
      tpu.yield
    }) : () -> ()
    %mul3A_21 = arith.constant 640 : i32
    %mul3A_22 = arith.muli %arg1, %mul3A_21 : i32
    %add3A_23 = arith.constant 320 : i32
    %add3A_24 = arith.addi %mul3A_22, %add3A_23 : i32
    "tpu.region"() ({
      %run_scoped3A = tpu.sem_alloc : memref<!tpu.dma_semaphore, #tpu.memory_space<semaphore_mem>>
      %dma_start3A = arith.constant 0 : i32
      %dma_start3A_133 = tpu.memref_slice %arg14[%add3A_24, %dma_start3A] : memref<10240x128xf32, #tpu.memory_space<vmem_shared>> -> memref<64x128xf32, #tpu.memory_space<vmem_shared>>
      %dma_start3A_134 = arith.constant 0 : i32
      %dma_start3A_135 = tpu.memref_slice %arg14[%add3A_24, %dma_start3A_134] : memref<10240x128xf32, #tpu.memory_space<vmem_shared>> -> memref<64x128xf32, #tpu.memory_space<vmem_shared>>
      tpu.enqueue_dma source(%arg13 : memref<64x128xf32, #tpu.memory_space<vmem>>) target(%dma_start3A_135 : memref<64x128xf32, #tpu.memory_space<vmem_shared>>) target_semaphore(%run_scoped3A : memref<!tpu.dma_semaphore, #tpu.memory_space<semaphore_mem>>)
      %dma_wait3A = arith.constant 0 : i32
      %dma_wait3A_136 = tpu.memref_slice %arg14[%add3A_24, %dma_wait3A] : memref<10240x128xf32, #tpu.memory_space<vmem_shared>> -> memref<64x128xf32, #tpu.memory_space<vmem_shared>>
      %dma_wait3A_137 = arith.constant 0 : i32
      %dma_wait3A_138 = tpu.memref_slice %arg14[%add3A_24, %dma_wait3A_137] : memref<10240x128xf32, #tpu.memory_space<vmem_shared>> -> memref<64x128xf32, #tpu.memory_space<vmem_shared>>
      tpu.wait_dma2 semaphore(%run_scoped3A : memref<!tpu.dma_semaphore, #tpu.memory_space<semaphore_mem>>) src(%arg13 : memref<64x128xf32, #tpu.memory_space<vmem>>) dst(%dma_wait3A_138 : memref<64x128xf32, #tpu.memory_space<vmem_shared>>)
      tpu.yield
    }) : () -> ()
    %mul3A_25 = arith.constant 640 : i32
    %mul3A_26 = arith.muli %arg1, %mul3A_25 : i32
    %add3A_27 = arith.constant 384 : i32
    %add3A_28 = arith.addi %mul3A_26, %add3A_27 : i32
    "tpu.region"() ({
      %run_scoped3A = tpu.sem_alloc : memref<!tpu.dma_semaphore, #tpu.memory_space<semaphore_mem>>
      %dma_start3A = arith.constant 0 : i32
      %dma_start3A_133 = tpu.memref_slice %arg14[%add3A_28, %dma_start3A] : memref<10240x128xf32, #tpu.memory_space<vmem_shared>> -> memref<64x128xf32, #tpu.memory_space<vmem_shared>>
      %dma_start3A_134 = arith.constant 0 : i32
      %dma_start3A_135 = tpu.memref_slice %arg14[%add3A_28, %dma_start3A_134] : memref<10240x128xf32, #tpu.memory_space<vmem_shared>> -> memref<64x128xf32, #tpu.memory_space<vmem_shared>>
      tpu.enqueue_dma source(%arg13 : memref<64x128xf32, #tpu.memory_space<vmem>>) target(%dma_start3A_135 : memref<64x128xf32, #tpu.memory_space<vmem_shared>>) target_semaphore(%run_scoped3A : memref<!tpu.dma_semaphore, #tpu.memory_space<semaphore_mem>>)
      %dma_wait3A = arith.constant 0 : i32
      %dma_wait3A_136 = tpu.memref_slice %arg14[%add3A_28, %dma_wait3A] : memref<10240x128xf32, #tpu.memory_space<vmem_shared>> -> memref<64x128xf32, #tpu.memory_space<vmem_shared>>
      %dma_wait3A_137 = arith.constant 0 : i32
      %dma_wait3A_138 = tpu.memref_slice %arg14[%add3A_28, %dma_wait3A_137] : memref<10240x128xf32, #tpu.memory_space<vmem_shared>> -> memref<64x128xf32, #tpu.memory_space<vmem_shared>>
      tpu.wait_dma2 semaphore(%run_scoped3A : memref<!tpu.dma_semaphore, #tpu.memory_space<semaphore_mem>>) src(%arg13 : memref<64x128xf32, #tpu.memory_space<vmem>>) dst(%dma_wait3A_138 : memref<64x128xf32, #tpu.memory_space<vmem_shared>>)
      tpu.yield
    }) : () -> ()
    %mul3A_29 = arith.constant 640 : i32
    %mul3A_30 = arith.muli %arg1, %mul3A_29 : i32
    %add3A_31 = arith.constant 448 : i32
    %add3A_32 = arith.addi %mul3A_30, %add3A_31 : i32
    "tpu.region"() ({
      %run_scoped3A = tpu.sem_alloc : memref<!tpu.dma_semaphore, #tpu.memory_space<semaphore_mem>>
      %dma_start3A = arith.constant 0 : i32
      %dma_start3A_133 = tpu.memref_slice %arg14[%add3A_32, %dma_start3A] : memref<10240x128xf32, #tpu.memory_space<vmem_shared>> -> memref<64x128xf32, #tpu.memory_space<vmem_shared>>
      %dma_start3A_134 = arith.constant 0 : i32
      %dma_start3A_135 = tpu.memref_slice %arg14[%add3A_32, %dma_start3A_134] : memref<10240x128xf32, #tpu.memory_space<vmem_shared>> -> memref<64x128xf32, #tpu.memory_space<vmem_shared>>
      tpu.enqueue_dma source(%arg13 : memref<64x128xf32, #tpu.memory_space<vmem>>) target(%dma_start3A_135 : memref<64x128xf32, #tpu.memory_space<vmem_shared>>) target_semaphore(%run_scoped3A : memref<!tpu.dma_semaphore, #tpu.memory_space<semaphore_mem>>)
      %dma_wait3A = arith.constant 0 : i32
      %dma_wait3A_136 = tpu.memref_slice %arg14[%add3A_32, %dma_wait3A] : memref<10240x128xf32, #tpu.memory_space<vmem_shared>> -> memref<64x128xf32, #tpu.memory_space<vmem_shared>>
      %dma_wait3A_137 = arith.constant 0 : i32
      %dma_wait3A_138 = tpu.memref_slice %arg14[%add3A_32, %dma_wait3A_137] : memref<10240x128xf32, #tpu.memory_space<vmem_shared>> -> memref<64x128xf32, #tpu.memory_space<vmem_shared>>
      tpu.wait_dma2 semaphore(%run_scoped3A : memref<!tpu.dma_semaphore, #tpu.memory_space<semaphore_mem>>) src(%arg13 : memref<64x128xf32, #tpu.memory_space<vmem>>) dst(%dma_wait3A_138 : memref<64x128xf32, #tpu.memory_space<vmem_shared>>)
      tpu.yield
    }) : () -> ()
    %mul3A_33 = arith.constant 640 : i32
    %mul3A_34 = arith.muli %arg1, %mul3A_33 : i32
    %add3A_35 = arith.constant 512 : i32
    %add3A_36 = arith.addi %mul3A_34, %add3A_35 : i32
    "tpu.region"() ({
      %run_scoped3A = tpu.sem_alloc : memref<!tpu.dma_semaphore, #tpu.memory_space<semaphore_mem>>
      %dma_start3A = arith.constant 0 : i32
      %dma_start3A_133 = tpu.memref_slice %arg14[%add3A_36, %dma_start3A] : memref<10240x128xf32, #tpu.memory_space<vmem_shared>> -> memref<64x128xf32, #tpu.memory_space<vmem_shared>>
      %dma_start3A_134 = arith.constant 0 : i32
      %dma_start3A_135 = tpu.memref_slice %arg14[%add3A_36, %dma_start3A_134] : memref<10240x128xf32, #tpu.memory_space<vmem_shared>> -> memref<64x128xf32, #tpu.memory_space<vmem_shared>>
      tpu.enqueue_dma source(%arg13 : memref<64x128xf32, #tpu.memory_space<vmem>>) target(%dma_start3A_135 : memref<64x128xf32, #tpu.memory_space<vmem_shared>>) target_semaphore(%run_scoped3A : memref<!tpu.dma_semaphore, #tpu.memory_space<semaphore_mem>>)
      %dma_wait3A = arith.constant 0 : i32
      %dma_wait3A_136 = tpu.memref_slice %arg14[%add3A_36, %dma_wait3A] : memref<10240x128xf32, #tpu.memory_space<vmem_shared>> -> memref<64x128xf32, #tpu.memory_space<vmem_shared>>
      %dma_wait3A_137 = arith.constant 0 : i32
      %dma_wait3A_138 = tpu.memref_slice %arg14[%add3A_36, %dma_wait3A_137] : memref<10240x128xf32, #tpu.memory_space<vmem_shared>> -> memref<64x128xf32, #tpu.memory_space<vmem_shared>>
      tpu.wait_dma2 semaphore(%run_scoped3A : memref<!tpu.dma_semaphore, #tpu.memory_space<semaphore_mem>>) src(%arg13 : memref<64x128xf32, #tpu.memory_space<vmem>>) dst(%dma_wait3A_138 : memref<64x128xf32, #tpu.memory_space<vmem_shared>>)
      tpu.yield
    }) : () -> ()
    %mul3A_37 = arith.constant 640 : i32
    %mul3A_38 = arith.muli %arg1, %mul3A_37 : i32
    %add3A_39 = arith.constant 576 : i32
    %add3A_40 = arith.addi %mul3A_38, %add3A_39 : i32
    "tpu.region"() ({
      %run_scoped3A = tpu.sem_alloc : memref<!tpu.dma_semaphore, #tpu.memory_space<semaphore_mem>>
      %dma_start3A = arith.constant 0 : i32
      %dma_start3A_133 = tpu.memref_slice %arg14[%add3A_40, %dma_start3A] : memref<10240x128xf32, #tpu.memory_space<vmem_shared>> -> memref<64x128xf32, #tpu.memory_space<vmem_shared>>
      %dma_start3A_134 = arith.constant 0 : i32
      %dma_start3A_135 = tpu.memref_slice %arg14[%add3A_40, %dma_start3A_134] : memref<10240x128xf32, #tpu.memory_space<vmem_shared>> -> memref<64x128xf32, #tpu.memory_space<vmem_shared>>
      tpu.enqueue_dma source(%arg13 : memref<64x128xf32, #tpu.memory_space<vmem>>) target(%dma_start3A_135 : memref<64x128xf32, #tpu.memory_space<vmem_shared>>) target_semaphore(%run_scoped3A : memref<!tpu.dma_semaphore, #tpu.memory_space<semaphore_mem>>)
      %dma_wait3A = arith.constant 0 : i32
      %dma_wait3A_136 = tpu.memref_slice %arg14[%add3A_40, %dma_wait3A] : memref<10240x128xf32, #tpu.memory_space<vmem_shared>> -> memref<64x128xf32, #tpu.memory_space<vmem_shared>>
      %dma_wait3A_137 = arith.constant 0 : i32
      %dma_wait3A_138 = tpu.memref_slice %arg14[%add3A_40, %dma_wait3A_137] : memref<10240x128xf32, #tpu.memory_space<vmem_shared>> -> memref<64x128xf32, #tpu.memory_space<vmem_shared>>
      tpu.wait_dma2 semaphore(%run_scoped3A : memref<!tpu.dma_semaphore, #tpu.memory_space<semaphore_mem>>) src(%arg13 : memref<64x128xf32, #tpu.memory_space<vmem>>) dst(%dma_wait3A_138 : memref<64x128xf32, #tpu.memory_space<vmem_shared>>)
      tpu.yield
    }) : () -> ()
    "tpu.region"() ({
      %run_scoped3A = tpu.sem_alloc : memref<!tpu.dma_semaphore, #tpu.memory_space<semaphore_mem>>
      tpu.enqueue_dma source(%arg6 : memref<640xf32, #tpu.memory_space<hbm>>) target(%arg16 : memref<640xf32, #tpu.memory_space<vmem>>) target_semaphore(%run_scoped3A : memref<!tpu.dma_semaphore, #tpu.memory_space<semaphore_mem>>)
      tpu.wait_dma2 semaphore(%run_scoped3A : memref<!tpu.dma_semaphore, #tpu.memory_space<semaphore_mem>>) src(%arg6 : memref<640xf32, #tpu.memory_space<hbm>>) dst(%arg16 : memref<640xf32, #tpu.memory_space<vmem>>)
      tpu.yield
    }) : () -> ()
    %mul3A_41 = arith.constant 640 : i32
    %mul3A_42 = arith.muli %arg1, %mul3A_41 : i32
    "tpu.region"() ({
      %run_scoped3A = tpu.sem_alloc : memref<!tpu.dma_semaphore, #tpu.memory_space<semaphore_mem>>
      %dma_start3A = tpu.memref_slice %arg18[%mul3A_42] : memref<10240xf32, #tpu.memory_space<vmem_shared>> -> memref<640xf32, #tpu.memory_space<vmem_shared>>
      %dma_start3A_133 = tpu.memref_slice %arg18[%mul3A_42] : memref<10240xf32, #tpu.memory_space<vmem_shared>> -> memref<640xf32, #tpu.memory_space<vmem_shared>>
      tpu.enqueue_dma source(%arg16 : memref<640xf32, #tpu.memory_space<vmem>>) target(%dma_start3A_133 : memref<640xf32, #tpu.memory_space<vmem_shared>>) target_semaphore(%run_scoped3A : memref<!tpu.dma_semaphore, #tpu.memory_space<semaphore_mem>>)
      %dma_wait3A = tpu.memref_slice %arg18[%mul3A_42] : memref<10240xf32, #tpu.memory_space<vmem_shared>> -> memref<640xf32, #tpu.memory_space<vmem_shared>>
      %dma_wait3A_134 = tpu.memref_slice %arg18[%mul3A_42] : memref<10240xf32, #tpu.memory_space<vmem_shared>> -> memref<640xf32, #tpu.memory_space<vmem_shared>>
      tpu.wait_dma2 semaphore(%run_scoped3A : memref<!tpu.dma_semaphore, #tpu.memory_space<semaphore_mem>>) src(%arg16 : memref<640xf32, #tpu.memory_space<vmem>>) dst(%dma_wait3A_134 : memref<640xf32, #tpu.memory_space<vmem_shared>>)
      tpu.yield
    }) : () -> ()
    "tpu.region"() ({
      %run_scoped3A = tpu.sem_alloc : memref<!tpu.dma_semaphore, #tpu.memory_space<semaphore_mem>>
      tpu.enqueue_dma source(%arg7 : memref<128xf32, #tpu.memory_space<hbm>>) target(%arg17 : memref<128xf32, #tpu.memory_space<vmem>>) target_semaphore(%run_scoped3A : memref<!tpu.dma_semaphore, #tpu.memory_space<semaphore_mem>>)
      tpu.wait_dma2 semaphore(%run_scoped3A : memref<!tpu.dma_semaphore, #tpu.memory_space<semaphore_mem>>) src(%arg7 : memref<128xf32, #tpu.memory_space<hbm>>) dst(%arg17 : memref<128xf32, #tpu.memory_space<vmem>>)
      tpu.yield
    }) : () -> ()
    %barrier3A = arith.constant 0 : index
    tpu.barrier barrier_id(%barrier3A)
    %scan3A = arith.constant 0 : i32
    %scan3A_43 = arith.constant 0 : i32
    %scan3A_44 = arith.constant 79 : i32
    %scan3A_45 = arith.addi %scan3A_43, %scan3A_44 : i32
    %scan3A_46 = arith.constant 1 : i32
    scf.for %scan3A_133 = %scan3A_43 to %scan3A_45 step %scan3A_46  : i32 {
      %dma_start3A = arith.constant 0 : i32
      %dma_start3A_134 = tpu.memref_slice %arg10[%scan3A_133, %dma_start3A] : memref<79x128xi32, #tpu.memory_space<vmem>> -> memref<1x128xi32, #tpu.memory_space<vmem>>
      %dma_start3A_135 = tpu.memref_squeeze %dma_start3A_134 : memref<1x128xi32, #tpu.memory_space<vmem>> -> memref<128xi32, #tpu.memory_space<vmem>>
      %dma_start3A_136 = arith.constant 0 : i32
      %dma_start3A_137 = arith.constant 0 : i32
      %dma_start3A_138 = tpu.memref_slice %arg2[%dma_start3A_136, %dma_start3A_137] : memref<10000x128xf32, #tpu.memory_space<hbm>> -> memref<10000x128xf32, #tpu.memory_space<hbm>>
      tpu.enqueue_indirect_dma source(%dma_start3A_138 : memref<10000x128xf32, #tpu.memory_space<hbm>>) target(%arg12 : memref<128x128xf32, #tpu.memory_space<vmem>>) offsets(%dma_start3A_135 : memref<128xi32, #tpu.memory_space<vmem>>) semaphore(%arg15 : memref<!tpu.dma_semaphore, #tpu.memory_space<semaphore_mem>>)
      %dma_wait3A = arith.constant 0 : i32
      %dma_wait3A_139 = tpu.memref_slice %arg10[%scan3A_133, %dma_wait3A] : memref<79x128xi32, #tpu.memory_space<vmem>> -> memref<1x128xi32, #tpu.memory_space<vmem>>
      %dma_wait3A_140 = tpu.memref_squeeze %dma_wait3A_139 : memref<1x128xi32, #tpu.memory_space<vmem>> -> memref<128xi32, #tpu.memory_space<vmem>>
      %dma_wait3A_141 = arith.constant 0 : i32
      %dma_wait3A_142 = arith.constant 0 : i32
      %dma_wait3A_143 = tpu.memref_slice %arg2[%dma_wait3A_141, %dma_wait3A_142] : memref<10000x128xf32, #tpu.memory_space<hbm>> -> memref<10000x128xf32, #tpu.memory_space<hbm>>
      tpu.wait_indirect_dma semaphore(%arg15 : memref<!tpu.dma_semaphore, #tpu.memory_space<semaphore_mem>>) src(%dma_wait3A_143 : memref<10000x128xf32, #tpu.memory_space<hbm>>) dst(%arg12 : memref<128x128xf32, #tpu.memory_space<vmem>>)
      "tpu.region"() ({
        %run_scoped3A = tpu.sem_alloc : memref<!tpu.dma_semaphore, #tpu.memory_space<semaphore_mem>>
        %dma_start3A_144 = arith.constant 0 : i32
        %dma_start3A_145 = tpu.memref_slice %arg11[%scan3A_133, %dma_start3A_144] : memref<79x128xi32, #tpu.memory_space<vmem>> -> memref<1x128xi32, #tpu.memory_space<vmem>>
        %dma_start3A_146 = tpu.memref_squeeze %dma_start3A_145 : memref<1x128xi32, #tpu.memory_space<vmem>> -> memref<128xi32, #tpu.memory_space<vmem>>
        %dma_start3A_147 = arith.constant 0 : i32
        %dma_start3A_148 = arith.constant 0 : i32
        %dma_start3A_149 = tpu.memref_slice %arg14[%dma_start3A_147, %dma_start3A_148] : memref<10240x128xf32, #tpu.memory_space<vmem_shared>> -> memref<10240x128xf32, #tpu.memory_space<vmem_shared>>
        tpu.enqueue_indirect_dma source(%arg12 : memref<128x128xf32, #tpu.memory_space<vmem>>) target(%dma_start3A_149 : memref<10240x128xf32, #tpu.memory_space<vmem_shared>>) offsets(%dma_start3A_146 : memref<128xi32, #tpu.memory_space<vmem>>) semaphore(%run_scoped3A : memref<!tpu.dma_semaphore, #tpu.memory_space<semaphore_mem>>) {add = true}
        %dma_wait3A_150 = arith.constant 0 : i32
        %dma_wait3A_151 = tpu.memref_slice %arg11[%scan3A_133, %dma_wait3A_150] : memref<79x128xi32, #tpu.memory_space<vmem>> -> memref<1x128xi32, #tpu.memory_space<vmem>>
        %dma_wait3A_152 = tpu.memref_squeeze %dma_wait3A_151 : memref<1x128xi32, #tpu.memory_space<vmem>> -> memref<128xi32, #tpu.memory_space<vmem>>
        %dma_wait3A_153 = arith.constant 0 : i32
        %dma_wait3A_154 = arith.constant 0 : i32
        %dma_wait3A_155 = tpu.memref_slice %arg14[%dma_wait3A_153, %dma_wait3A_154] : memref<10240x128xf32, #tpu.memory_space<vmem_shared>> -> memref<10240x128xf32, #tpu.memory_space<vmem_shared>>
        tpu.wait_indirect_dma semaphore(%run_scoped3A : memref<!tpu.dma_semaphore, #tpu.memory_space<semaphore_mem>>) src(%arg12 : memref<128x128xf32, #tpu.memory_space<vmem>>) dst(%dma_wait3A_155 : memref<10240x128xf32, #tpu.memory_space<vmem_shared>>)
        tpu.yield
      }) : () -> ()
      "tpu.region"() ({
        %run_scoped3A = tpu.sem_alloc : memref<!tpu.dma_semaphore, #tpu.memory_space<semaphore_mem>>
        %dma_start3A_144 = arith.constant 0 : i32
        %dma_start3A_145 = tpu.memref_slice %arg11[%scan3A_133, %dma_start3A_144] : memref<79x128xi32, #tpu.memory_space<vmem>> -> memref<1x128xi32, #tpu.memory_space<vmem>>
        %dma_start3A_146 = tpu.memref_squeeze %dma_start3A_145 : memref<1x128xi32, #tpu.memory_space<vmem>> -> memref<128xi32, #tpu.memory_space<vmem>>
        %dma_start3A_147 = arith.constant 0 : i32
        %dma_start3A_148 = tpu.memref_slice %arg18[%dma_start3A_147] : memref<10240xf32, #tpu.memory_space<vmem_shared>> -> memref<10240xf32, #tpu.memory_space<vmem_shared>>
        tpu.enqueue_indirect_dma source(%arg17 : memref<128xf32, #tpu.memory_space<vmem>>) target(%dma_start3A_148 : memref<10240xf32, #tpu.memory_space<vmem_shared>>) offsets(%dma_start3A_146 : memref<128xi32, #tpu.memory_space<vmem>>) semaphore(%run_scoped3A : memref<!tpu.dma_semaphore, #tpu.memory_space<semaphore_mem>>) {add = true}
        %dma_wait3A_149 = arith.constant 0 : i32
        %dma_wait3A_150 = tpu.memref_slice %arg11[%scan3A_133, %dma_wait3A_149] : memref<79x128xi32, #tpu.memory_space<vmem>> -> memref<1x128xi32, #tpu.memory_space<vmem>>
        %dma_wait3A_151 = tpu.memref_squeeze %dma_wait3A_150 : memref<1x128xi32, #tpu.memory_space<vmem>> -> memref<128xi32, #tpu.memory_space<vmem>>
        %dma_wait3A_152 = arith.constant 0 : i32
        %dma_wait3A_153 = tpu.memref_slice %arg18[%dma_wait3A_152] : memref<10240xf32, #tpu.memory_space<vmem_shared>> -> memref<10240xf32, #tpu.memory_space<vmem_shared>>
        tpu.wait_indirect_dma semaphore(%run_scoped3A : memref<!tpu.dma_semaphore, #tpu.memory_space<semaphore_mem>>) src(%arg17 : memref<128xf32, #tpu.memory_space<vmem>>) dst(%dma_wait3A_153 : memref<10240xf32, #tpu.memory_space<vmem_shared>>)
        tpu.yield
      }) : () -> ()
    }
    %scan3A_47 = arith.constant 79 : i32
    %barrier3A_48 = arith.constant 0 : index
    tpu.barrier barrier_id(%barrier3A_48)
    %mul3A_49 = arith.constant 640 : i32
    %mul3A_50 = arith.muli %arg1, %mul3A_49 : i32
    %add3A_51 = arith.constant 0 : i32
    %add3A_52 = arith.addi %mul3A_50, %add3A_51 : i32
    "tpu.region"() ({
      %run_scoped3A = tpu.sem_alloc : memref<!tpu.dma_semaphore, #tpu.memory_space<semaphore_mem>>
      %dma_start3A = arith.constant 0 : i32
      %dma_start3A_133 = tpu.memref_slice %arg14[%add3A_52, %dma_start3A] : memref<10240x128xf32, #tpu.memory_space<vmem_shared>> -> memref<64x128xf32, #tpu.memory_space<vmem_shared>>
      %dma_start3A_134 = arith.constant 0 : i32
      %dma_start3A_135 = tpu.memref_slice %arg14[%add3A_52, %dma_start3A_134] : memref<10240x128xf32, #tpu.memory_space<vmem_shared>> -> memref<64x128xf32, #tpu.memory_space<vmem_shared>>
      tpu.enqueue_dma source(%dma_start3A_135 : memref<64x128xf32, #tpu.memory_space<vmem_shared>>) target(%arg13 : memref<64x128xf32, #tpu.memory_space<vmem>>) target_semaphore(%run_scoped3A : memref<!tpu.dma_semaphore, #tpu.memory_space<semaphore_mem>>)
      %dma_wait3A = arith.constant 0 : i32
      %dma_wait3A_136 = tpu.memref_slice %arg14[%add3A_52, %dma_wait3A] : memref<10240x128xf32, #tpu.memory_space<vmem_shared>> -> memref<64x128xf32, #tpu.memory_space<vmem_shared>>
      %dma_wait3A_137 = arith.constant 0 : i32
      %dma_wait3A_138 = tpu.memref_slice %arg14[%add3A_52, %dma_wait3A_137] : memref<10240x128xf32, #tpu.memory_space<vmem_shared>> -> memref<64x128xf32, #tpu.memory_space<vmem_shared>>
      tpu.wait_dma2 semaphore(%run_scoped3A : memref<!tpu.dma_semaphore, #tpu.memory_space<semaphore_mem>>) src(%dma_wait3A_138 : memref<64x128xf32, #tpu.memory_space<vmem_shared>>) dst(%arg13 : memref<64x128xf32, #tpu.memory_space<vmem>>)
      tpu.yield
    }) : () -> ()
    %mul3A_53 = arith.constant 640 : i32
    %mul3A_54 = arith.muli %arg1, %mul3A_53 : i32
    %add3A_55 = arith.constant 0 : i32
    %add3A_56 = arith.addi %mul3A_54, %add3A_55 : i32
    "tpu.region"() ({
      %run_scoped3A = tpu.sem_alloc : memref<!tpu.dma_semaphore, #tpu.memory_space<semaphore_mem>>
      %dma_start3A = arith.constant 0 : i32
      %dma_start3A_133 = tpu.memref_slice %arg8[%arg0, %add3A_56, %dma_start3A] : memref<2x10240x128xf32, #tpu.memory_space<hbm>> -> memref<1x64x128xf32, #tpu.memory_space<hbm>>
      %dma_start3A_134 = tpu.memref_squeeze %dma_start3A_133 : memref<1x64x128xf32, #tpu.memory_space<hbm>> -> memref<64x128xf32, #tpu.memory_space<hbm>>
      %dma_start3A_135 = arith.constant 0 : i32
      %dma_start3A_136 = tpu.memref_slice %arg8[%arg0, %add3A_56, %dma_start3A_135] : memref<2x10240x128xf32, #tpu.memory_space<hbm>> -> memref<1x64x128xf32, #tpu.memory_space<hbm>>
      %dma_start3A_137 = tpu.memref_squeeze %dma_start3A_136 : memref<1x64x128xf32, #tpu.memory_space<hbm>> -> memref<64x128xf32, #tpu.memory_space<hbm>>
      tpu.enqueue_dma source(%arg13 : memref<64x128xf32, #tpu.memory_space<vmem>>) target(%dma_start3A_137 : memref<64x128xf32, #tpu.memory_space<hbm>>) target_semaphore(%run_scoped3A : memref<!tpu.dma_semaphore, #tpu.memory_space<semaphore_mem>>)
      %dma_wait3A = arith.constant 0 : i32
      %dma_wait3A_138 = tpu.memref_slice %arg8[%arg0, %add3A_56, %dma_wait3A] : memref<2x10240x128xf32, #tpu.memory_space<hbm>> -> memref<1x64x128xf32, #tpu.memory_space<hbm>>
      %dma_wait3A_139 = tpu.memref_squeeze %dma_wait3A_138 : memref<1x64x128xf32, #tpu.memory_space<hbm>> -> memref<64x128xf32, #tpu.memory_space<hbm>>
      %dma_wait3A_140 = arith.constant 0 : i32
      %dma_wait3A_141 = tpu.memref_slice %arg8[%arg0, %add3A_56, %dma_wait3A_140] : memref<2x10240x128xf32, #tpu.memory_space<hbm>> -> memref<1x64x128xf32, #tpu.memory_space<hbm>>
      %dma_wait3A_142 = tpu.memref_squeeze %dma_wait3A_141 : memref<1x64x128xf32, #tpu.memory_space<hbm>> -> memref<64x128xf32, #tpu.memory_space<hbm>>
      tpu.wait_dma2 semaphore(%run_scoped3A : memref<!tpu.dma_semaphore, #tpu.memory_space<semaphore_mem>>) src(%arg13 : memref<64x128xf32, #tpu.memory_space<vmem>>) dst(%dma_wait3A_142 : memref<64x128xf32, #tpu.memory_space<hbm>>)
      tpu.yield
    }) : () -> ()
    %mul3A_57 = arith.constant 640 : i32
    %mul3A_58 = arith.muli %arg1, %mul3A_57 : i32
    %add3A_59 = arith.constant 64 : i32
    %add3A_60 = arith.addi %mul3A_58, %add3A_59 : i32
    "tpu.region"() ({
      %run_scoped3A = tpu.sem_alloc : memref<!tpu.dma_semaphore, #tpu.memory_space<semaphore_mem>>
      %dma_start3A = arith.constant 0 : i32
      %dma_start3A_133 = tpu.memref_slice %arg14[%add3A_60, %dma_start3A] : memref<10240x128xf32, #tpu.memory_space<vmem_shared>> -> memref<64x128xf32, #tpu.memory_space<vmem_shared>>
      %dma_start3A_134 = arith.constant 0 : i32
      %dma_start3A_135 = tpu.memref_slice %arg14[%add3A_60, %dma_start3A_134] : memref<10240x128xf32, #tpu.memory_space<vmem_shared>> -> memref<64x128xf32, #tpu.memory_space<vmem_shared>>
      tpu.enqueue_dma source(%dma_start3A_135 : memref<64x128xf32, #tpu.memory_space<vmem_shared>>) target(%arg13 : memref<64x128xf32, #tpu.memory_space<vmem>>) target_semaphore(%run_scoped3A : memref<!tpu.dma_semaphore, #tpu.memory_space<semaphore_mem>>)
      %dma_wait3A = arith.constant 0 : i32
      %dma_wait3A_136 = tpu.memref_slice %arg14[%add3A_60, %dma_wait3A] : memref<10240x128xf32, #tpu.memory_space<vmem_shared>> -> memref<64x128xf32, #tpu.memory_space<vmem_shared>>
      %dma_wait3A_137 = arith.constant 0 : i32
      %dma_wait3A_138 = tpu.memref_slice %arg14[%add3A_60, %dma_wait3A_137] : memref<10240x128xf32, #tpu.memory_space<vmem_shared>> -> memref<64x128xf32, #tpu.memory_space<vmem_shared>>
      tpu.wait_dma2 semaphore(%run_scoped3A : memref<!tpu.dma_semaphore, #tpu.memory_space<semaphore_mem>>) src(%dma_wait3A_138 : memref<64x128xf32, #tpu.memory_space<vmem_shared>>) dst(%arg13 : memref<64x128xf32, #tpu.memory_space<vmem>>)
      tpu.yield
    }) : () -> ()
    %mul3A_61 = arith.constant 640 : i32
    %mul3A_62 = arith.muli %arg1, %mul3A_61 : i32
    %add3A_63 = arith.constant 64 : i32
    %add3A_64 = arith.addi %mul3A_62, %add3A_63 : i32
    "tpu.region"() ({
      %run_scoped3A = tpu.sem_alloc : memref<!tpu.dma_semaphore, #tpu.memory_space<semaphore_mem>>
      %dma_start3A = arith.constant 0 : i32
      %dma_start3A_133 = tpu.memref_slice %arg8[%arg0, %add3A_64, %dma_start3A] : memref<2x10240x128xf32, #tpu.memory_space<hbm>> -> memref<1x64x128xf32, #tpu.memory_space<hbm>>
      %dma_start3A_134 = tpu.memref_squeeze %dma_start3A_133 : memref<1x64x128xf32, #tpu.memory_space<hbm>> -> memref<64x128xf32, #tpu.memory_space<hbm>>
      %dma_start3A_135 = arith.constant 0 : i32
      %dma_start3A_136 = tpu.memref_slice %arg8[%arg0, %add3A_64, %dma_start3A_135] : memref<2x10240x128xf32, #tpu.memory_space<hbm>> -> memref<1x64x128xf32, #tpu.memory_space<hbm>>
      %dma_start3A_137 = tpu.memref_squeeze %dma_start3A_136 : memref<1x64x128xf32, #tpu.memory_space<hbm>> -> memref<64x128xf32, #tpu.memory_space<hbm>>
      tpu.enqueue_dma source(%arg13 : memref<64x128xf32, #tpu.memory_space<vmem>>) target(%dma_start3A_137 : memref<64x128xf32, #tpu.memory_space<hbm>>) target_semaphore(%run_scoped3A : memref<!tpu.dma_semaphore, #tpu.memory_space<semaphore_mem>>)
      %dma_wait3A = arith.constant 0 : i32
      %dma_wait3A_138 = tpu.memref_slice %arg8[%arg0, %add3A_64, %dma_wait3A] : memref<2x10240x128xf32, #tpu.memory_space<hbm>> -> memref<1x64x128xf32, #tpu.memory_space<hbm>>
      %dma_wait3A_139 = tpu.memref_squeeze %dma_wait3A_138 : memref<1x64x128xf32, #tpu.memory_space<hbm>> -> memref<64x128xf32, #tpu.memory_space<hbm>>
      %dma_wait3A_140 = arith.constant 0 : i32
      %dma_wait3A_141 = tpu.memref_slice %arg8[%arg0, %add3A_64, %dma_wait3A_140] : memref<2x10240x128xf32, #tpu.memory_space<hbm>> -> memref<1x64x128xf32, #tpu.memory_space<hbm>>
      %dma_wait3A_142 = tpu.memref_squeeze %dma_wait3A_141 : memref<1x64x128xf32, #tpu.memory_space<hbm>> -> memref<64x128xf32, #tpu.memory_space<hbm>>
      tpu.wait_dma2 semaphore(%run_scoped3A : memref<!tpu.dma_semaphore, #tpu.memory_space<semaphore_mem>>) src(%arg13 : memref<64x128xf32, #tpu.memory_space<vmem>>) dst(%dma_wait3A_142 : memref<64x128xf32, #tpu.memory_space<hbm>>)
      tpu.yield
    }) : () -> ()
    %mul3A_65 = arith.constant 640 : i32
    %mul3A_66 = arith.muli %arg1, %mul3A_65 : i32
    %add3A_67 = arith.constant 128 : i32
    %add3A_68 = arith.addi %mul3A_66, %add3A_67 : i32
    "tpu.region"() ({
      %run_scoped3A = tpu.sem_alloc : memref<!tpu.dma_semaphore, #tpu.memory_space<semaphore_mem>>
      %dma_start3A = arith.constant 0 : i32
      %dma_start3A_133 = tpu.memref_slice %arg14[%add3A_68, %dma_start3A] : memref<10240x128xf32, #tpu.memory_space<vmem_shared>> -> memref<64x128xf32, #tpu.memory_space<vmem_shared>>
      %dma_start3A_134 = arith.constant 0 : i32
      %dma_start3A_135 = tpu.memref_slice %arg14[%add3A_68, %dma_start3A_134] : memref<10240x128xf32, #tpu.memory_space<vmem_shared>> -> memref<64x128xf32, #tpu.memory_space<vmem_shared>>
      tpu.enqueue_dma source(%dma_start3A_135 : memref<64x128xf32, #tpu.memory_space<vmem_shared>>) target(%arg13 : memref<64x128xf32, #tpu.memory_space<vmem>>) target_semaphore(%run_scoped3A : memref<!tpu.dma_semaphore, #tpu.memory_space<semaphore_mem>>)
      %dma_wait3A = arith.constant 0 : i32
      %dma_wait3A_136 = tpu.memref_slice %arg14[%add3A_68, %dma_wait3A] : memref<10240x128xf32, #tpu.memory_space<vmem_shared>> -> memref<64x128xf32, #tpu.memory_space<vmem_shared>>
      %dma_wait3A_137 = arith.constant 0 : i32
      %dma_wait3A_138 = tpu.memref_slice %arg14[%add3A_68, %dma_wait3A_137] : memref<10240x128xf32, #tpu.memory_space<vmem_shared>> -> memref<64x128xf32, #tpu.memory_space<vmem_shared>>
      tpu.wait_dma2 semaphore(%run_scoped3A : memref<!tpu.dma_semaphore, #tpu.memory_space<semaphore_mem>>) src(%dma_wait3A_138 : memref<64x128xf32, #tpu.memory_space<vmem_shared>>) dst(%arg13 : memref<64x128xf32, #tpu.memory_space<vmem>>)
      tpu.yield
    }) : () -> ()
    %mul3A_69 = arith.constant 640 : i32
    %mul3A_70 = arith.muli %arg1, %mul3A_69 : i32
    %add3A_71 = arith.constant 128 : i32
    %add3A_72 = arith.addi %mul3A_70, %add3A_71 : i32
    "tpu.region"() ({
      %run_scoped3A = tpu.sem_alloc : memref<!tpu.dma_semaphore, #tpu.memory_space<semaphore_mem>>
      %dma_start3A = arith.constant 0 : i32
      %dma_start3A_133 = tpu.memref_slice %arg8[%arg0, %add3A_72, %dma_start3A] : memref<2x10240x128xf32, #tpu.memory_space<hbm>> -> memref<1x64x128xf32, #tpu.memory_space<hbm>>
      %dma_start3A_134 = tpu.memref_squeeze %dma_start3A_133 : memref<1x64x128xf32, #tpu.memory_space<hbm>> -> memref<64x128xf32, #tpu.memory_space<hbm>>
      %dma_start3A_135 = arith.constant 0 : i32
      %dma_start3A_136 = tpu.memref_slice %arg8[%arg0, %add3A_72, %dma_start3A_135] : memref<2x10240x128xf32, #tpu.memory_space<hbm>> -> memref<1x64x128xf32, #tpu.memory_space<hbm>>
      %dma_start3A_137 = tpu.memref_squeeze %dma_start3A_136 : memref<1x64x128xf32, #tpu.memory_space<hbm>> -> memref<64x128xf32, #tpu.memory_space<hbm>>
      tpu.enqueue_dma source(%arg13 : memref<64x128xf32, #tpu.memory_space<vmem>>) target(%dma_start3A_137 : memref<64x128xf32, #tpu.memory_space<hbm>>) target_semaphore(%run_scoped3A : memref<!tpu.dma_semaphore, #tpu.memory_space<semaphore_mem>>)
      %dma_wait3A = arith.constant 0 : i32
      %dma_wait3A_138 = tpu.memref_slice %arg8[%arg0, %add3A_72, %dma_wait3A] : memref<2x10240x128xf32, #tpu.memory_space<hbm>> -> memref<1x64x128xf32, #tpu.memory_space<hbm>>
      %dma_wait3A_139 = tpu.memref_squeeze %dma_wait3A_138 : memref<1x64x128xf32, #tpu.memory_space<hbm>> -> memref<64x128xf32, #tpu.memory_space<hbm>>
      %dma_wait3A_140 = arith.constant 0 : i32
      %dma_wait3A_141 = tpu.memref_slice %arg8[%arg0, %add3A_72, %dma_wait3A_140] : memref<2x10240x128xf32, #tpu.memory_space<hbm>> -> memref<1x64x128xf32, #tpu.memory_space<hbm>>
      %dma_wait3A_142 = tpu.memref_squeeze %dma_wait3A_141 : memref<1x64x128xf32, #tpu.memory_space<hbm>> -> memref<64x128xf32, #tpu.memory_space<hbm>>
      tpu.wait_dma2 semaphore(%run_scoped3A : memref<!tpu.dma_semaphore, #tpu.memory_space<semaphore_mem>>) src(%arg13 : memref<64x128xf32, #tpu.memory_space<vmem>>) dst(%dma_wait3A_142 : memref<64x128xf32, #tpu.memory_space<hbm>>)
      tpu.yield
    }) : () -> ()
    %mul3A_73 = arith.constant 640 : i32
    %mul3A_74 = arith.muli %arg1, %mul3A_73 : i32
    %add3A_75 = arith.constant 192 : i32
    %add3A_76 = arith.addi %mul3A_74, %add3A_75 : i32
    "tpu.region"() ({
      %run_scoped3A = tpu.sem_alloc : memref<!tpu.dma_semaphore, #tpu.memory_space<semaphore_mem>>
      %dma_start3A = arith.constant 0 : i32
      %dma_start3A_133 = tpu.memref_slice %arg14[%add3A_76, %dma_start3A] : memref<10240x128xf32, #tpu.memory_space<vmem_shared>> -> memref<64x128xf32, #tpu.memory_space<vmem_shared>>
      %dma_start3A_134 = arith.constant 0 : i32
      %dma_start3A_135 = tpu.memref_slice %arg14[%add3A_76, %dma_start3A_134] : memref<10240x128xf32, #tpu.memory_space<vmem_shared>> -> memref<64x128xf32, #tpu.memory_space<vmem_shared>>
      tpu.enqueue_dma source(%dma_start3A_135 : memref<64x128xf32, #tpu.memory_space<vmem_shared>>) target(%arg13 : memref<64x128xf32, #tpu.memory_space<vmem>>) target_semaphore(%run_scoped3A : memref<!tpu.dma_semaphore, #tpu.memory_space<semaphore_mem>>)
      %dma_wait3A = arith.constant 0 : i32
      %dma_wait3A_136 = tpu.memref_slice %arg14[%add3A_76, %dma_wait3A] : memref<10240x128xf32, #tpu.memory_space<vmem_shared>> -> memref<64x128xf32, #tpu.memory_space<vmem_shared>>
      %dma_wait3A_137 = arith.constant 0 : i32
      %dma_wait3A_138 = tpu.memref_slice %arg14[%add3A_76, %dma_wait3A_137] : memref<10240x128xf32, #tpu.memory_space<vmem_shared>> -> memref<64x128xf32, #tpu.memory_space<vmem_shared>>
      tpu.wait_dma2 semaphore(%run_scoped3A : memref<!tpu.dma_semaphore, #tpu.memory_space<semaphore_mem>>) src(%dma_wait3A_138 : memref<64x128xf32, #tpu.memory_space<vmem_shared>>) dst(%arg13 : memref<64x128xf32, #tpu.memory_space<vmem>>)
      tpu.yield
    }) : () -> ()
    %mul3A_77 = arith.constant 640 : i32
    %mul3A_78 = arith.muli %arg1, %mul3A_77 : i32
    %add3A_79 = arith.constant 192 : i32
    %add3A_80 = arith.addi %mul3A_78, %add3A_79 : i32
    "tpu.region"() ({
      %run_scoped3A = tpu.sem_alloc : memref<!tpu.dma_semaphore, #tpu.memory_space<semaphore_mem>>
      %dma_start3A = arith.constant 0 : i32
      %dma_start3A_133 = tpu.memref_slice %arg8[%arg0, %add3A_80, %dma_start3A] : memref<2x10240x128xf32, #tpu.memory_space<hbm>> -> memref<1x64x128xf32, #tpu.memory_space<hbm>>
      %dma_start3A_134 = tpu.memref_squeeze %dma_start3A_133 : memref<1x64x128xf32, #tpu.memory_space<hbm>> -> memref<64x128xf32, #tpu.memory_space<hbm>>
      %dma_start3A_135 = arith.constant 0 : i32
      %dma_start3A_136 = tpu.memref_slice %arg8[%arg0, %add3A_80, %dma_start3A_135] : memref<2x10240x128xf32, #tpu.memory_space<hbm>> -> memref<1x64x128xf32, #tpu.memory_space<hbm>>
      %dma_start3A_137 = tpu.memref_squeeze %dma_start3A_136 : memref<1x64x128xf32, #tpu.memory_space<hbm>> -> memref<64x128xf32, #tpu.memory_space<hbm>>
      tpu.enqueue_dma source(%arg13 : memref<64x128xf32, #tpu.memory_space<vmem>>) target(%dma_start3A_137 : memref<64x128xf32, #tpu.memory_space<hbm>>) target_semaphore(%run_scoped3A : memref<!tpu.dma_semaphore, #tpu.memory_space<semaphore_mem>>)
      %dma_wait3A = arith.constant 0 : i32
      %dma_wait3A_138 = tpu.memref_slice %arg8[%arg0, %add3A_80, %dma_wait3A] : memref<2x10240x128xf32, #tpu.memory_space<hbm>> -> memref<1x64x128xf32, #tpu.memory_space<hbm>>
      %dma_wait3A_139 = tpu.memref_squeeze %dma_wait3A_138 : memref<1x64x128xf32, #tpu.memory_space<hbm>> -> memref<64x128xf32, #tpu.memory_space<hbm>>
      %dma_wait3A_140 = arith.constant 0 : i32
      %dma_wait3A_141 = tpu.memref_slice %arg8[%arg0, %add3A_80, %dma_wait3A_140] : memref<2x10240x128xf32, #tpu.memory_space<hbm>> -> memref<1x64x128xf32, #tpu.memory_space<hbm>>
      %dma_wait3A_142 = tpu.memref_squeeze %dma_wait3A_141 : memref<1x64x128xf32, #tpu.memory_space<hbm>> -> memref<64x128xf32, #tpu.memory_space<hbm>>
      tpu.wait_dma2 semaphore(%run_scoped3A : memref<!tpu.dma_semaphore, #tpu.memory_space<semaphore_mem>>) src(%arg13 : memref<64x128xf32, #tpu.memory_space<vmem>>) dst(%dma_wait3A_142 : memref<64x128xf32, #tpu.memory_space<hbm>>)
      tpu.yield
    }) : () -> ()
    %mul3A_81 = arith.constant 640 : i32
    %mul3A_82 = arith.muli %arg1, %mul3A_81 : i32
    %add3A_83 = arith.constant 256 : i32
    %add3A_84 = arith.addi %mul3A_82, %add3A_83 : i32
    "tpu.region"() ({
      %run_scoped3A = tpu.sem_alloc : memref<!tpu.dma_semaphore, #tpu.memory_space<semaphore_mem>>
      %dma_start3A = arith.constant 0 : i32
      %dma_start3A_133 = tpu.memref_slice %arg14[%add3A_84, %dma_start3A] : memref<10240x128xf32, #tpu.memory_space<vmem_shared>> -> memref<64x128xf32, #tpu.memory_space<vmem_shared>>
      %dma_start3A_134 = arith.constant 0 : i32
      %dma_start3A_135 = tpu.memref_slice %arg14[%add3A_84, %dma_start3A_134] : memref<10240x128xf32, #tpu.memory_space<vmem_shared>> -> memref<64x128xf32, #tpu.memory_space<vmem_shared>>
      tpu.enqueue_dma source(%dma_start3A_135 : memref<64x128xf32, #tpu.memory_space<vmem_shared>>) target(%arg13 : memref<64x128xf32, #tpu.memory_space<vmem>>) target_semaphore(%run_scoped3A : memref<!tpu.dma_semaphore, #tpu.memory_space<semaphore_mem>>)
      %dma_wait3A = arith.constant 0 : i32
      %dma_wait3A_136 = tpu.memref_slice %arg14[%add3A_84, %dma_wait3A] : memref<10240x128xf32, #tpu.memory_space<vmem_shared>> -> memref<64x128xf32, #tpu.memory_space<vmem_shared>>
      %dma_wait3A_137 = arith.constant 0 : i32
      %dma_wait3A_138 = tpu.memref_slice %arg14[%add3A_84, %dma_wait3A_137] : memref<10240x128xf32, #tpu.memory_space<vmem_shared>> -> memref<64x128xf32, #tpu.memory_space<vmem_shared>>
      tpu.wait_dma2 semaphore(%run_scoped3A : memref<!tpu.dma_semaphore, #tpu.memory_space<semaphore_mem>>) src(%dma_wait3A_138 : memref<64x128xf32, #tpu.memory_space<vmem_shared>>) dst(%arg13 : memref<64x128xf32, #tpu.memory_space<vmem>>)
      tpu.yield
    }) : () -> ()
    %mul3A_85 = arith.constant 640 : i32
    %mul3A_86 = arith.muli %arg1, %mul3A_85 : i32
    %add3A_87 = arith.constant 256 : i32
    %add3A_88 = arith.addi %mul3A_86, %add3A_87 : i32
    "tpu.region"() ({
      %run_scoped3A = tpu.sem_alloc : memref<!tpu.dma_semaphore, #tpu.memory_space<semaphore_mem>>
      %dma_start3A = arith.constant 0 : i32
      %dma_start3A_133 = tpu.memref_slice %arg8[%arg0, %add3A_88, %dma_start3A] : memref<2x10240x128xf32, #tpu.memory_space<hbm>> -> memref<1x64x128xf32, #tpu.memory_space<hbm>>
      %dma_start3A_134 = tpu.memref_squeeze %dma_start3A_133 : memref<1x64x128xf32, #tpu.memory_space<hbm>> -> memref<64x128xf32, #tpu.memory_space<hbm>>
      %dma_start3A_135 = arith.constant 0 : i32
      %dma_start3A_136 = tpu.memref_slice %arg8[%arg0, %add3A_88, %dma_start3A_135] : memref<2x10240x128xf32, #tpu.memory_space<hbm>> -> memref<1x64x128xf32, #tpu.memory_space<hbm>>
      %dma_start3A_137 = tpu.memref_squeeze %dma_start3A_136 : memref<1x64x128xf32, #tpu.memory_space<hbm>> -> memref<64x128xf32, #tpu.memory_space<hbm>>
      tpu.enqueue_dma source(%arg13 : memref<64x128xf32, #tpu.memory_space<vmem>>) target(%dma_start3A_137 : memref<64x128xf32, #tpu.memory_space<hbm>>) target_semaphore(%run_scoped3A : memref<!tpu.dma_semaphore, #tpu.memory_space<semaphore_mem>>)
      %dma_wait3A = arith.constant 0 : i32
      %dma_wait3A_138 = tpu.memref_slice %arg8[%arg0, %add3A_88, %dma_wait3A] : memref<2x10240x128xf32, #tpu.memory_space<hbm>> -> memref<1x64x128xf32, #tpu.memory_space<hbm>>
      %dma_wait3A_139 = tpu.memref_squeeze %dma_wait3A_138 : memref<1x64x128xf32, #tpu.memory_space<hbm>> -> memref<64x128xf32, #tpu.memory_space<hbm>>
      %dma_wait3A_140 = arith.constant 0 : i32
      %dma_wait3A_141 = tpu.memref_slice %arg8[%arg0, %add3A_88, %dma_wait3A_140] : memref<2x10240x128xf32, #tpu.memory_space<hbm>> -> memref<1x64x128xf32, #tpu.memory_space<hbm>>
      %dma_wait3A_142 = tpu.memref_squeeze %dma_wait3A_141 : memref<1x64x128xf32, #tpu.memory_space<hbm>> -> memref<64x128xf32, #tpu.memory_space<hbm>>
      tpu.wait_dma2 semaphore(%run_scoped3A : memref<!tpu.dma_semaphore, #tpu.memory_space<semaphore_mem>>) src(%arg13 : memref<64x128xf32, #tpu.memory_space<vmem>>) dst(%dma_wait3A_142 : memref<64x128xf32, #tpu.memory_space<hbm>>)
      tpu.yield
    }) : () -> ()
    %mul3A_89 = arith.constant 640 : i32
    %mul3A_90 = arith.muli %arg1, %mul3A_89 : i32
    %add3A_91 = arith.constant 320 : i32
    %add3A_92 = arith.addi %mul3A_90, %add3A_91 : i32
    "tpu.region"() ({
      %run_scoped3A = tpu.sem_alloc : memref<!tpu.dma_semaphore, #tpu.memory_space<semaphore_mem>>
      %dma_start3A = arith.constant 0 : i32
      %dma_start3A_133 = tpu.memref_slice %arg14[%add3A_92, %dma_start3A] : memref<10240x128xf32, #tpu.memory_space<vmem_shared>> -> memref<64x128xf32, #tpu.memory_space<vmem_shared>>
      %dma_start3A_134 = arith.constant 0 : i32
      %dma_start3A_135 = tpu.memref_slice %arg14[%add3A_92, %dma_start3A_134] : memref<10240x128xf32, #tpu.memory_space<vmem_shared>> -> memref<64x128xf32, #tpu.memory_space<vmem_shared>>
      tpu.enqueue_dma source(%dma_start3A_135 : memref<64x128xf32, #tpu.memory_space<vmem_shared>>) target(%arg13 : memref<64x128xf32, #tpu.memory_space<vmem>>) target_semaphore(%run_scoped3A : memref<!tpu.dma_semaphore, #tpu.memory_space<semaphore_mem>>)
      %dma_wait3A = arith.constant 0 : i32
      %dma_wait3A_136 = tpu.memref_slice %arg14[%add3A_92, %dma_wait3A] : memref<10240x128xf32, #tpu.memory_space<vmem_shared>> -> memref<64x128xf32, #tpu.memory_space<vmem_shared>>
      %dma_wait3A_137 = arith.constant 0 : i32
      %dma_wait3A_138 = tpu.memref_slice %arg14[%add3A_92, %dma_wait3A_137] : memref<10240x128xf32, #tpu.memory_space<vmem_shared>> -> memref<64x128xf32, #tpu.memory_space<vmem_shared>>
      tpu.wait_dma2 semaphore(%run_scoped3A : memref<!tpu.dma_semaphore, #tpu.memory_space<semaphore_mem>>) src(%dma_wait3A_138 : memref<64x128xf32, #tpu.memory_space<vmem_shared>>) dst(%arg13 : memref<64x128xf32, #tpu.memory_space<vmem>>)
      tpu.yield
    }) : () -> ()
    %mul3A_93 = arith.constant 640 : i32
    %mul3A_94 = arith.muli %arg1, %mul3A_93 : i32
    %add3A_95 = arith.constant 320 : i32
    %add3A_96 = arith.addi %mul3A_94, %add3A_95 : i32
    "tpu.region"() ({
      %run_scoped3A = tpu.sem_alloc : memref<!tpu.dma_semaphore, #tpu.memory_space<semaphore_mem>>
      %dma_start3A = arith.constant 0 : i32
      %dma_start3A_133 = tpu.memref_slice %arg8[%arg0, %add3A_96, %dma_start3A] : memref<2x10240x128xf32, #tpu.memory_space<hbm>> -> memref<1x64x128xf32, #tpu.memory_space<hbm>>
      %dma_start3A_134 = tpu.memref_squeeze %dma_start3A_133 : memref<1x64x128xf32, #tpu.memory_space<hbm>> -> memref<64x128xf32, #tpu.memory_space<hbm>>
      %dma_start3A_135 = arith.constant 0 : i32
      %dma_start3A_136 = tpu.memref_slice %arg8[%arg0, %add3A_96, %dma_start3A_135] : memref<2x10240x128xf32, #tpu.memory_space<hbm>> -> memref<1x64x128xf32, #tpu.memory_space<hbm>>
      %dma_start3A_137 = tpu.memref_squeeze %dma_start3A_136 : memref<1x64x128xf32, #tpu.memory_space<hbm>> -> memref<64x128xf32, #tpu.memory_space<hbm>>
      tpu.enqueue_dma source(%arg13 : memref<64x128xf32, #tpu.memory_space<vmem>>) target(%dma_start3A_137 : memref<64x128xf32, #tpu.memory_space<hbm>>) target_semaphore(%run_scoped3A : memref<!tpu.dma_semaphore, #tpu.memory_space<semaphore_mem>>)
      %dma_wait3A = arith.constant 0 : i32
      %dma_wait3A_138 = tpu.memref_slice %arg8[%arg0, %add3A_96, %dma_wait3A] : memref<2x10240x128xf32, #tpu.memory_space<hbm>> -> memref<1x64x128xf32, #tpu.memory_space<hbm>>
      %dma_wait3A_139 = tpu.memref_squeeze %dma_wait3A_138 : memref<1x64x128xf32, #tpu.memory_space<hbm>> -> memref<64x128xf32, #tpu.memory_space<hbm>>
      %dma_wait3A_140 = arith.constant 0 : i32
      %dma_wait3A_141 = tpu.memref_slice %arg8[%arg0, %add3A_96, %dma_wait3A_140] : memref<2x10240x128xf32, #tpu.memory_space<hbm>> -> memref<1x64x128xf32, #tpu.memory_space<hbm>>
      %dma_wait3A_142 = tpu.memref_squeeze %dma_wait3A_141 : memref<1x64x128xf32, #tpu.memory_space<hbm>> -> memref<64x128xf32, #tpu.memory_space<hbm>>
      tpu.wait_dma2 semaphore(%run_scoped3A : memref<!tpu.dma_semaphore, #tpu.memory_space<semaphore_mem>>) src(%arg13 : memref<64x128xf32, #tpu.memory_space<vmem>>) dst(%dma_wait3A_142 : memref<64x128xf32, #tpu.memory_space<hbm>>)
      tpu.yield
    }) : () -> ()
    %mul3A_97 = arith.constant 640 : i32
    %mul3A_98 = arith.muli %arg1, %mul3A_97 : i32
    %add3A_99 = arith.constant 384 : i32
    %add3A_100 = arith.addi %mul3A_98, %add3A_99 : i32
    "tpu.region"() ({
      %run_scoped3A = tpu.sem_alloc : memref<!tpu.dma_semaphore, #tpu.memory_space<semaphore_mem>>
      %dma_start3A = arith.constant 0 : i32
      %dma_start3A_133 = tpu.memref_slice %arg14[%add3A_100, %dma_start3A] : memref<10240x128xf32, #tpu.memory_space<vmem_shared>> -> memref<64x128xf32, #tpu.memory_space<vmem_shared>>
      %dma_start3A_134 = arith.constant 0 : i32
      %dma_start3A_135 = tpu.memref_slice %arg14[%add3A_100, %dma_start3A_134] : memref<10240x128xf32, #tpu.memory_space<vmem_shared>> -> memref<64x128xf32, #tpu.memory_space<vmem_shared>>
      tpu.enqueue_dma source(%dma_start3A_135 : memref<64x128xf32, #tpu.memory_space<vmem_shared>>) target(%arg13 : memref<64x128xf32, #tpu.memory_space<vmem>>) target_semaphore(%run_scoped3A : memref<!tpu.dma_semaphore, #tpu.memory_space<semaphore_mem>>)
      %dma_wait3A = arith.constant 0 : i32
      %dma_wait3A_136 = tpu.memref_slice %arg14[%add3A_100, %dma_wait3A] : memref<10240x128xf32, #tpu.memory_space<vmem_shared>> -> memref<64x128xf32, #tpu.memory_space<vmem_shared>>
      %dma_wait3A_137 = arith.constant 0 : i32
      %dma_wait3A_138 = tpu.memref_slice %arg14[%add3A_100, %dma_wait3A_137] : memref<10240x128xf32, #tpu.memory_space<vmem_shared>> -> memref<64x128xf32, #tpu.memory_space<vmem_shared>>
      tpu.wait_dma2 semaphore(%run_scoped3A : memref<!tpu.dma_semaphore, #tpu.memory_space<semaphore_mem>>) src(%dma_wait3A_138 : memref<64x128xf32, #tpu.memory_space<vmem_shared>>) dst(%arg13 : memref<64x128xf32, #tpu.memory_space<vmem>>)
      tpu.yield
    }) : () -> ()
    %mul3A_101 = arith.constant 640 : i32
    %mul3A_102 = arith.muli %arg1, %mul3A_101 : i32
    %add3A_103 = arith.constant 384 : i32
    %add3A_104 = arith.addi %mul3A_102, %add3A_103 : i32
    "tpu.region"() ({
      %run_scoped3A = tpu.sem_alloc : memref<!tpu.dma_semaphore, #tpu.memory_space<semaphore_mem>>
      %dma_start3A = arith.constant 0 : i32
      %dma_start3A_133 = tpu.memref_slice %arg8[%arg0, %add3A_104, %dma_start3A] : memref<2x10240x128xf32, #tpu.memory_space<hbm>> -> memref<1x64x128xf32, #tpu.memory_space<hbm>>
      %dma_start3A_134 = tpu.memref_squeeze %dma_start3A_133 : memref<1x64x128xf32, #tpu.memory_space<hbm>> -> memref<64x128xf32, #tpu.memory_space<hbm>>
      %dma_start3A_135 = arith.constant 0 : i32
      %dma_start3A_136 = tpu.memref_slice %arg8[%arg0, %add3A_104, %dma_start3A_135] : memref<2x10240x128xf32, #tpu.memory_space<hbm>> -> memref<1x64x128xf32, #tpu.memory_space<hbm>>
      %dma_start3A_137 = tpu.memref_squeeze %dma_start3A_136 : memref<1x64x128xf32, #tpu.memory_space<hbm>> -> memref<64x128xf32, #tpu.memory_space<hbm>>
      tpu.enqueue_dma source(%arg13 : memref<64x128xf32, #tpu.memory_space<vmem>>) target(%dma_start3A_137 : memref<64x128xf32, #tpu.memory_space<hbm>>) target_semaphore(%run_scoped3A : memref<!tpu.dma_semaphore, #tpu.memory_space<semaphore_mem>>)
      %dma_wait3A = arith.constant 0 : i32
      %dma_wait3A_138 = tpu.memref_slice %arg8[%arg0, %add3A_104, %dma_wait3A] : memref<2x10240x128xf32, #tpu.memory_space<hbm>> -> memref<1x64x128xf32, #tpu.memory_space<hbm>>
      %dma_wait3A_139 = tpu.memref_squeeze %dma_wait3A_138 : memref<1x64x128xf32, #tpu.memory_space<hbm>> -> memref<64x128xf32, #tpu.memory_space<hbm>>
      %dma_wait3A_140 = arith.constant 0 : i32
      %dma_wait3A_141 = tpu.memref_slice %arg8[%arg0, %add3A_104, %dma_wait3A_140] : memref<2x10240x128xf32, #tpu.memory_space<hbm>> -> memref<1x64x128xf32, #tpu.memory_space<hbm>>
      %dma_wait3A_142 = tpu.memref_squeeze %dma_wait3A_141 : memref<1x64x128xf32, #tpu.memory_space<hbm>> -> memref<64x128xf32, #tpu.memory_space<hbm>>
      tpu.wait_dma2 semaphore(%run_scoped3A : memref<!tpu.dma_semaphore, #tpu.memory_space<semaphore_mem>>) src(%arg13 : memref<64x128xf32, #tpu.memory_space<vmem>>) dst(%dma_wait3A_142 : memref<64x128xf32, #tpu.memory_space<hbm>>)
      tpu.yield
    }) : () -> ()
    %mul3A_105 = arith.constant 640 : i32
    %mul3A_106 = arith.muli %arg1, %mul3A_105 : i32
    %add3A_107 = arith.constant 448 : i32
    %add3A_108 = arith.addi %mul3A_106, %add3A_107 : i32
    "tpu.region"() ({
      %run_scoped3A = tpu.sem_alloc : memref<!tpu.dma_semaphore, #tpu.memory_space<semaphore_mem>>
      %dma_start3A = arith.constant 0 : i32
      %dma_start3A_133 = tpu.memref_slice %arg14[%add3A_108, %dma_start3A] : memref<10240x128xf32, #tpu.memory_space<vmem_shared>> -> memref<64x128xf32, #tpu.memory_space<vmem_shared>>
      %dma_start3A_134 = arith.constant 0 : i32
      %dma_start3A_135 = tpu.memref_slice %arg14[%add3A_108, %dma_start3A_134] : memref<10240x128xf32, #tpu.memory_space<vmem_shared>> -> memref<64x128xf32, #tpu.memory_space<vmem_shared>>
      tpu.enqueue_dma source(%dma_start3A_135 : memref<64x128xf32, #tpu.memory_space<vmem_shared>>) target(%arg13 : memref<64x128xf32, #tpu.memory_space<vmem>>) target_semaphore(%run_scoped3A : memref<!tpu.dma_semaphore, #tpu.memory_space<semaphore_mem>>)
      %dma_wait3A = arith.constant 0 : i32
      %dma_wait3A_136 = tpu.memref_slice %arg14[%add3A_108, %dma_wait3A] : memref<10240x128xf32, #tpu.memory_space<vmem_shared>> -> memref<64x128xf32, #tpu.memory_space<vmem_shared>>
      %dma_wait3A_137 = arith.constant 0 : i32
      %dma_wait3A_138 = tpu.memref_slice %arg14[%add3A_108, %dma_wait3A_137] : memref<10240x128xf32, #tpu.memory_space<vmem_shared>> -> memref<64x128xf32, #tpu.memory_space<vmem_shared>>
      tpu.wait_dma2 semaphore(%run_scoped3A : memref<!tpu.dma_semaphore, #tpu.memory_space<semaphore_mem>>) src(%dma_wait3A_138 : memref<64x128xf32, #tpu.memory_space<vmem_shared>>) dst(%arg13 : memref<64x128xf32, #tpu.memory_space<vmem>>)
      tpu.yield
    }) : () -> ()
    %mul3A_109 = arith.constant 640 : i32
    %mul3A_110 = arith.muli %arg1, %mul3A_109 : i32
    %add3A_111 = arith.constant 448 : i32
    %add3A_112 = arith.addi %mul3A_110, %add3A_111 : i32
    "tpu.region"() ({
      %run_scoped3A = tpu.sem_alloc : memref<!tpu.dma_semaphore, #tpu.memory_space<semaphore_mem>>
      %dma_start3A = arith.constant 0 : i32
      %dma_start3A_133 = tpu.memref_slice %arg8[%arg0, %add3A_112, %dma_start3A] : memref<2x10240x128xf32, #tpu.memory_space<hbm>> -> memref<1x64x128xf32, #tpu.memory_space<hbm>>
      %dma_start3A_134 = tpu.memref_squeeze %dma_start3A_133 : memref<1x64x128xf32, #tpu.memory_space<hbm>> -> memref<64x128xf32, #tpu.memory_space<hbm>>
      %dma_start3A_135 = arith.constant 0 : i32
      %dma_start3A_136 = tpu.memref_slice %arg8[%arg0, %add3A_112, %dma_start3A_135] : memref<2x10240x128xf32, #tpu.memory_space<hbm>> -> memref<1x64x128xf32, #tpu.memory_space<hbm>>
      %dma_start3A_137 = tpu.memref_squeeze %dma_start3A_136 : memref<1x64x128xf32, #tpu.memory_space<hbm>> -> memref<64x128xf32, #tpu.memory_space<hbm>>
      tpu.enqueue_dma source(%arg13 : memref<64x128xf32, #tpu.memory_space<vmem>>) target(%dma_start3A_137 : memref<64x128xf32, #tpu.memory_space<hbm>>) target_semaphore(%run_scoped3A : memref<!tpu.dma_semaphore, #tpu.memory_space<semaphore_mem>>)
      %dma_wait3A = arith.constant 0 : i32
      %dma_wait3A_138 = tpu.memref_slice %arg8[%arg0, %add3A_112, %dma_wait3A] : memref<2x10240x128xf32, #tpu.memory_space<hbm>> -> memref<1x64x128xf32, #tpu.memory_space<hbm>>
      %dma_wait3A_139 = tpu.memref_squeeze %dma_wait3A_138 : memref<1x64x128xf32, #tpu.memory_space<hbm>> -> memref<64x128xf32, #tpu.memory_space<hbm>>
      %dma_wait3A_140 = arith.constant 0 : i32
      %dma_wait3A_141 = tpu.memref_slice %arg8[%arg0, %add3A_112, %dma_wait3A_140] : memref<2x10240x128xf32, #tpu.memory_space<hbm>> -> memref<1x64x128xf32, #tpu.memory_space<hbm>>
      %dma_wait3A_142 = tpu.memref_squeeze %dma_wait3A_141 : memref<1x64x128xf32, #tpu.memory_space<hbm>> -> memref<64x128xf32, #tpu.memory_space<hbm>>
      tpu.wait_dma2 semaphore(%run_scoped3A : memref<!tpu.dma_semaphore, #tpu.memory_space<semaphore_mem>>) src(%arg13 : memref<64x128xf32, #tpu.memory_space<vmem>>) dst(%dma_wait3A_142 : memref<64x128xf32, #tpu.memory_space<hbm>>)
      tpu.yield
    }) : () -> ()
    %mul3A_113 = arith.constant 640 : i32
    %mul3A_114 = arith.muli %arg1, %mul3A_113 : i32
    %add3A_115 = arith.constant 512 : i32
    %add3A_116 = arith.addi %mul3A_114, %add3A_115 : i32
    "tpu.region"() ({
      %run_scoped3A = tpu.sem_alloc : memref<!tpu.dma_semaphore, #tpu.memory_space<semaphore_mem>>
      %dma_start3A = arith.constant 0 : i32
      %dma_start3A_133 = tpu.memref_slice %arg14[%add3A_116, %dma_start3A] : memref<10240x128xf32, #tpu.memory_space<vmem_shared>> -> memref<64x128xf32, #tpu.memory_space<vmem_shared>>
      %dma_start3A_134 = arith.constant 0 : i32
      %dma_start3A_135 = tpu.memref_slice %arg14[%add3A_116, %dma_start3A_134] : memref<10240x128xf32, #tpu.memory_space<vmem_shared>> -> memref<64x128xf32, #tpu.memory_space<vmem_shared>>
      tpu.enqueue_dma source(%dma_start3A_135 : memref<64x128xf32, #tpu.memory_space<vmem_shared>>) target(%arg13 : memref<64x128xf32, #tpu.memory_space<vmem>>) target_semaphore(%run_scoped3A : memref<!tpu.dma_semaphore, #tpu.memory_space<semaphore_mem>>)
      %dma_wait3A = arith.constant 0 : i32
      %dma_wait3A_136 = tpu.memref_slice %arg14[%add3A_116, %dma_wait3A] : memref<10240x128xf32, #tpu.memory_space<vmem_shared>> -> memref<64x128xf32, #tpu.memory_space<vmem_shared>>
      %dma_wait3A_137 = arith.constant 0 : i32
      %dma_wait3A_138 = tpu.memref_slice %arg14[%add3A_116, %dma_wait3A_137] : memref<10240x128xf32, #tpu.memory_space<vmem_shared>> -> memref<64x128xf32, #tpu.memory_space<vmem_shared>>
      tpu.wait_dma2 semaphore(%run_scoped3A : memref<!tpu.dma_semaphore, #tpu.memory_space<semaphore_mem>>) src(%dma_wait3A_138 : memref<64x128xf32, #tpu.memory_space<vmem_shared>>) dst(%arg13 : memref<64x128xf32, #tpu.memory_space<vmem>>)
      tpu.yield
    }) : () -> ()
    %mul3A_117 = arith.constant 640 : i32
    %mul3A_118 = arith.muli %arg1, %mul3A_117 : i32
    %add3A_119 = arith.constant 512 : i32
    %add3A_120 = arith.addi %mul3A_118, %add3A_119 : i32
    "tpu.region"() ({
      %run_scoped3A = tpu.sem_alloc : memref<!tpu.dma_semaphore, #tpu.memory_space<semaphore_mem>>
      %dma_start3A = arith.constant 0 : i32
      %dma_start3A_133 = tpu.memref_slice %arg8[%arg0, %add3A_120, %dma_start3A] : memref<2x10240x128xf32, #tpu.memory_space<hbm>> -> memref<1x64x128xf32, #tpu.memory_space<hbm>>
      %dma_start3A_134 = tpu.memref_squeeze %dma_start3A_133 : memref<1x64x128xf32, #tpu.memory_space<hbm>> -> memref<64x128xf32, #tpu.memory_space<hbm>>
      %dma_start3A_135 = arith.constant 0 : i32
      %dma_start3A_136 = tpu.memref_slice %arg8[%arg0, %add3A_120, %dma_start3A_135] : memref<2x10240x128xf32, #tpu.memory_space<hbm>> -> memref<1x64x128xf32, #tpu.memory_space<hbm>>
      %dma_start3A_137 = tpu.memref_squeeze %dma_start3A_136 : memref<1x64x128xf32, #tpu.memory_space<hbm>> -> memref<64x128xf32, #tpu.memory_space<hbm>>
      tpu.enqueue_dma source(%arg13 : memref<64x128xf32, #tpu.memory_space<vmem>>) target(%dma_start3A_137 : memref<64x128xf32, #tpu.memory_space<hbm>>) target_semaphore(%run_scoped3A : memref<!tpu.dma_semaphore, #tpu.memory_space<semaphore_mem>>)
      %dma_wait3A = arith.constant 0 : i32
      %dma_wait3A_138 = tpu.memref_slice %arg8[%arg0, %add3A_120, %dma_wait3A] : memref<2x10240x128xf32, #tpu.memory_space<hbm>> -> memref<1x64x128xf32, #tpu.memory_space<hbm>>
      %dma_wait3A_139 = tpu.memref_squeeze %dma_wait3A_138 : memref<1x64x128xf32, #tpu.memory_space<hbm>> -> memref<64x128xf32, #tpu.memory_space<hbm>>
      %dma_wait3A_140 = arith.constant 0 : i32
      %dma_wait3A_141 = tpu.memref_slice %arg8[%arg0, %add3A_120, %dma_wait3A_140] : memref<2x10240x128xf32, #tpu.memory_space<hbm>> -> memref<1x64x128xf32, #tpu.memory_space<hbm>>
      %dma_wait3A_142 = tpu.memref_squeeze %dma_wait3A_141 : memref<1x64x128xf32, #tpu.memory_space<hbm>> -> memref<64x128xf32, #tpu.memory_space<hbm>>
      tpu.wait_dma2 semaphore(%run_scoped3A : memref<!tpu.dma_semaphore, #tpu.memory_space<semaphore_mem>>) src(%arg13 : memref<64x128xf32, #tpu.memory_space<vmem>>) dst(%dma_wait3A_142 : memref<64x128xf32, #tpu.memory_space<hbm>>)
      tpu.yield
    }) : () -> ()
    %mul3A_121 = arith.constant 640 : i32
    %mul3A_122 = arith.muli %arg1, %mul3A_121 : i32
    %add3A_123 = arith.constant 576 : i32
    %add3A_124 = arith.addi %mul3A_122, %add3A_123 : i32
    "tpu.region"() ({
      %run_scoped3A = tpu.sem_alloc : memref<!tpu.dma_semaphore, #tpu.memory_space<semaphore_mem>>
      %dma_start3A = arith.constant 0 : i32
      %dma_start3A_133 = tpu.memref_slice %arg14[%add3A_124, %dma_start3A] : memref<10240x128xf32, #tpu.memory_space<vmem_shared>> -> memref<64x128xf32, #tpu.memory_space<vmem_shared>>
      %dma_start3A_134 = arith.constant 0 : i32
      %dma_start3A_135 = tpu.memref_slice %arg14[%add3A_124, %dma_start3A_134] : memref<10240x128xf32, #tpu.memory_space<vmem_shared>> -> memref<64x128xf32, #tpu.memory_space<vmem_shared>>
      tpu.enqueue_dma source(%dma_start3A_135 : memref<64x128xf32, #tpu.memory_space<vmem_shared>>) target(%arg13 : memref<64x128xf32, #tpu.memory_space<vmem>>) target_semaphore(%run_scoped3A : memref<!tpu.dma_semaphore, #tpu.memory_space<semaphore_mem>>)
      %dma_wait3A = arith.constant 0 : i32
      %dma_wait3A_136 = tpu.memref_slice %arg14[%add3A_124, %dma_wait3A] : memref<10240x128xf32, #tpu.memory_space<vmem_shared>> -> memref<64x128xf32, #tpu.memory_space<vmem_shared>>
      %dma_wait3A_137 = arith.constant 0 : i32
      %dma_wait3A_138 = tpu.memref_slice %arg14[%add3A_124, %dma_wait3A_137] : memref<10240x128xf32, #tpu.memory_space<vmem_shared>> -> memref<64x128xf32, #tpu.memory_space<vmem_shared>>
      tpu.wait_dma2 semaphore(%run_scoped3A : memref<!tpu.dma_semaphore, #tpu.memory_space<semaphore_mem>>) src(%dma_wait3A_138 : memref<64x128xf32, #tpu.memory_space<vmem_shared>>) dst(%arg13 : memref<64x128xf32, #tpu.memory_space<vmem>>)
      tpu.yield
    }) : () -> ()
    %mul3A_125 = arith.constant 640 : i32
    %mul3A_126 = arith.muli %arg1, %mul3A_125 : i32
    %add3A_127 = arith.constant 576 : i32
    %add3A_128 = arith.addi %mul3A_126, %add3A_127 : i32
    "tpu.region"() ({
      %run_scoped3A = tpu.sem_alloc : memref<!tpu.dma_semaphore, #tpu.memory_space<semaphore_mem>>
      %dma_start3A = arith.constant 0 : i32
      %dma_start3A_133 = tpu.memref_slice %arg8[%arg0, %add3A_128, %dma_start3A] : memref<2x10240x128xf32, #tpu.memory_space<hbm>> -> memref<1x64x128xf32, #tpu.memory_space<hbm>>
      %dma_start3A_134 = tpu.memref_squeeze %dma_start3A_133 : memref<1x64x128xf32, #tpu.memory_space<hbm>> -> memref<64x128xf32, #tpu.memory_space<hbm>>
      %dma_start3A_135 = arith.constant 0 : i32
      %dma_start3A_136 = tpu.memref_slice %arg8[%arg0, %add3A_128, %dma_start3A_135] : memref<2x10240x128xf32, #tpu.memory_space<hbm>> -> memref<1x64x128xf32, #tpu.memory_space<hbm>>
      %dma_start3A_137 = tpu.memref_squeeze %dma_start3A_136 : memref<1x64x128xf32, #tpu.memory_space<hbm>> -> memref<64x128xf32, #tpu.memory_space<hbm>>
      tpu.enqueue_dma source(%arg13 : memref<64x128xf32, #tpu.memory_space<vmem>>) target(%dma_start3A_137 : memref<64x128xf32, #tpu.memory_space<hbm>>) target_semaphore(%run_scoped3A : memref<!tpu.dma_semaphore, #tpu.memory_space<semaphore_mem>>)
      %dma_wait3A = arith.constant 0 : i32
      %dma_wait3A_138 = tpu.memref_slice %arg8[%arg0, %add3A_128, %dma_wait3A] : memref<2x10240x128xf32, #tpu.memory_space<hbm>> -> memref<1x64x128xf32, #tpu.memory_space<hbm>>
      %dma_wait3A_139 = tpu.memref_squeeze %dma_wait3A_138 : memref<1x64x128xf32, #tpu.memory_space<hbm>> -> memref<64x128xf32, #tpu.memory_space<hbm>>
      %dma_wait3A_140 = arith.constant 0 : i32
      %dma_wait3A_141 = tpu.memref_slice %arg8[%arg0, %add3A_128, %dma_wait3A_140] : memref<2x10240x128xf32, #tpu.memory_space<hbm>> -> memref<1x64x128xf32, #tpu.memory_space<hbm>>
      %dma_wait3A_142 = tpu.memref_squeeze %dma_wait3A_141 : memref<1x64x128xf32, #tpu.memory_space<hbm>> -> memref<64x128xf32, #tpu.memory_space<hbm>>
      tpu.wait_dma2 semaphore(%run_scoped3A : memref<!tpu.dma_semaphore, #tpu.memory_space<semaphore_mem>>) src(%arg13 : memref<64x128xf32, #tpu.memory_space<vmem>>) dst(%dma_wait3A_142 : memref<64x128xf32, #tpu.memory_space<hbm>>)
      tpu.yield
    }) : () -> ()
    %mul3A_129 = arith.constant 640 : i32
    %mul3A_130 = arith.muli %arg1, %mul3A_129 : i32
    "tpu.region"() ({
      %run_scoped3A = tpu.sem_alloc : memref<!tpu.dma_semaphore, #tpu.memory_space<semaphore_mem>>
      %dma_start3A = tpu.memref_slice %arg18[%mul3A_130] : memref<10240xf32, #tpu.memory_space<vmem_shared>> -> memref<640xf32, #tpu.memory_space<vmem_shared>>
      %dma_start3A_133 = tpu.memref_slice %arg18[%mul3A_130] : memref<10240xf32, #tpu.memory_space<vmem_shared>> -> memref<640xf32, #tpu.memory_space<vmem_shared>>
      tpu.enqueue_dma source(%dma_start3A_133 : memref<640xf32, #tpu.memory_space<vmem_shared>>) target(%arg16 : memref<640xf32, #tpu.memory_space<vmem>>) target_semaphore(%run_scoped3A : memref<!tpu.dma_semaphore, #tpu.memory_space<semaphore_mem>>)
      %dma_wait3A = tpu.memref_slice %arg18[%mul3A_130] : memref<10240xf32, #tpu.memory_space<vmem_shared>> -> memref<640xf32, #tpu.memory_space<vmem_shared>>
      %dma_wait3A_134 = tpu.memref_slice %arg18[%mul3A_130] : memref<10240xf32, #tpu.memory_space<vmem_shared>> -> memref<640xf32, #tpu.memory_space<vmem_shared>>
      tpu.wait_dma2 semaphore(%run_scoped3A : memref<!tpu.dma_semaphore, #tpu.memory_space<semaphore_mem>>) src(%dma_wait3A_134 : memref<640xf32, #tpu.memory_space<vmem_shared>>) dst(%arg16 : memref<640xf32, #tpu.memory_space<vmem>>)
      tpu.yield
    }) : () -> ()
    %mul3A_131 = arith.constant 640 : i32
    %mul3A_132 = arith.muli %arg1, %mul3A_131 : i32
    "tpu.region"() ({
      %run_scoped3A = tpu.sem_alloc : memref<!tpu.dma_semaphore, #tpu.memory_space<semaphore_mem>>
      %dma_start3A = tpu.memref_slice %arg9[%arg0, %mul3A_132] : memref<2x10240xf32, #tpu.memory_space<hbm>> -> memref<1x640xf32, #tpu.memory_space<hbm>>
      %dma_start3A_133 = tpu.memref_squeeze %dma_start3A : memref<1x640xf32, #tpu.memory_space<hbm>> -> memref<640xf32, #tpu.memory_space<hbm>>
      %dma_start3A_134 = tpu.memref_slice %arg9[%arg0, %mul3A_132] : memref<2x10240xf32, #tpu.memory_space<hbm>> -> memref<1x640xf32, #tpu.memory_space<hbm>>
      %dma_start3A_135 = tpu.memref_squeeze %dma_start3A_134 : memref<1x640xf32, #tpu.memory_space<hbm>> -> memref<640xf32, #tpu.memory_space<hbm>>
      tpu.enqueue_dma source(%arg16 : memref<640xf32, #tpu.memory_space<vmem>>) target(%dma_start3A_135 : memref<640xf32, #tpu.memory_space<hbm>>) target_semaphore(%run_scoped3A : memref<!tpu.dma_semaphore, #tpu.memory_space<semaphore_mem>>)
      %dma_wait3A = tpu.memref_slice %arg9[%arg0, %mul3A_132] : memref<2x10240xf32, #tpu.memory_space<hbm>> -> memref<1x640xf32, #tpu.memory_space<hbm>>
      %dma_wait3A_136 = tpu.memref_squeeze %dma_wait3A : memref<1x640xf32, #tpu.memory_space<hbm>> -> memref<640xf32, #tpu.memory_space<hbm>>
      %dma_wait3A_137 = tpu.memref_slice %arg9[%arg0, %mul3A_132] : memref<2x10240xf32, #tpu.memory_space<hbm>> -> memref<1x640xf32, #tpu.memory_space<hbm>>
      %dma_wait3A_138 = tpu.memref_squeeze %dma_wait3A_137 : memref<1x640xf32, #tpu.memory_space<hbm>> -> memref<640xf32, #tpu.memory_space<hbm>>
      tpu.wait_dma2 semaphore(%run_scoped3A : memref<!tpu.dma_semaphore, #tpu.memory_space<semaphore_mem>>) src(%arg16 : memref<640xf32, #tpu.memory_space<vmem>>) dst(%dma_wait3A_138 : memref<640xf32, #tpu.memory_space<hbm>>)
      tpu.yield
    }) : () -> ()
    return
  }
}

#map = affine_map<(d0, d1) -> (0, 0)>
#map1 = affine_map<(d0, d1) -> (0, 0, 0)>
module attributes {stable_mosaic.version = 14 : i64} {
  func.func @body(%arg0: i32, %arg1: i32, %arg2: memref<10000x128xf32, #tpu.memory_space<hbm>>, %arg3: memref<32x79x128xi32, #tpu.memory_space<hbm>>, %arg4: memref<32x79x128xi32, #tpu.memory_space<hbm>>, %arg5: memref<64x128xf32, #tpu.memory_space<hbm>>, %arg6: memref<2x10240x128xf32, #tpu.memory_space<hbm>>, %arg7: memref<79x128xi32, #tpu.memory_space<vmem>>, %arg8: memref<79x128xi32, #tpu.memory_space<vmem>>, %arg9: memref<128x128xf32, #tpu.memory_space<vmem>>, %arg10: memref<64x128xf32, #tpu.memory_space<vmem>>, %arg11: memref<10240x128xf32, #tpu.memory_space<vmem_shared>>, %arg12: memref<!tpu.dma_semaphore, #tpu.memory_space<semaphore_mem>>) attributes {dimension_semantics = [#tpu.dimension_semantics<core_parallel>, #tpu.dimension_semantics<subcore_parallel>], iteration_bounds = array<i64: 2, 16>, scalar_prefetch = 0 : i64, scratch_operands = 6 : i64, tpu.core_type = #tpu.core_type<sc_vector_subcore>, window_params = [{transform_indices = #map}, {transform_indices = #map1}, {transform_indices = #map1}, {transform_indices = #map}, {transform_indices = #map1}]} {
    %mul3A = arith.constant 16 : i32
    %mul3A_0 = arith.muli %arg0, %mul3A : i32
    %add3A = arith.addi %mul3A_0, %arg1 : i32
    "tpu.region"() ({
      %run_scoped3A = tpu.sem_alloc : memref<!tpu.dma_semaphore, #tpu.memory_space<semaphore_mem>>
      %dma_start3A = arith.constant 0 : i32
      %dma_start3A_127 = arith.constant 0 : i32
      %dma_start3A_128 = tpu.memref_slice %arg3[%add3A, %dma_start3A, %dma_start3A_127] : memref<32x79x128xi32, #tpu.memory_space<hbm>> -> memref<1x79x128xi32, #tpu.memory_space<hbm>>
      %dma_start3A_129 = tpu.memref_squeeze %dma_start3A_128 : memref<1x79x128xi32, #tpu.memory_space<hbm>> -> memref<79x128xi32, #tpu.memory_space<hbm>>
      %dma_start3A_130 = arith.constant 0 : i32
      %dma_start3A_131 = arith.constant 0 : i32
      %dma_start3A_132 = tpu.memref_slice %arg3[%add3A, %dma_start3A_130, %dma_start3A_131] : memref<32x79x128xi32, #tpu.memory_space<hbm>> -> memref<1x79x128xi32, #tpu.memory_space<hbm>>
      %dma_start3A_133 = tpu.memref_squeeze %dma_start3A_132 : memref<1x79x128xi32, #tpu.memory_space<hbm>> -> memref<79x128xi32, #tpu.memory_space<hbm>>
      tpu.enqueue_dma source(%dma_start3A_133 : memref<79x128xi32, #tpu.memory_space<hbm>>) target(%arg7 : memref<79x128xi32, #tpu.memory_space<vmem>>) target_semaphore(%run_scoped3A : memref<!tpu.dma_semaphore, #tpu.memory_space<semaphore_mem>>)
      %dma_wait3A = arith.constant 0 : i32
      %dma_wait3A_134 = arith.constant 0 : i32
      %dma_wait3A_135 = tpu.memref_slice %arg3[%add3A, %dma_wait3A, %dma_wait3A_134] : memref<32x79x128xi32, #tpu.memory_space<hbm>> -> memref<1x79x128xi32, #tpu.memory_space<hbm>>
      %dma_wait3A_136 = tpu.memref_squeeze %dma_wait3A_135 : memref<1x79x128xi32, #tpu.memory_space<hbm>> -> memref<79x128xi32, #tpu.memory_space<hbm>>
      %dma_wait3A_137 = arith.constant 0 : i32
      %dma_wait3A_138 = arith.constant 0 : i32
      %dma_wait3A_139 = tpu.memref_slice %arg3[%add3A, %dma_wait3A_137, %dma_wait3A_138] : memref<32x79x128xi32, #tpu.memory_space<hbm>> -> memref<1x79x128xi32, #tpu.memory_space<hbm>>
      %dma_wait3A_140 = tpu.memref_squeeze %dma_wait3A_139 : memref<1x79x128xi32, #tpu.memory_space<hbm>> -> memref<79x128xi32, #tpu.memory_space<hbm>>
      tpu.wait_dma2 semaphore(%run_scoped3A : memref<!tpu.dma_semaphore, #tpu.memory_space<semaphore_mem>>) src(%dma_wait3A_140 : memref<79x128xi32, #tpu.memory_space<hbm>>) dst(%arg7 : memref<79x128xi32, #tpu.memory_space<vmem>>)
      tpu.yield
    }) : () -> ()
    "tpu.region"() ({
      %run_scoped3A = tpu.sem_alloc : memref<!tpu.dma_semaphore, #tpu.memory_space<semaphore_mem>>
      %dma_start3A = arith.constant 0 : i32
      %dma_start3A_127 = arith.constant 0 : i32
      %dma_start3A_128 = tpu.memref_slice %arg4[%add3A, %dma_start3A, %dma_start3A_127] : memref<32x79x128xi32, #tpu.memory_space<hbm>> -> memref<1x79x128xi32, #tpu.memory_space<hbm>>
      %dma_start3A_129 = tpu.memref_squeeze %dma_start3A_128 : memref<1x79x128xi32, #tpu.memory_space<hbm>> -> memref<79x128xi32, #tpu.memory_space<hbm>>
      %dma_start3A_130 = arith.constant 0 : i32
      %dma_start3A_131 = arith.constant 0 : i32
      %dma_start3A_132 = tpu.memref_slice %arg4[%add3A, %dma_start3A_130, %dma_start3A_131] : memref<32x79x128xi32, #tpu.memory_space<hbm>> -> memref<1x79x128xi32, #tpu.memory_space<hbm>>
      %dma_start3A_133 = tpu.memref_squeeze %dma_start3A_132 : memref<1x79x128xi32, #tpu.memory_space<hbm>> -> memref<79x128xi32, #tpu.memory_space<hbm>>
      tpu.enqueue_dma source(%dma_start3A_133 : memref<79x128xi32, #tpu.memory_space<hbm>>) target(%arg8 : memref<79x128xi32, #tpu.memory_space<vmem>>) target_semaphore(%run_scoped3A : memref<!tpu.dma_semaphore, #tpu.memory_space<semaphore_mem>>)
      %dma_wait3A = arith.constant 0 : i32
      %dma_wait3A_134 = arith.constant 0 : i32
      %dma_wait3A_135 = tpu.memref_slice %arg4[%add3A, %dma_wait3A, %dma_wait3A_134] : memref<32x79x128xi32, #tpu.memory_space<hbm>> -> memref<1x79x128xi32, #tpu.memory_space<hbm>>
      %dma_wait3A_136 = tpu.memref_squeeze %dma_wait3A_135 : memref<1x79x128xi32, #tpu.memory_space<hbm>> -> memref<79x128xi32, #tpu.memory_space<hbm>>
      %dma_wait3A_137 = arith.constant 0 : i32
      %dma_wait3A_138 = arith.constant 0 : i32
      %dma_wait3A_139 = tpu.memref_slice %arg4[%add3A, %dma_wait3A_137, %dma_wait3A_138] : memref<32x79x128xi32, #tpu.memory_space<hbm>> -> memref<1x79x128xi32, #tpu.memory_space<hbm>>
      %dma_wait3A_140 = tpu.memref_squeeze %dma_wait3A_139 : memref<1x79x128xi32, #tpu.memory_space<hbm>> -> memref<79x128xi32, #tpu.memory_space<hbm>>
      tpu.wait_dma2 semaphore(%run_scoped3A : memref<!tpu.dma_semaphore, #tpu.memory_space<semaphore_mem>>) src(%dma_wait3A_140 : memref<79x128xi32, #tpu.memory_space<hbm>>) dst(%arg8 : memref<79x128xi32, #tpu.memory_space<vmem>>)
      tpu.yield
    }) : () -> ()
    "tpu.region"() ({
      %run_scoped3A = tpu.sem_alloc : memref<!tpu.dma_semaphore, #tpu.memory_space<semaphore_mem>>
      tpu.enqueue_dma source(%arg5 : memref<64x128xf32, #tpu.memory_space<hbm>>) target(%arg10 : memref<64x128xf32, #tpu.memory_space<vmem>>) target_semaphore(%run_scoped3A : memref<!tpu.dma_semaphore, #tpu.memory_space<semaphore_mem>>)
      tpu.wait_dma2 semaphore(%run_scoped3A : memref<!tpu.dma_semaphore, #tpu.memory_space<semaphore_mem>>) src(%arg5 : memref<64x128xf32, #tpu.memory_space<hbm>>) dst(%arg10 : memref<64x128xf32, #tpu.memory_space<vmem>>)
      tpu.yield
    }) : () -> ()
    %mul3A_1 = arith.constant 640 : i32
    %mul3A_2 = arith.muli %arg1, %mul3A_1 : i32
    %add3A_3 = arith.constant 0 : i32
    %add3A_4 = arith.addi %mul3A_2, %add3A_3 : i32
    "tpu.region"() ({
      %run_scoped3A = tpu.sem_alloc : memref<!tpu.dma_semaphore, #tpu.memory_space<semaphore_mem>>
      %dma_start3A = arith.constant 0 : i32
      %dma_start3A_127 = tpu.memref_slice %arg11[%add3A_4, %dma_start3A] : memref<10240x128xf32, #tpu.memory_space<vmem_shared>> -> memref<64x128xf32, #tpu.memory_space<vmem_shared>>
      %dma_start3A_128 = arith.constant 0 : i32
      %dma_start3A_129 = tpu.memref_slice %arg11[%add3A_4, %dma_start3A_128] : memref<10240x128xf32, #tpu.memory_space<vmem_shared>> -> memref<64x128xf32, #tpu.memory_space<vmem_shared>>
      tpu.enqueue_dma source(%arg10 : memref<64x128xf32, #tpu.memory_space<vmem>>) target(%dma_start3A_129 : memref<64x128xf32, #tpu.memory_space<vmem_shared>>) target_semaphore(%run_scoped3A : memref<!tpu.dma_semaphore, #tpu.memory_space<semaphore_mem>>)
      %dma_wait3A = arith.constant 0 : i32
      %dma_wait3A_130 = tpu.memref_slice %arg11[%add3A_4, %dma_wait3A] : memref<10240x128xf32, #tpu.memory_space<vmem_shared>> -> memref<64x128xf32, #tpu.memory_space<vmem_shared>>
      %dma_wait3A_131 = arith.constant 0 : i32
      %dma_wait3A_132 = tpu.memref_slice %arg11[%add3A_4, %dma_wait3A_131] : memref<10240x128xf32, #tpu.memory_space<vmem_shared>> -> memref<64x128xf32, #tpu.memory_space<vmem_shared>>
      tpu.wait_dma2 semaphore(%run_scoped3A : memref<!tpu.dma_semaphore, #tpu.memory_space<semaphore_mem>>) src(%arg10 : memref<64x128xf32, #tpu.memory_space<vmem>>) dst(%dma_wait3A_132 : memref<64x128xf32, #tpu.memory_space<vmem_shared>>)
      tpu.yield
    }) : () -> ()
    %mul3A_5 = arith.constant 640 : i32
    %mul3A_6 = arith.muli %arg1, %mul3A_5 : i32
    %add3A_7 = arith.constant 64 : i32
    %add3A_8 = arith.addi %mul3A_6, %add3A_7 : i32
    "tpu.region"() ({
      %run_scoped3A = tpu.sem_alloc : memref<!tpu.dma_semaphore, #tpu.memory_space<semaphore_mem>>
      %dma_start3A = arith.constant 0 : i32
      %dma_start3A_127 = tpu.memref_slice %arg11[%add3A_8, %dma_start3A] : memref<10240x128xf32, #tpu.memory_space<vmem_shared>> -> memref<64x128xf32, #tpu.memory_space<vmem_shared>>
      %dma_start3A_128 = arith.constant 0 : i32
      %dma_start3A_129 = tpu.memref_slice %arg11[%add3A_8, %dma_start3A_128] : memref<10240x128xf32, #tpu.memory_space<vmem_shared>> -> memref<64x128xf32, #tpu.memory_space<vmem_shared>>
      tpu.enqueue_dma source(%arg10 : memref<64x128xf32, #tpu.memory_space<vmem>>) target(%dma_start3A_129 : memref<64x128xf32, #tpu.memory_space<vmem_shared>>) target_semaphore(%run_scoped3A : memref<!tpu.dma_semaphore, #tpu.memory_space<semaphore_mem>>)
      %dma_wait3A = arith.constant 0 : i32
      %dma_wait3A_130 = tpu.memref_slice %arg11[%add3A_8, %dma_wait3A] : memref<10240x128xf32, #tpu.memory_space<vmem_shared>> -> memref<64x128xf32, #tpu.memory_space<vmem_shared>>
      %dma_wait3A_131 = arith.constant 0 : i32
      %dma_wait3A_132 = tpu.memref_slice %arg11[%add3A_8, %dma_wait3A_131] : memref<10240x128xf32, #tpu.memory_space<vmem_shared>> -> memref<64x128xf32, #tpu.memory_space<vmem_shared>>
      tpu.wait_dma2 semaphore(%run_scoped3A : memref<!tpu.dma_semaphore, #tpu.memory_space<semaphore_mem>>) src(%arg10 : memref<64x128xf32, #tpu.memory_space<vmem>>) dst(%dma_wait3A_132 : memref<64x128xf32, #tpu.memory_space<vmem_shared>>)
      tpu.yield
    }) : () -> ()
    %mul3A_9 = arith.constant 640 : i32
    %mul3A_10 = arith.muli %arg1, %mul3A_9 : i32
    %add3A_11 = arith.constant 128 : i32
    %add3A_12 = arith.addi %mul3A_10, %add3A_11 : i32
    "tpu.region"() ({
      %run_scoped3A = tpu.sem_alloc : memref<!tpu.dma_semaphore, #tpu.memory_space<semaphore_mem>>
      %dma_start3A = arith.constant 0 : i32
      %dma_start3A_127 = tpu.memref_slice %arg11[%add3A_12, %dma_start3A] : memref<10240x128xf32, #tpu.memory_space<vmem_shared>> -> memref<64x128xf32, #tpu.memory_space<vmem_shared>>
      %dma_start3A_128 = arith.constant 0 : i32
      %dma_start3A_129 = tpu.memref_slice %arg11[%add3A_12, %dma_start3A_128] : memref<10240x128xf32, #tpu.memory_space<vmem_shared>> -> memref<64x128xf32, #tpu.memory_space<vmem_shared>>
      tpu.enqueue_dma source(%arg10 : memref<64x128xf32, #tpu.memory_space<vmem>>) target(%dma_start3A_129 : memref<64x128xf32, #tpu.memory_space<vmem_shared>>) target_semaphore(%run_scoped3A : memref<!tpu.dma_semaphore, #tpu.memory_space<semaphore_mem>>)
      %dma_wait3A = arith.constant 0 : i32
      %dma_wait3A_130 = tpu.memref_slice %arg11[%add3A_12, %dma_wait3A] : memref<10240x128xf32, #tpu.memory_space<vmem_shared>> -> memref<64x128xf32, #tpu.memory_space<vmem_shared>>
      %dma_wait3A_131 = arith.constant 0 : i32
      %dma_wait3A_132 = tpu.memref_slice %arg11[%add3A_12, %dma_wait3A_131] : memref<10240x128xf32, #tpu.memory_space<vmem_shared>> -> memref<64x128xf32, #tpu.memory_space<vmem_shared>>
      tpu.wait_dma2 semaphore(%run_scoped3A : memref<!tpu.dma_semaphore, #tpu.memory_space<semaphore_mem>>) src(%arg10 : memref<64x128xf32, #tpu.memory_space<vmem>>) dst(%dma_wait3A_132 : memref<64x128xf32, #tpu.memory_space<vmem_shared>>)
      tpu.yield
    }) : () -> ()
    %mul3A_13 = arith.constant 640 : i32
    %mul3A_14 = arith.muli %arg1, %mul3A_13 : i32
    %add3A_15 = arith.constant 192 : i32
    %add3A_16 = arith.addi %mul3A_14, %add3A_15 : i32
    "tpu.region"() ({
      %run_scoped3A = tpu.sem_alloc : memref<!tpu.dma_semaphore, #tpu.memory_space<semaphore_mem>>
      %dma_start3A = arith.constant 0 : i32
      %dma_start3A_127 = tpu.memref_slice %arg11[%add3A_16, %dma_start3A] : memref<10240x128xf32, #tpu.memory_space<vmem_shared>> -> memref<64x128xf32, #tpu.memory_space<vmem_shared>>
      %dma_start3A_128 = arith.constant 0 : i32
      %dma_start3A_129 = tpu.memref_slice %arg11[%add3A_16, %dma_start3A_128] : memref<10240x128xf32, #tpu.memory_space<vmem_shared>> -> memref<64x128xf32, #tpu.memory_space<vmem_shared>>
      tpu.enqueue_dma source(%arg10 : memref<64x128xf32, #tpu.memory_space<vmem>>) target(%dma_start3A_129 : memref<64x128xf32, #tpu.memory_space<vmem_shared>>) target_semaphore(%run_scoped3A : memref<!tpu.dma_semaphore, #tpu.memory_space<semaphore_mem>>)
      %dma_wait3A = arith.constant 0 : i32
      %dma_wait3A_130 = tpu.memref_slice %arg11[%add3A_16, %dma_wait3A] : memref<10240x128xf32, #tpu.memory_space<vmem_shared>> -> memref<64x128xf32, #tpu.memory_space<vmem_shared>>
      %dma_wait3A_131 = arith.constant 0 : i32
      %dma_wait3A_132 = tpu.memref_slice %arg11[%add3A_16, %dma_wait3A_131] : memref<10240x128xf32, #tpu.memory_space<vmem_shared>> -> memref<64x128xf32, #tpu.memory_space<vmem_shared>>
      tpu.wait_dma2 semaphore(%run_scoped3A : memref<!tpu.dma_semaphore, #tpu.memory_space<semaphore_mem>>) src(%arg10 : memref<64x128xf32, #tpu.memory_space<vmem>>) dst(%dma_wait3A_132 : memref<64x128xf32, #tpu.memory_space<vmem_shared>>)
      tpu.yield
    }) : () -> ()
    %mul3A_17 = arith.constant 640 : i32
    %mul3A_18 = arith.muli %arg1, %mul3A_17 : i32
    %add3A_19 = arith.constant 256 : i32
    %add3A_20 = arith.addi %mul3A_18, %add3A_19 : i32
    "tpu.region"() ({
      %run_scoped3A = tpu.sem_alloc : memref<!tpu.dma_semaphore, #tpu.memory_space<semaphore_mem>>
      %dma_start3A = arith.constant 0 : i32
      %dma_start3A_127 = tpu.memref_slice %arg11[%add3A_20, %dma_start3A] : memref<10240x128xf32, #tpu.memory_space<vmem_shared>> -> memref<64x128xf32, #tpu.memory_space<vmem_shared>>
      %dma_start3A_128 = arith.constant 0 : i32
      %dma_start3A_129 = tpu.memref_slice %arg11[%add3A_20, %dma_start3A_128] : memref<10240x128xf32, #tpu.memory_space<vmem_shared>> -> memref<64x128xf32, #tpu.memory_space<vmem_shared>>
      tpu.enqueue_dma source(%arg10 : memref<64x128xf32, #tpu.memory_space<vmem>>) target(%dma_start3A_129 : memref<64x128xf32, #tpu.memory_space<vmem_shared>>) target_semaphore(%run_scoped3A : memref<!tpu.dma_semaphore, #tpu.memory_space<semaphore_mem>>)
      %dma_wait3A = arith.constant 0 : i32
      %dma_wait3A_130 = tpu.memref_slice %arg11[%add3A_20, %dma_wait3A] : memref<10240x128xf32, #tpu.memory_space<vmem_shared>> -> memref<64x128xf32, #tpu.memory_space<vmem_shared>>
      %dma_wait3A_131 = arith.constant 0 : i32
      %dma_wait3A_132 = tpu.memref_slice %arg11[%add3A_20, %dma_wait3A_131] : memref<10240x128xf32, #tpu.memory_space<vmem_shared>> -> memref<64x128xf32, #tpu.memory_space<vmem_shared>>
      tpu.wait_dma2 semaphore(%run_scoped3A : memref<!tpu.dma_semaphore, #tpu.memory_space<semaphore_mem>>) src(%arg10 : memref<64x128xf32, #tpu.memory_space<vmem>>) dst(%dma_wait3A_132 : memref<64x128xf32, #tpu.memory_space<vmem_shared>>)
      tpu.yield
    }) : () -> ()
    %mul3A_21 = arith.constant 640 : i32
    %mul3A_22 = arith.muli %arg1, %mul3A_21 : i32
    %add3A_23 = arith.constant 320 : i32
    %add3A_24 = arith.addi %mul3A_22, %add3A_23 : i32
    "tpu.region"() ({
      %run_scoped3A = tpu.sem_alloc : memref<!tpu.dma_semaphore, #tpu.memory_space<semaphore_mem>>
      %dma_start3A = arith.constant 0 : i32
      %dma_start3A_127 = tpu.memref_slice %arg11[%add3A_24, %dma_start3A] : memref<10240x128xf32, #tpu.memory_space<vmem_shared>> -> memref<64x128xf32, #tpu.memory_space<vmem_shared>>
      %dma_start3A_128 = arith.constant 0 : i32
      %dma_start3A_129 = tpu.memref_slice %arg11[%add3A_24, %dma_start3A_128] : memref<10240x128xf32, #tpu.memory_space<vmem_shared>> -> memref<64x128xf32, #tpu.memory_space<vmem_shared>>
      tpu.enqueue_dma source(%arg10 : memref<64x128xf32, #tpu.memory_space<vmem>>) target(%dma_start3A_129 : memref<64x128xf32, #tpu.memory_space<vmem_shared>>) target_semaphore(%run_scoped3A : memref<!tpu.dma_semaphore, #tpu.memory_space<semaphore_mem>>)
      %dma_wait3A = arith.constant 0 : i32
      %dma_wait3A_130 = tpu.memref_slice %arg11[%add3A_24, %dma_wait3A] : memref<10240x128xf32, #tpu.memory_space<vmem_shared>> -> memref<64x128xf32, #tpu.memory_space<vmem_shared>>
      %dma_wait3A_131 = arith.constant 0 : i32
      %dma_wait3A_132 = tpu.memref_slice %arg11[%add3A_24, %dma_wait3A_131] : memref<10240x128xf32, #tpu.memory_space<vmem_shared>> -> memref<64x128xf32, #tpu.memory_space<vmem_shared>>
      tpu.wait_dma2 semaphore(%run_scoped3A : memref<!tpu.dma_semaphore, #tpu.memory_space<semaphore_mem>>) src(%arg10 : memref<64x128xf32, #tpu.memory_space<vmem>>) dst(%dma_wait3A_132 : memref<64x128xf32, #tpu.memory_space<vmem_shared>>)
      tpu.yield
    }) : () -> ()
    %mul3A_25 = arith.constant 640 : i32
    %mul3A_26 = arith.muli %arg1, %mul3A_25 : i32
    %add3A_27 = arith.constant 384 : i32
    %add3A_28 = arith.addi %mul3A_26, %add3A_27 : i32
    "tpu.region"() ({
      %run_scoped3A = tpu.sem_alloc : memref<!tpu.dma_semaphore, #tpu.memory_space<semaphore_mem>>
      %dma_start3A = arith.constant 0 : i32
      %dma_start3A_127 = tpu.memref_slice %arg11[%add3A_28, %dma_start3A] : memref<10240x128xf32, #tpu.memory_space<vmem_shared>> -> memref<64x128xf32, #tpu.memory_space<vmem_shared>>
      %dma_start3A_128 = arith.constant 0 : i32
      %dma_start3A_129 = tpu.memref_slice %arg11[%add3A_28, %dma_start3A_128] : memref<10240x128xf32, #tpu.memory_space<vmem_shared>> -> memref<64x128xf32, #tpu.memory_space<vmem_shared>>
      tpu.enqueue_dma source(%arg10 : memref<64x128xf32, #tpu.memory_space<vmem>>) target(%dma_start3A_129 : memref<64x128xf32, #tpu.memory_space<vmem_shared>>) target_semaphore(%run_scoped3A : memref<!tpu.dma_semaphore, #tpu.memory_space<semaphore_mem>>)
      %dma_wait3A = arith.constant 0 : i32
      %dma_wait3A_130 = tpu.memref_slice %arg11[%add3A_28, %dma_wait3A] : memref<10240x128xf32, #tpu.memory_space<vmem_shared>> -> memref<64x128xf32, #tpu.memory_space<vmem_shared>>
      %dma_wait3A_131 = arith.constant 0 : i32
      %dma_wait3A_132 = tpu.memref_slice %arg11[%add3A_28, %dma_wait3A_131] : memref<10240x128xf32, #tpu.memory_space<vmem_shared>> -> memref<64x128xf32, #tpu.memory_space<vmem_shared>>
      tpu.wait_dma2 semaphore(%run_scoped3A : memref<!tpu.dma_semaphore, #tpu.memory_space<semaphore_mem>>) src(%arg10 : memref<64x128xf32, #tpu.memory_space<vmem>>) dst(%dma_wait3A_132 : memref<64x128xf32, #tpu.memory_space<vmem_shared>>)
      tpu.yield
    }) : () -> ()
    %mul3A_29 = arith.constant 640 : i32
    %mul3A_30 = arith.muli %arg1, %mul3A_29 : i32
    %add3A_31 = arith.constant 448 : i32
    %add3A_32 = arith.addi %mul3A_30, %add3A_31 : i32
    "tpu.region"() ({
      %run_scoped3A = tpu.sem_alloc : memref<!tpu.dma_semaphore, #tpu.memory_space<semaphore_mem>>
      %dma_start3A = arith.constant 0 : i32
      %dma_start3A_127 = tpu.memref_slice %arg11[%add3A_32, %dma_start3A] : memref<10240x128xf32, #tpu.memory_space<vmem_shared>> -> memref<64x128xf32, #tpu.memory_space<vmem_shared>>
      %dma_start3A_128 = arith.constant 0 : i32
      %dma_start3A_129 = tpu.memref_slice %arg11[%add3A_32, %dma_start3A_128] : memref<10240x128xf32, #tpu.memory_space<vmem_shared>> -> memref<64x128xf32, #tpu.memory_space<vmem_shared>>
      tpu.enqueue_dma source(%arg10 : memref<64x128xf32, #tpu.memory_space<vmem>>) target(%dma_start3A_129 : memref<64x128xf32, #tpu.memory_space<vmem_shared>>) target_semaphore(%run_scoped3A : memref<!tpu.dma_semaphore, #tpu.memory_space<semaphore_mem>>)
      %dma_wait3A = arith.constant 0 : i32
      %dma_wait3A_130 = tpu.memref_slice %arg11[%add3A_32, %dma_wait3A] : memref<10240x128xf32, #tpu.memory_space<vmem_shared>> -> memref<64x128xf32, #tpu.memory_space<vmem_shared>>
      %dma_wait3A_131 = arith.constant 0 : i32
      %dma_wait3A_132 = tpu.memref_slice %arg11[%add3A_32, %dma_wait3A_131] : memref<10240x128xf32, #tpu.memory_space<vmem_shared>> -> memref<64x128xf32, #tpu.memory_space<vmem_shared>>
      tpu.wait_dma2 semaphore(%run_scoped3A : memref<!tpu.dma_semaphore, #tpu.memory_space<semaphore_mem>>) src(%arg10 : memref<64x128xf32, #tpu.memory_space<vmem>>) dst(%dma_wait3A_132 : memref<64x128xf32, #tpu.memory_space<vmem_shared>>)
      tpu.yield
    }) : () -> ()
    %mul3A_33 = arith.constant 640 : i32
    %mul3A_34 = arith.muli %arg1, %mul3A_33 : i32
    %add3A_35 = arith.constant 512 : i32
    %add3A_36 = arith.addi %mul3A_34, %add3A_35 : i32
    "tpu.region"() ({
      %run_scoped3A = tpu.sem_alloc : memref<!tpu.dma_semaphore, #tpu.memory_space<semaphore_mem>>
      %dma_start3A = arith.constant 0 : i32
      %dma_start3A_127 = tpu.memref_slice %arg11[%add3A_36, %dma_start3A] : memref<10240x128xf32, #tpu.memory_space<vmem_shared>> -> memref<64x128xf32, #tpu.memory_space<vmem_shared>>
      %dma_start3A_128 = arith.constant 0 : i32
      %dma_start3A_129 = tpu.memref_slice %arg11[%add3A_36, %dma_start3A_128] : memref<10240x128xf32, #tpu.memory_space<vmem_shared>> -> memref<64x128xf32, #tpu.memory_space<vmem_shared>>
      tpu.enqueue_dma source(%arg10 : memref<64x128xf32, #tpu.memory_space<vmem>>) target(%dma_start3A_129 : memref<64x128xf32, #tpu.memory_space<vmem_shared>>) target_semaphore(%run_scoped3A : memref<!tpu.dma_semaphore, #tpu.memory_space<semaphore_mem>>)
      %dma_wait3A = arith.constant 0 : i32
      %dma_wait3A_130 = tpu.memref_slice %arg11[%add3A_36, %dma_wait3A] : memref<10240x128xf32, #tpu.memory_space<vmem_shared>> -> memref<64x128xf32, #tpu.memory_space<vmem_shared>>
      %dma_wait3A_131 = arith.constant 0 : i32
      %dma_wait3A_132 = tpu.memref_slice %arg11[%add3A_36, %dma_wait3A_131] : memref<10240x128xf32, #tpu.memory_space<vmem_shared>> -> memref<64x128xf32, #tpu.memory_space<vmem_shared>>
      tpu.wait_dma2 semaphore(%run_scoped3A : memref<!tpu.dma_semaphore, #tpu.memory_space<semaphore_mem>>) src(%arg10 : memref<64x128xf32, #tpu.memory_space<vmem>>) dst(%dma_wait3A_132 : memref<64x128xf32, #tpu.memory_space<vmem_shared>>)
      tpu.yield
    }) : () -> ()
    %mul3A_37 = arith.constant 640 : i32
    %mul3A_38 = arith.muli %arg1, %mul3A_37 : i32
    %add3A_39 = arith.constant 576 : i32
    %add3A_40 = arith.addi %mul3A_38, %add3A_39 : i32
    "tpu.region"() ({
      %run_scoped3A = tpu.sem_alloc : memref<!tpu.dma_semaphore, #tpu.memory_space<semaphore_mem>>
      %dma_start3A = arith.constant 0 : i32
      %dma_start3A_127 = tpu.memref_slice %arg11[%add3A_40, %dma_start3A] : memref<10240x128xf32, #tpu.memory_space<vmem_shared>> -> memref<64x128xf32, #tpu.memory_space<vmem_shared>>
      %dma_start3A_128 = arith.constant 0 : i32
      %dma_start3A_129 = tpu.memref_slice %arg11[%add3A_40, %dma_start3A_128] : memref<10240x128xf32, #tpu.memory_space<vmem_shared>> -> memref<64x128xf32, #tpu.memory_space<vmem_shared>>
      tpu.enqueue_dma source(%arg10 : memref<64x128xf32, #tpu.memory_space<vmem>>) target(%dma_start3A_129 : memref<64x128xf32, #tpu.memory_space<vmem_shared>>) target_semaphore(%run_scoped3A : memref<!tpu.dma_semaphore, #tpu.memory_space<semaphore_mem>>)
      %dma_wait3A = arith.constant 0 : i32
      %dma_wait3A_130 = tpu.memref_slice %arg11[%add3A_40, %dma_wait3A] : memref<10240x128xf32, #tpu.memory_space<vmem_shared>> -> memref<64x128xf32, #tpu.memory_space<vmem_shared>>
      %dma_wait3A_131 = arith.constant 0 : i32
      %dma_wait3A_132 = tpu.memref_slice %arg11[%add3A_40, %dma_wait3A_131] : memref<10240x128xf32, #tpu.memory_space<vmem_shared>> -> memref<64x128xf32, #tpu.memory_space<vmem_shared>>
      tpu.wait_dma2 semaphore(%run_scoped3A : memref<!tpu.dma_semaphore, #tpu.memory_space<semaphore_mem>>) src(%arg10 : memref<64x128xf32, #tpu.memory_space<vmem>>) dst(%dma_wait3A_132 : memref<64x128xf32, #tpu.memory_space<vmem_shared>>)
      tpu.yield
    }) : () -> ()
    %barrier3A = arith.constant 0 : index
    tpu.barrier barrier_id(%barrier3A)
    %scan3A = arith.constant 0 : i32
    %scan3A_41 = arith.constant 0 : i32
    %scan3A_42 = arith.constant 79 : i32
    %scan3A_43 = arith.addi %scan3A_41, %scan3A_42 : i32
    %scan3A_44 = arith.constant 1 : i32
    scf.for %scan3A_127 = %scan3A_41 to %scan3A_43 step %scan3A_44  : i32 {
      %dma_start3A = arith.constant 0 : i32
      %dma_start3A_128 = tpu.memref_slice %arg7[%scan3A_127, %dma_start3A] : memref<79x128xi32, #tpu.memory_space<vmem>> -> memref<1x128xi32, #tpu.memory_space<vmem>>
      %dma_start3A_129 = tpu.memref_squeeze %dma_start3A_128 : memref<1x128xi32, #tpu.memory_space<vmem>> -> memref<128xi32, #tpu.memory_space<vmem>>
      %dma_start3A_130 = arith.constant 0 : i32
      %dma_start3A_131 = arith.constant 0 : i32
      %dma_start3A_132 = tpu.memref_slice %arg2[%dma_start3A_130, %dma_start3A_131] : memref<10000x128xf32, #tpu.memory_space<hbm>> -> memref<10000x128xf32, #tpu.memory_space<hbm>>
      tpu.enqueue_indirect_dma source(%dma_start3A_132 : memref<10000x128xf32, #tpu.memory_space<hbm>>) target(%arg9 : memref<128x128xf32, #tpu.memory_space<vmem>>) offsets(%dma_start3A_129 : memref<128xi32, #tpu.memory_space<vmem>>) semaphore(%arg12 : memref<!tpu.dma_semaphore, #tpu.memory_space<semaphore_mem>>)
      %dma_wait3A = arith.constant 0 : i32
      %dma_wait3A_133 = tpu.memref_slice %arg7[%scan3A_127, %dma_wait3A] : memref<79x128xi32, #tpu.memory_space<vmem>> -> memref<1x128xi32, #tpu.memory_space<vmem>>
      %dma_wait3A_134 = tpu.memref_squeeze %dma_wait3A_133 : memref<1x128xi32, #tpu.memory_space<vmem>> -> memref<128xi32, #tpu.memory_space<vmem>>
      %dma_wait3A_135 = arith.constant 0 : i32
      %dma_wait3A_136 = arith.constant 0 : i32
      %dma_wait3A_137 = tpu.memref_slice %arg2[%dma_wait3A_135, %dma_wait3A_136] : memref<10000x128xf32, #tpu.memory_space<hbm>> -> memref<10000x128xf32, #tpu.memory_space<hbm>>
      tpu.wait_indirect_dma semaphore(%arg12 : memref<!tpu.dma_semaphore, #tpu.memory_space<semaphore_mem>>) src(%dma_wait3A_137 : memref<10000x128xf32, #tpu.memory_space<hbm>>) dst(%arg9 : memref<128x128xf32, #tpu.memory_space<vmem>>)
      "tpu.region"() ({
        %run_scoped3A = tpu.sem_alloc : memref<!tpu.dma_semaphore, #tpu.memory_space<semaphore_mem>>
        %dma_start3A_138 = arith.constant 0 : i32
        %dma_start3A_139 = tpu.memref_slice %arg8[%scan3A_127, %dma_start3A_138] : memref<79x128xi32, #tpu.memory_space<vmem>> -> memref<1x128xi32, #tpu.memory_space<vmem>>
        %dma_start3A_140 = tpu.memref_squeeze %dma_start3A_139 : memref<1x128xi32, #tpu.memory_space<vmem>> -> memref<128xi32, #tpu.memory_space<vmem>>
        %dma_start3A_141 = arith.constant 0 : i32
        %dma_start3A_142 = arith.constant 0 : i32
        %dma_start3A_143 = tpu.memref_slice %arg11[%dma_start3A_141, %dma_start3A_142] : memref<10240x128xf32, #tpu.memory_space<vmem_shared>> -> memref<10240x128xf32, #tpu.memory_space<vmem_shared>>
        tpu.enqueue_indirect_dma source(%arg9 : memref<128x128xf32, #tpu.memory_space<vmem>>) target(%dma_start3A_143 : memref<10240x128xf32, #tpu.memory_space<vmem_shared>>) offsets(%dma_start3A_140 : memref<128xi32, #tpu.memory_space<vmem>>) semaphore(%run_scoped3A : memref<!tpu.dma_semaphore, #tpu.memory_space<semaphore_mem>>) {add = true}
        %dma_wait3A_144 = arith.constant 0 : i32
        %dma_wait3A_145 = tpu.memref_slice %arg8[%scan3A_127, %dma_wait3A_144] : memref<79x128xi32, #tpu.memory_space<vmem>> -> memref<1x128xi32, #tpu.memory_space<vmem>>
        %dma_wait3A_146 = tpu.memref_squeeze %dma_wait3A_145 : memref<1x128xi32, #tpu.memory_space<vmem>> -> memref<128xi32, #tpu.memory_space<vmem>>
        %dma_wait3A_147 = arith.constant 0 : i32
        %dma_wait3A_148 = arith.constant 0 : i32
        %dma_wait3A_149 = tpu.memref_slice %arg11[%dma_wait3A_147, %dma_wait3A_148] : memref<10240x128xf32, #tpu.memory_space<vmem_shared>> -> memref<10240x128xf32, #tpu.memory_space<vmem_shared>>
        tpu.wait_indirect_dma semaphore(%run_scoped3A : memref<!tpu.dma_semaphore, #tpu.memory_space<semaphore_mem>>) src(%arg9 : memref<128x128xf32, #tpu.memory_space<vmem>>) dst(%dma_wait3A_149 : memref<10240x128xf32, #tpu.memory_space<vmem_shared>>)
        tpu.yield
      }) : () -> ()
    }
    %scan3A_45 = arith.constant 79 : i32
    %barrier3A_46 = arith.constant 0 : index
    tpu.barrier barrier_id(%barrier3A_46)
    %mul3A_47 = arith.constant 640 : i32
    %mul3A_48 = arith.muli %arg1, %mul3A_47 : i32
    %add3A_49 = arith.constant 0 : i32
    %add3A_50 = arith.addi %mul3A_48, %add3A_49 : i32
    "tpu.region"() ({
      %run_scoped3A = tpu.sem_alloc : memref<!tpu.dma_semaphore, #tpu.memory_space<semaphore_mem>>
      %dma_start3A = arith.constant 0 : i32
      %dma_start3A_127 = tpu.memref_slice %arg11[%add3A_50, %dma_start3A] : memref<10240x128xf32, #tpu.memory_space<vmem_shared>> -> memref<64x128xf32, #tpu.memory_space<vmem_shared>>
      %dma_start3A_128 = arith.constant 0 : i32
      %dma_start3A_129 = tpu.memref_slice %arg11[%add3A_50, %dma_start3A_128] : memref<10240x128xf32, #tpu.memory_space<vmem_shared>> -> memref<64x128xf32, #tpu.memory_space<vmem_shared>>
      tpu.enqueue_dma source(%dma_start3A_129 : memref<64x128xf32, #tpu.memory_space<vmem_shared>>) target(%arg10 : memref<64x128xf32, #tpu.memory_space<vmem>>) target_semaphore(%run_scoped3A : memref<!tpu.dma_semaphore, #tpu.memory_space<semaphore_mem>>)
      %dma_wait3A = arith.constant 0 : i32
      %dma_wait3A_130 = tpu.memref_slice %arg11[%add3A_50, %dma_wait3A] : memref<10240x128xf32, #tpu.memory_space<vmem_shared>> -> memref<64x128xf32, #tpu.memory_space<vmem_shared>>
      %dma_wait3A_131 = arith.constant 0 : i32
      %dma_wait3A_132 = tpu.memref_slice %arg11[%add3A_50, %dma_wait3A_131] : memref<10240x128xf32, #tpu.memory_space<vmem_shared>> -> memref<64x128xf32, #tpu.memory_space<vmem_shared>>
      tpu.wait_dma2 semaphore(%run_scoped3A : memref<!tpu.dma_semaphore, #tpu.memory_space<semaphore_mem>>) src(%dma_wait3A_132 : memref<64x128xf32, #tpu.memory_space<vmem_shared>>) dst(%arg10 : memref<64x128xf32, #tpu.memory_space<vmem>>)
      tpu.yield
    }) : () -> ()
    %mul3A_51 = arith.constant 640 : i32
    %mul3A_52 = arith.muli %arg1, %mul3A_51 : i32
    %add3A_53 = arith.constant 0 : i32
    %add3A_54 = arith.addi %mul3A_52, %add3A_53 : i32
    "tpu.region"() ({
      %run_scoped3A = tpu.sem_alloc : memref<!tpu.dma_semaphore, #tpu.memory_space<semaphore_mem>>
      %dma_start3A = arith.constant 0 : i32
      %dma_start3A_127 = tpu.memref_slice %arg6[%arg0, %add3A_54, %dma_start3A] : memref<2x10240x128xf32, #tpu.memory_space<hbm>> -> memref<1x64x128xf32, #tpu.memory_space<hbm>>
      %dma_start3A_128 = tpu.memref_squeeze %dma_start3A_127 : memref<1x64x128xf32, #tpu.memory_space<hbm>> -> memref<64x128xf32, #tpu.memory_space<hbm>>
      %dma_start3A_129 = arith.constant 0 : i32
      %dma_start3A_130 = tpu.memref_slice %arg6[%arg0, %add3A_54, %dma_start3A_129] : memref<2x10240x128xf32, #tpu.memory_space<hbm>> -> memref<1x64x128xf32, #tpu.memory_space<hbm>>
      %dma_start3A_131 = tpu.memref_squeeze %dma_start3A_130 : memref<1x64x128xf32, #tpu.memory_space<hbm>> -> memref<64x128xf32, #tpu.memory_space<hbm>>
      tpu.enqueue_dma source(%arg10 : memref<64x128xf32, #tpu.memory_space<vmem>>) target(%dma_start3A_131 : memref<64x128xf32, #tpu.memory_space<hbm>>) target_semaphore(%run_scoped3A : memref<!tpu.dma_semaphore, #tpu.memory_space<semaphore_mem>>)
      %dma_wait3A = arith.constant 0 : i32
      %dma_wait3A_132 = tpu.memref_slice %arg6[%arg0, %add3A_54, %dma_wait3A] : memref<2x10240x128xf32, #tpu.memory_space<hbm>> -> memref<1x64x128xf32, #tpu.memory_space<hbm>>
      %dma_wait3A_133 = tpu.memref_squeeze %dma_wait3A_132 : memref<1x64x128xf32, #tpu.memory_space<hbm>> -> memref<64x128xf32, #tpu.memory_space<hbm>>
      %dma_wait3A_134 = arith.constant 0 : i32
      %dma_wait3A_135 = tpu.memref_slice %arg6[%arg0, %add3A_54, %dma_wait3A_134] : memref<2x10240x128xf32, #tpu.memory_space<hbm>> -> memref<1x64x128xf32, #tpu.memory_space<hbm>>
      %dma_wait3A_136 = tpu.memref_squeeze %dma_wait3A_135 : memref<1x64x128xf32, #tpu.memory_space<hbm>> -> memref<64x128xf32, #tpu.memory_space<hbm>>
      tpu.wait_dma2 semaphore(%run_scoped3A : memref<!tpu.dma_semaphore, #tpu.memory_space<semaphore_mem>>) src(%arg10 : memref<64x128xf32, #tpu.memory_space<vmem>>) dst(%dma_wait3A_136 : memref<64x128xf32, #tpu.memory_space<hbm>>)
      tpu.yield
    }) : () -> ()
    %mul3A_55 = arith.constant 640 : i32
    %mul3A_56 = arith.muli %arg1, %mul3A_55 : i32
    %add3A_57 = arith.constant 64 : i32
    %add3A_58 = arith.addi %mul3A_56, %add3A_57 : i32
    "tpu.region"() ({
      %run_scoped3A = tpu.sem_alloc : memref<!tpu.dma_semaphore, #tpu.memory_space<semaphore_mem>>
      %dma_start3A = arith.constant 0 : i32
      %dma_start3A_127 = tpu.memref_slice %arg11[%add3A_58, %dma_start3A] : memref<10240x128xf32, #tpu.memory_space<vmem_shared>> -> memref<64x128xf32, #tpu.memory_space<vmem_shared>>
      %dma_start3A_128 = arith.constant 0 : i32
      %dma_start3A_129 = tpu.memref_slice %arg11[%add3A_58, %dma_start3A_128] : memref<10240x128xf32, #tpu.memory_space<vmem_shared>> -> memref<64x128xf32, #tpu.memory_space<vmem_shared>>
      tpu.enqueue_dma source(%dma_start3A_129 : memref<64x128xf32, #tpu.memory_space<vmem_shared>>) target(%arg10 : memref<64x128xf32, #tpu.memory_space<vmem>>) target_semaphore(%run_scoped3A : memref<!tpu.dma_semaphore, #tpu.memory_space<semaphore_mem>>)
      %dma_wait3A = arith.constant 0 : i32
      %dma_wait3A_130 = tpu.memref_slice %arg11[%add3A_58, %dma_wait3A] : memref<10240x128xf32, #tpu.memory_space<vmem_shared>> -> memref<64x128xf32, #tpu.memory_space<vmem_shared>>
      %dma_wait3A_131 = arith.constant 0 : i32
      %dma_wait3A_132 = tpu.memref_slice %arg11[%add3A_58, %dma_wait3A_131] : memref<10240x128xf32, #tpu.memory_space<vmem_shared>> -> memref<64x128xf32, #tpu.memory_space<vmem_shared>>
      tpu.wait_dma2 semaphore(%run_scoped3A : memref<!tpu.dma_semaphore, #tpu.memory_space<semaphore_mem>>) src(%dma_wait3A_132 : memref<64x128xf32, #tpu.memory_space<vmem_shared>>) dst(%arg10 : memref<64x128xf32, #tpu.memory_space<vmem>>)
      tpu.yield
    }) : () -> ()
    %mul3A_59 = arith.constant 640 : i32
    %mul3A_60 = arith.muli %arg1, %mul3A_59 : i32
    %add3A_61 = arith.constant 64 : i32
    %add3A_62 = arith.addi %mul3A_60, %add3A_61 : i32
    "tpu.region"() ({
      %run_scoped3A = tpu.sem_alloc : memref<!tpu.dma_semaphore, #tpu.memory_space<semaphore_mem>>
      %dma_start3A = arith.constant 0 : i32
      %dma_start3A_127 = tpu.memref_slice %arg6[%arg0, %add3A_62, %dma_start3A] : memref<2x10240x128xf32, #tpu.memory_space<hbm>> -> memref<1x64x128xf32, #tpu.memory_space<hbm>>
      %dma_start3A_128 = tpu.memref_squeeze %dma_start3A_127 : memref<1x64x128xf32, #tpu.memory_space<hbm>> -> memref<64x128xf32, #tpu.memory_space<hbm>>
      %dma_start3A_129 = arith.constant 0 : i32
      %dma_start3A_130 = tpu.memref_slice %arg6[%arg0, %add3A_62, %dma_start3A_129] : memref<2x10240x128xf32, #tpu.memory_space<hbm>> -> memref<1x64x128xf32, #tpu.memory_space<hbm>>
      %dma_start3A_131 = tpu.memref_squeeze %dma_start3A_130 : memref<1x64x128xf32, #tpu.memory_space<hbm>> -> memref<64x128xf32, #tpu.memory_space<hbm>>
      tpu.enqueue_dma source(%arg10 : memref<64x128xf32, #tpu.memory_space<vmem>>) target(%dma_start3A_131 : memref<64x128xf32, #tpu.memory_space<hbm>>) target_semaphore(%run_scoped3A : memref<!tpu.dma_semaphore, #tpu.memory_space<semaphore_mem>>)
      %dma_wait3A = arith.constant 0 : i32
      %dma_wait3A_132 = tpu.memref_slice %arg6[%arg0, %add3A_62, %dma_wait3A] : memref<2x10240x128xf32, #tpu.memory_space<hbm>> -> memref<1x64x128xf32, #tpu.memory_space<hbm>>
      %dma_wait3A_133 = tpu.memref_squeeze %dma_wait3A_132 : memref<1x64x128xf32, #tpu.memory_space<hbm>> -> memref<64x128xf32, #tpu.memory_space<hbm>>
      %dma_wait3A_134 = arith.constant 0 : i32
      %dma_wait3A_135 = tpu.memref_slice %arg6[%arg0, %add3A_62, %dma_wait3A_134] : memref<2x10240x128xf32, #tpu.memory_space<hbm>> -> memref<1x64x128xf32, #tpu.memory_space<hbm>>
      %dma_wait3A_136 = tpu.memref_squeeze %dma_wait3A_135 : memref<1x64x128xf32, #tpu.memory_space<hbm>> -> memref<64x128xf32, #tpu.memory_space<hbm>>
      tpu.wait_dma2 semaphore(%run_scoped3A : memref<!tpu.dma_semaphore, #tpu.memory_space<semaphore_mem>>) src(%arg10 : memref<64x128xf32, #tpu.memory_space<vmem>>) dst(%dma_wait3A_136 : memref<64x128xf32, #tpu.memory_space<hbm>>)
      tpu.yield
    }) : () -> ()
    %mul3A_63 = arith.constant 640 : i32
    %mul3A_64 = arith.muli %arg1, %mul3A_63 : i32
    %add3A_65 = arith.constant 128 : i32
    %add3A_66 = arith.addi %mul3A_64, %add3A_65 : i32
    "tpu.region"() ({
      %run_scoped3A = tpu.sem_alloc : memref<!tpu.dma_semaphore, #tpu.memory_space<semaphore_mem>>
      %dma_start3A = arith.constant 0 : i32
      %dma_start3A_127 = tpu.memref_slice %arg11[%add3A_66, %dma_start3A] : memref<10240x128xf32, #tpu.memory_space<vmem_shared>> -> memref<64x128xf32, #tpu.memory_space<vmem_shared>>
      %dma_start3A_128 = arith.constant 0 : i32
      %dma_start3A_129 = tpu.memref_slice %arg11[%add3A_66, %dma_start3A_128] : memref<10240x128xf32, #tpu.memory_space<vmem_shared>> -> memref<64x128xf32, #tpu.memory_space<vmem_shared>>
      tpu.enqueue_dma source(%dma_start3A_129 : memref<64x128xf32, #tpu.memory_space<vmem_shared>>) target(%arg10 : memref<64x128xf32, #tpu.memory_space<vmem>>) target_semaphore(%run_scoped3A : memref<!tpu.dma_semaphore, #tpu.memory_space<semaphore_mem>>)
      %dma_wait3A = arith.constant 0 : i32
      %dma_wait3A_130 = tpu.memref_slice %arg11[%add3A_66, %dma_wait3A] : memref<10240x128xf32, #tpu.memory_space<vmem_shared>> -> memref<64x128xf32, #tpu.memory_space<vmem_shared>>
      %dma_wait3A_131 = arith.constant 0 : i32
      %dma_wait3A_132 = tpu.memref_slice %arg11[%add3A_66, %dma_wait3A_131] : memref<10240x128xf32, #tpu.memory_space<vmem_shared>> -> memref<64x128xf32, #tpu.memory_space<vmem_shared>>
      tpu.wait_dma2 semaphore(%run_scoped3A : memref<!tpu.dma_semaphore, #tpu.memory_space<semaphore_mem>>) src(%dma_wait3A_132 : memref<64x128xf32, #tpu.memory_space<vmem_shared>>) dst(%arg10 : memref<64x128xf32, #tpu.memory_space<vmem>>)
      tpu.yield
    }) : () -> ()
    %mul3A_67 = arith.constant 640 : i32
    %mul3A_68 = arith.muli %arg1, %mul3A_67 : i32
    %add3A_69 = arith.constant 128 : i32
    %add3A_70 = arith.addi %mul3A_68, %add3A_69 : i32
    "tpu.region"() ({
      %run_scoped3A = tpu.sem_alloc : memref<!tpu.dma_semaphore, #tpu.memory_space<semaphore_mem>>
      %dma_start3A = arith.constant 0 : i32
      %dma_start3A_127 = tpu.memref_slice %arg6[%arg0, %add3A_70, %dma_start3A] : memref<2x10240x128xf32, #tpu.memory_space<hbm>> -> memref<1x64x128xf32, #tpu.memory_space<hbm>>
      %dma_start3A_128 = tpu.memref_squeeze %dma_start3A_127 : memref<1x64x128xf32, #tpu.memory_space<hbm>> -> memref<64x128xf32, #tpu.memory_space<hbm>>
      %dma_start3A_129 = arith.constant 0 : i32
      %dma_start3A_130 = tpu.memref_slice %arg6[%arg0, %add3A_70, %dma_start3A_129] : memref<2x10240x128xf32, #tpu.memory_space<hbm>> -> memref<1x64x128xf32, #tpu.memory_space<hbm>>
      %dma_start3A_131 = tpu.memref_squeeze %dma_start3A_130 : memref<1x64x128xf32, #tpu.memory_space<hbm>> -> memref<64x128xf32, #tpu.memory_space<hbm>>
      tpu.enqueue_dma source(%arg10 : memref<64x128xf32, #tpu.memory_space<vmem>>) target(%dma_start3A_131 : memref<64x128xf32, #tpu.memory_space<hbm>>) target_semaphore(%run_scoped3A : memref<!tpu.dma_semaphore, #tpu.memory_space<semaphore_mem>>)
      %dma_wait3A = arith.constant 0 : i32
      %dma_wait3A_132 = tpu.memref_slice %arg6[%arg0, %add3A_70, %dma_wait3A] : memref<2x10240x128xf32, #tpu.memory_space<hbm>> -> memref<1x64x128xf32, #tpu.memory_space<hbm>>
      %dma_wait3A_133 = tpu.memref_squeeze %dma_wait3A_132 : memref<1x64x128xf32, #tpu.memory_space<hbm>> -> memref<64x128xf32, #tpu.memory_space<hbm>>
      %dma_wait3A_134 = arith.constant 0 : i32
      %dma_wait3A_135 = tpu.memref_slice %arg6[%arg0, %add3A_70, %dma_wait3A_134] : memref<2x10240x128xf32, #tpu.memory_space<hbm>> -> memref<1x64x128xf32, #tpu.memory_space<hbm>>
      %dma_wait3A_136 = tpu.memref_squeeze %dma_wait3A_135 : memref<1x64x128xf32, #tpu.memory_space<hbm>> -> memref<64x128xf32, #tpu.memory_space<hbm>>
      tpu.wait_dma2 semaphore(%run_scoped3A : memref<!tpu.dma_semaphore, #tpu.memory_space<semaphore_mem>>) src(%arg10 : memref<64x128xf32, #tpu.memory_space<vmem>>) dst(%dma_wait3A_136 : memref<64x128xf32, #tpu.memory_space<hbm>>)
      tpu.yield
    }) : () -> ()
    %mul3A_71 = arith.constant 640 : i32
    %mul3A_72 = arith.muli %arg1, %mul3A_71 : i32
    %add3A_73 = arith.constant 192 : i32
    %add3A_74 = arith.addi %mul3A_72, %add3A_73 : i32
    "tpu.region"() ({
      %run_scoped3A = tpu.sem_alloc : memref<!tpu.dma_semaphore, #tpu.memory_space<semaphore_mem>>
      %dma_start3A = arith.constant 0 : i32
      %dma_start3A_127 = tpu.memref_slice %arg11[%add3A_74, %dma_start3A] : memref<10240x128xf32, #tpu.memory_space<vmem_shared>> -> memref<64x128xf32, #tpu.memory_space<vmem_shared>>
      %dma_start3A_128 = arith.constant 0 : i32
      %dma_start3A_129 = tpu.memref_slice %arg11[%add3A_74, %dma_start3A_128] : memref<10240x128xf32, #tpu.memory_space<vmem_shared>> -> memref<64x128xf32, #tpu.memory_space<vmem_shared>>
      tpu.enqueue_dma source(%dma_start3A_129 : memref<64x128xf32, #tpu.memory_space<vmem_shared>>) target(%arg10 : memref<64x128xf32, #tpu.memory_space<vmem>>) target_semaphore(%run_scoped3A : memref<!tpu.dma_semaphore, #tpu.memory_space<semaphore_mem>>)
      %dma_wait3A = arith.constant 0 : i32
      %dma_wait3A_130 = tpu.memref_slice %arg11[%add3A_74, %dma_wait3A] : memref<10240x128xf32, #tpu.memory_space<vmem_shared>> -> memref<64x128xf32, #tpu.memory_space<vmem_shared>>
      %dma_wait3A_131 = arith.constant 0 : i32
      %dma_wait3A_132 = tpu.memref_slice %arg11[%add3A_74, %dma_wait3A_131] : memref<10240x128xf32, #tpu.memory_space<vmem_shared>> -> memref<64x128xf32, #tpu.memory_space<vmem_shared>>
      tpu.wait_dma2 semaphore(%run_scoped3A : memref<!tpu.dma_semaphore, #tpu.memory_space<semaphore_mem>>) src(%dma_wait3A_132 : memref<64x128xf32, #tpu.memory_space<vmem_shared>>) dst(%arg10 : memref<64x128xf32, #tpu.memory_space<vmem>>)
      tpu.yield
    }) : () -> ()
    %mul3A_75 = arith.constant 640 : i32
    %mul3A_76 = arith.muli %arg1, %mul3A_75 : i32
    %add3A_77 = arith.constant 192 : i32
    %add3A_78 = arith.addi %mul3A_76, %add3A_77 : i32
    "tpu.region"() ({
      %run_scoped3A = tpu.sem_alloc : memref<!tpu.dma_semaphore, #tpu.memory_space<semaphore_mem>>
      %dma_start3A = arith.constant 0 : i32
      %dma_start3A_127 = tpu.memref_slice %arg6[%arg0, %add3A_78, %dma_start3A] : memref<2x10240x128xf32, #tpu.memory_space<hbm>> -> memref<1x64x128xf32, #tpu.memory_space<hbm>>
      %dma_start3A_128 = tpu.memref_squeeze %dma_start3A_127 : memref<1x64x128xf32, #tpu.memory_space<hbm>> -> memref<64x128xf32, #tpu.memory_space<hbm>>
      %dma_start3A_129 = arith.constant 0 : i32
      %dma_start3A_130 = tpu.memref_slice %arg6[%arg0, %add3A_78, %dma_start3A_129] : memref<2x10240x128xf32, #tpu.memory_space<hbm>> -> memref<1x64x128xf32, #tpu.memory_space<hbm>>
      %dma_start3A_131 = tpu.memref_squeeze %dma_start3A_130 : memref<1x64x128xf32, #tpu.memory_space<hbm>> -> memref<64x128xf32, #tpu.memory_space<hbm>>
      tpu.enqueue_dma source(%arg10 : memref<64x128xf32, #tpu.memory_space<vmem>>) target(%dma_start3A_131 : memref<64x128xf32, #tpu.memory_space<hbm>>) target_semaphore(%run_scoped3A : memref<!tpu.dma_semaphore, #tpu.memory_space<semaphore_mem>>)
      %dma_wait3A = arith.constant 0 : i32
      %dma_wait3A_132 = tpu.memref_slice %arg6[%arg0, %add3A_78, %dma_wait3A] : memref<2x10240x128xf32, #tpu.memory_space<hbm>> -> memref<1x64x128xf32, #tpu.memory_space<hbm>>
      %dma_wait3A_133 = tpu.memref_squeeze %dma_wait3A_132 : memref<1x64x128xf32, #tpu.memory_space<hbm>> -> memref<64x128xf32, #tpu.memory_space<hbm>>
      %dma_wait3A_134 = arith.constant 0 : i32
      %dma_wait3A_135 = tpu.memref_slice %arg6[%arg0, %add3A_78, %dma_wait3A_134] : memref<2x10240x128xf32, #tpu.memory_space<hbm>> -> memref<1x64x128xf32, #tpu.memory_space<hbm>>
      %dma_wait3A_136 = tpu.memref_squeeze %dma_wait3A_135 : memref<1x64x128xf32, #tpu.memory_space<hbm>> -> memref<64x128xf32, #tpu.memory_space<hbm>>
      tpu.wait_dma2 semaphore(%run_scoped3A : memref<!tpu.dma_semaphore, #tpu.memory_space<semaphore_mem>>) src(%arg10 : memref<64x128xf32, #tpu.memory_space<vmem>>) dst(%dma_wait3A_136 : memref<64x128xf32, #tpu.memory_space<hbm>>)
      tpu.yield
    }) : () -> ()
    %mul3A_79 = arith.constant 640 : i32
    %mul3A_80 = arith.muli %arg1, %mul3A_79 : i32
    %add3A_81 = arith.constant 256 : i32
    %add3A_82 = arith.addi %mul3A_80, %add3A_81 : i32
    "tpu.region"() ({
      %run_scoped3A = tpu.sem_alloc : memref<!tpu.dma_semaphore, #tpu.memory_space<semaphore_mem>>
      %dma_start3A = arith.constant 0 : i32
      %dma_start3A_127 = tpu.memref_slice %arg11[%add3A_82, %dma_start3A] : memref<10240x128xf32, #tpu.memory_space<vmem_shared>> -> memref<64x128xf32, #tpu.memory_space<vmem_shared>>
      %dma_start3A_128 = arith.constant 0 : i32
      %dma_start3A_129 = tpu.memref_slice %arg11[%add3A_82, %dma_start3A_128] : memref<10240x128xf32, #tpu.memory_space<vmem_shared>> -> memref<64x128xf32, #tpu.memory_space<vmem_shared>>
      tpu.enqueue_dma source(%dma_start3A_129 : memref<64x128xf32, #tpu.memory_space<vmem_shared>>) target(%arg10 : memref<64x128xf32, #tpu.memory_space<vmem>>) target_semaphore(%run_scoped3A : memref<!tpu.dma_semaphore, #tpu.memory_space<semaphore_mem>>)
      %dma_wait3A = arith.constant 0 : i32
      %dma_wait3A_130 = tpu.memref_slice %arg11[%add3A_82, %dma_wait3A] : memref<10240x128xf32, #tpu.memory_space<vmem_shared>> -> memref<64x128xf32, #tpu.memory_space<vmem_shared>>
      %dma_wait3A_131 = arith.constant 0 : i32
      %dma_wait3A_132 = tpu.memref_slice %arg11[%add3A_82, %dma_wait3A_131] : memref<10240x128xf32, #tpu.memory_space<vmem_shared>> -> memref<64x128xf32, #tpu.memory_space<vmem_shared>>
      tpu.wait_dma2 semaphore(%run_scoped3A : memref<!tpu.dma_semaphore, #tpu.memory_space<semaphore_mem>>) src(%dma_wait3A_132 : memref<64x128xf32, #tpu.memory_space<vmem_shared>>) dst(%arg10 : memref<64x128xf32, #tpu.memory_space<vmem>>)
      tpu.yield
    }) : () -> ()
    %mul3A_83 = arith.constant 640 : i32
    %mul3A_84 = arith.muli %arg1, %mul3A_83 : i32
    %add3A_85 = arith.constant 256 : i32
    %add3A_86 = arith.addi %mul3A_84, %add3A_85 : i32
    "tpu.region"() ({
      %run_scoped3A = tpu.sem_alloc : memref<!tpu.dma_semaphore, #tpu.memory_space<semaphore_mem>>
      %dma_start3A = arith.constant 0 : i32
      %dma_start3A_127 = tpu.memref_slice %arg6[%arg0, %add3A_86, %dma_start3A] : memref<2x10240x128xf32, #tpu.memory_space<hbm>> -> memref<1x64x128xf32, #tpu.memory_space<hbm>>
      %dma_start3A_128 = tpu.memref_squeeze %dma_start3A_127 : memref<1x64x128xf32, #tpu.memory_space<hbm>> -> memref<64x128xf32, #tpu.memory_space<hbm>>
      %dma_start3A_129 = arith.constant 0 : i32
      %dma_start3A_130 = tpu.memref_slice %arg6[%arg0, %add3A_86, %dma_start3A_129] : memref<2x10240x128xf32, #tpu.memory_space<hbm>> -> memref<1x64x128xf32, #tpu.memory_space<hbm>>
      %dma_start3A_131 = tpu.memref_squeeze %dma_start3A_130 : memref<1x64x128xf32, #tpu.memory_space<hbm>> -> memref<64x128xf32, #tpu.memory_space<hbm>>
      tpu.enqueue_dma source(%arg10 : memref<64x128xf32, #tpu.memory_space<vmem>>) target(%dma_start3A_131 : memref<64x128xf32, #tpu.memory_space<hbm>>) target_semaphore(%run_scoped3A : memref<!tpu.dma_semaphore, #tpu.memory_space<semaphore_mem>>)
      %dma_wait3A = arith.constant 0 : i32
      %dma_wait3A_132 = tpu.memref_slice %arg6[%arg0, %add3A_86, %dma_wait3A] : memref<2x10240x128xf32, #tpu.memory_space<hbm>> -> memref<1x64x128xf32, #tpu.memory_space<hbm>>
      %dma_wait3A_133 = tpu.memref_squeeze %dma_wait3A_132 : memref<1x64x128xf32, #tpu.memory_space<hbm>> -> memref<64x128xf32, #tpu.memory_space<hbm>>
      %dma_wait3A_134 = arith.constant 0 : i32
      %dma_wait3A_135 = tpu.memref_slice %arg6[%arg0, %add3A_86, %dma_wait3A_134] : memref<2x10240x128xf32, #tpu.memory_space<hbm>> -> memref<1x64x128xf32, #tpu.memory_space<hbm>>
      %dma_wait3A_136 = tpu.memref_squeeze %dma_wait3A_135 : memref<1x64x128xf32, #tpu.memory_space<hbm>> -> memref<64x128xf32, #tpu.memory_space<hbm>>
      tpu.wait_dma2 semaphore(%run_scoped3A : memref<!tpu.dma_semaphore, #tpu.memory_space<semaphore_mem>>) src(%arg10 : memref<64x128xf32, #tpu.memory_space<vmem>>) dst(%dma_wait3A_136 : memref<64x128xf32, #tpu.memory_space<hbm>>)
      tpu.yield
    }) : () -> ()
    %mul3A_87 = arith.constant 640 : i32
    %mul3A_88 = arith.muli %arg1, %mul3A_87 : i32
    %add3A_89 = arith.constant 320 : i32
    %add3A_90 = arith.addi %mul3A_88, %add3A_89 : i32
    "tpu.region"() ({
      %run_scoped3A = tpu.sem_alloc : memref<!tpu.dma_semaphore, #tpu.memory_space<semaphore_mem>>
      %dma_start3A = arith.constant 0 : i32
      %dma_start3A_127 = tpu.memref_slice %arg11[%add3A_90, %dma_start3A] : memref<10240x128xf32, #tpu.memory_space<vmem_shared>> -> memref<64x128xf32, #tpu.memory_space<vmem_shared>>
      %dma_start3A_128 = arith.constant 0 : i32
      %dma_start3A_129 = tpu.memref_slice %arg11[%add3A_90, %dma_start3A_128] : memref<10240x128xf32, #tpu.memory_space<vmem_shared>> -> memref<64x128xf32, #tpu.memory_space<vmem_shared>>
      tpu.enqueue_dma source(%dma_start3A_129 : memref<64x128xf32, #tpu.memory_space<vmem_shared>>) target(%arg10 : memref<64x128xf32, #tpu.memory_space<vmem>>) target_semaphore(%run_scoped3A : memref<!tpu.dma_semaphore, #tpu.memory_space<semaphore_mem>>)
      %dma_wait3A = arith.constant 0 : i32
      %dma_wait3A_130 = tpu.memref_slice %arg11[%add3A_90, %dma_wait3A] : memref<10240x128xf32, #tpu.memory_space<vmem_shared>> -> memref<64x128xf32, #tpu.memory_space<vmem_shared>>
      %dma_wait3A_131 = arith.constant 0 : i32
      %dma_wait3A_132 = tpu.memref_slice %arg11[%add3A_90, %dma_wait3A_131] : memref<10240x128xf32, #tpu.memory_space<vmem_shared>> -> memref<64x128xf32, #tpu.memory_space<vmem_shared>>
      tpu.wait_dma2 semaphore(%run_scoped3A : memref<!tpu.dma_semaphore, #tpu.memory_space<semaphore_mem>>) src(%dma_wait3A_132 : memref<64x128xf32, #tpu.memory_space<vmem_shared>>) dst(%arg10 : memref<64x128xf32, #tpu.memory_space<vmem>>)
      tpu.yield
    }) : () -> ()
    %mul3A_91 = arith.constant 640 : i32
    %mul3A_92 = arith.muli %arg1, %mul3A_91 : i32
    %add3A_93 = arith.constant 320 : i32
    %add3A_94 = arith.addi %mul3A_92, %add3A_93 : i32
    "tpu.region"() ({
      %run_scoped3A = tpu.sem_alloc : memref<!tpu.dma_semaphore, #tpu.memory_space<semaphore_mem>>
      %dma_start3A = arith.constant 0 : i32
      %dma_start3A_127 = tpu.memref_slice %arg6[%arg0, %add3A_94, %dma_start3A] : memref<2x10240x128xf32, #tpu.memory_space<hbm>> -> memref<1x64x128xf32, #tpu.memory_space<hbm>>
      %dma_start3A_128 = tpu.memref_squeeze %dma_start3A_127 : memref<1x64x128xf32, #tpu.memory_space<hbm>> -> memref<64x128xf32, #tpu.memory_space<hbm>>
      %dma_start3A_129 = arith.constant 0 : i32
      %dma_start3A_130 = tpu.memref_slice %arg6[%arg0, %add3A_94, %dma_start3A_129] : memref<2x10240x128xf32, #tpu.memory_space<hbm>> -> memref<1x64x128xf32, #tpu.memory_space<hbm>>
      %dma_start3A_131 = tpu.memref_squeeze %dma_start3A_130 : memref<1x64x128xf32, #tpu.memory_space<hbm>> -> memref<64x128xf32, #tpu.memory_space<hbm>>
      tpu.enqueue_dma source(%arg10 : memref<64x128xf32, #tpu.memory_space<vmem>>) target(%dma_start3A_131 : memref<64x128xf32, #tpu.memory_space<hbm>>) target_semaphore(%run_scoped3A : memref<!tpu.dma_semaphore, #tpu.memory_space<semaphore_mem>>)
      %dma_wait3A = arith.constant 0 : i32
      %dma_wait3A_132 = tpu.memref_slice %arg6[%arg0, %add3A_94, %dma_wait3A] : memref<2x10240x128xf32, #tpu.memory_space<hbm>> -> memref<1x64x128xf32, #tpu.memory_space<hbm>>
      %dma_wait3A_133 = tpu.memref_squeeze %dma_wait3A_132 : memref<1x64x128xf32, #tpu.memory_space<hbm>> -> memref<64x128xf32, #tpu.memory_space<hbm>>
      %dma_wait3A_134 = arith.constant 0 : i32
      %dma_wait3A_135 = tpu.memref_slice %arg6[%arg0, %add3A_94, %dma_wait3A_134] : memref<2x10240x128xf32, #tpu.memory_space<hbm>> -> memref<1x64x128xf32, #tpu.memory_space<hbm>>
      %dma_wait3A_136 = tpu.memref_squeeze %dma_wait3A_135 : memref<1x64x128xf32, #tpu.memory_space<hbm>> -> memref<64x128xf32, #tpu.memory_space<hbm>>
      tpu.wait_dma2 semaphore(%run_scoped3A : memref<!tpu.dma_semaphore, #tpu.memory_space<semaphore_mem>>) src(%arg10 : memref<64x128xf32, #tpu.memory_space<vmem>>) dst(%dma_wait3A_136 : memref<64x128xf32, #tpu.memory_space<hbm>>)
      tpu.yield
    }) : () -> ()
    %mul3A_95 = arith.constant 640 : i32
    %mul3A_96 = arith.muli %arg1, %mul3A_95 : i32
    %add3A_97 = arith.constant 384 : i32
    %add3A_98 = arith.addi %mul3A_96, %add3A_97 : i32
    "tpu.region"() ({
      %run_scoped3A = tpu.sem_alloc : memref<!tpu.dma_semaphore, #tpu.memory_space<semaphore_mem>>
      %dma_start3A = arith.constant 0 : i32
      %dma_start3A_127 = tpu.memref_slice %arg11[%add3A_98, %dma_start3A] : memref<10240x128xf32, #tpu.memory_space<vmem_shared>> -> memref<64x128xf32, #tpu.memory_space<vmem_shared>>
      %dma_start3A_128 = arith.constant 0 : i32
      %dma_start3A_129 = tpu.memref_slice %arg11[%add3A_98, %dma_start3A_128] : memref<10240x128xf32, #tpu.memory_space<vmem_shared>> -> memref<64x128xf32, #tpu.memory_space<vmem_shared>>
      tpu.enqueue_dma source(%dma_start3A_129 : memref<64x128xf32, #tpu.memory_space<vmem_shared>>) target(%arg10 : memref<64x128xf32, #tpu.memory_space<vmem>>) target_semaphore(%run_scoped3A : memref<!tpu.dma_semaphore, #tpu.memory_space<semaphore_mem>>)
      %dma_wait3A = arith.constant 0 : i32
      %dma_wait3A_130 = tpu.memref_slice %arg11[%add3A_98, %dma_wait3A] : memref<10240x128xf32, #tpu.memory_space<vmem_shared>> -> memref<64x128xf32, #tpu.memory_space<vmem_shared>>
      %dma_wait3A_131 = arith.constant 0 : i32
      %dma_wait3A_132 = tpu.memref_slice %arg11[%add3A_98, %dma_wait3A_131] : memref<10240x128xf32, #tpu.memory_space<vmem_shared>> -> memref<64x128xf32, #tpu.memory_space<vmem_shared>>
      tpu.wait_dma2 semaphore(%run_scoped3A : memref<!tpu.dma_semaphore, #tpu.memory_space<semaphore_mem>>) src(%dma_wait3A_132 : memref<64x128xf32, #tpu.memory_space<vmem_shared>>) dst(%arg10 : memref<64x128xf32, #tpu.memory_space<vmem>>)
      tpu.yield
    }) : () -> ()
    %mul3A_99 = arith.constant 640 : i32
    %mul3A_100 = arith.muli %arg1, %mul3A_99 : i32
    %add3A_101 = arith.constant 384 : i32
    %add3A_102 = arith.addi %mul3A_100, %add3A_101 : i32
    "tpu.region"() ({
      %run_scoped3A = tpu.sem_alloc : memref<!tpu.dma_semaphore, #tpu.memory_space<semaphore_mem>>
      %dma_start3A = arith.constant 0 : i32
      %dma_start3A_127 = tpu.memref_slice %arg6[%arg0, %add3A_102, %dma_start3A] : memref<2x10240x128xf32, #tpu.memory_space<hbm>> -> memref<1x64x128xf32, #tpu.memory_space<hbm>>
      %dma_start3A_128 = tpu.memref_squeeze %dma_start3A_127 : memref<1x64x128xf32, #tpu.memory_space<hbm>> -> memref<64x128xf32, #tpu.memory_space<hbm>>
      %dma_start3A_129 = arith.constant 0 : i32
      %dma_start3A_130 = tpu.memref_slice %arg6[%arg0, %add3A_102, %dma_start3A_129] : memref<2x10240x128xf32, #tpu.memory_space<hbm>> -> memref<1x64x128xf32, #tpu.memory_space<hbm>>
      %dma_start3A_131 = tpu.memref_squeeze %dma_start3A_130 : memref<1x64x128xf32, #tpu.memory_space<hbm>> -> memref<64x128xf32, #tpu.memory_space<hbm>>
      tpu.enqueue_dma source(%arg10 : memref<64x128xf32, #tpu.memory_space<vmem>>) target(%dma_start3A_131 : memref<64x128xf32, #tpu.memory_space<hbm>>) target_semaphore(%run_scoped3A : memref<!tpu.dma_semaphore, #tpu.memory_space<semaphore_mem>>)
      %dma_wait3A = arith.constant 0 : i32
      %dma_wait3A_132 = tpu.memref_slice %arg6[%arg0, %add3A_102, %dma_wait3A] : memref<2x10240x128xf32, #tpu.memory_space<hbm>> -> memref<1x64x128xf32, #tpu.memory_space<hbm>>
      %dma_wait3A_133 = tpu.memref_squeeze %dma_wait3A_132 : memref<1x64x128xf32, #tpu.memory_space<hbm>> -> memref<64x128xf32, #tpu.memory_space<hbm>>
      %dma_wait3A_134 = arith.constant 0 : i32
      %dma_wait3A_135 = tpu.memref_slice %arg6[%arg0, %add3A_102, %dma_wait3A_134] : memref<2x10240x128xf32, #tpu.memory_space<hbm>> -> memref<1x64x128xf32, #tpu.memory_space<hbm>>
      %dma_wait3A_136 = tpu.memref_squeeze %dma_wait3A_135 : memref<1x64x128xf32, #tpu.memory_space<hbm>> -> memref<64x128xf32, #tpu.memory_space<hbm>>
      tpu.wait_dma2 semaphore(%run_scoped3A : memref<!tpu.dma_semaphore, #tpu.memory_space<semaphore_mem>>) src(%arg10 : memref<64x128xf32, #tpu.memory_space<vmem>>) dst(%dma_wait3A_136 : memref<64x128xf32, #tpu.memory_space<hbm>>)
      tpu.yield
    }) : () -> ()
    %mul3A_103 = arith.constant 640 : i32
    %mul3A_104 = arith.muli %arg1, %mul3A_103 : i32
    %add3A_105 = arith.constant 448 : i32
    %add3A_106 = arith.addi %mul3A_104, %add3A_105 : i32
    "tpu.region"() ({
      %run_scoped3A = tpu.sem_alloc : memref<!tpu.dma_semaphore, #tpu.memory_space<semaphore_mem>>
      %dma_start3A = arith.constant 0 : i32
      %dma_start3A_127 = tpu.memref_slice %arg11[%add3A_106, %dma_start3A] : memref<10240x128xf32, #tpu.memory_space<vmem_shared>> -> memref<64x128xf32, #tpu.memory_space<vmem_shared>>
      %dma_start3A_128 = arith.constant 0 : i32
      %dma_start3A_129 = tpu.memref_slice %arg11[%add3A_106, %dma_start3A_128] : memref<10240x128xf32, #tpu.memory_space<vmem_shared>> -> memref<64x128xf32, #tpu.memory_space<vmem_shared>>
      tpu.enqueue_dma source(%dma_start3A_129 : memref<64x128xf32, #tpu.memory_space<vmem_shared>>) target(%arg10 : memref<64x128xf32, #tpu.memory_space<vmem>>) target_semaphore(%run_scoped3A : memref<!tpu.dma_semaphore, #tpu.memory_space<semaphore_mem>>)
      %dma_wait3A = arith.constant 0 : i32
      %dma_wait3A_130 = tpu.memref_slice %arg11[%add3A_106, %dma_wait3A] : memref<10240x128xf32, #tpu.memory_space<vmem_shared>> -> memref<64x128xf32, #tpu.memory_space<vmem_shared>>
      %dma_wait3A_131 = arith.constant 0 : i32
      %dma_wait3A_132 = tpu.memref_slice %arg11[%add3A_106, %dma_wait3A_131] : memref<10240x128xf32, #tpu.memory_space<vmem_shared>> -> memref<64x128xf32, #tpu.memory_space<vmem_shared>>
      tpu.wait_dma2 semaphore(%run_scoped3A : memref<!tpu.dma_semaphore, #tpu.memory_space<semaphore_mem>>) src(%dma_wait3A_132 : memref<64x128xf32, #tpu.memory_space<vmem_shared>>) dst(%arg10 : memref<64x128xf32, #tpu.memory_space<vmem>>)
      tpu.yield
    }) : () -> ()
    %mul3A_107 = arith.constant 640 : i32
    %mul3A_108 = arith.muli %arg1, %mul3A_107 : i32
    %add3A_109 = arith.constant 448 : i32
    %add3A_110 = arith.addi %mul3A_108, %add3A_109 : i32
    "tpu.region"() ({
      %run_scoped3A = tpu.sem_alloc : memref<!tpu.dma_semaphore, #tpu.memory_space<semaphore_mem>>
      %dma_start3A = arith.constant 0 : i32
      %dma_start3A_127 = tpu.memref_slice %arg6[%arg0, %add3A_110, %dma_start3A] : memref<2x10240x128xf32, #tpu.memory_space<hbm>> -> memref<1x64x128xf32, #tpu.memory_space<hbm>>
      %dma_start3A_128 = tpu.memref_squeeze %dma_start3A_127 : memref<1x64x128xf32, #tpu.memory_space<hbm>> -> memref<64x128xf32, #tpu.memory_space<hbm>>
      %dma_start3A_129 = arith.constant 0 : i32
      %dma_start3A_130 = tpu.memref_slice %arg6[%arg0, %add3A_110, %dma_start3A_129] : memref<2x10240x128xf32, #tpu.memory_space<hbm>> -> memref<1x64x128xf32, #tpu.memory_space<hbm>>
      %dma_start3A_131 = tpu.memref_squeeze %dma_start3A_130 : memref<1x64x128xf32, #tpu.memory_space<hbm>> -> memref<64x128xf32, #tpu.memory_space<hbm>>
      tpu.enqueue_dma source(%arg10 : memref<64x128xf32, #tpu.memory_space<vmem>>) target(%dma_start3A_131 : memref<64x128xf32, #tpu.memory_space<hbm>>) target_semaphore(%run_scoped3A : memref<!tpu.dma_semaphore, #tpu.memory_space<semaphore_mem>>)
      %dma_wait3A = arith.constant 0 : i32
      %dma_wait3A_132 = tpu.memref_slice %arg6[%arg0, %add3A_110, %dma_wait3A] : memref<2x10240x128xf32, #tpu.memory_space<hbm>> -> memref<1x64x128xf32, #tpu.memory_space<hbm>>
      %dma_wait3A_133 = tpu.memref_squeeze %dma_wait3A_132 : memref<1x64x128xf32, #tpu.memory_space<hbm>> -> memref<64x128xf32, #tpu.memory_space<hbm>>
      %dma_wait3A_134 = arith.constant 0 : i32
      %dma_wait3A_135 = tpu.memref_slice %arg6[%arg0, %add3A_110, %dma_wait3A_134] : memref<2x10240x128xf32, #tpu.memory_space<hbm>> -> memref<1x64x128xf32, #tpu.memory_space<hbm>>
      %dma_wait3A_136 = tpu.memref_squeeze %dma_wait3A_135 : memref<1x64x128xf32, #tpu.memory_space<hbm>> -> memref<64x128xf32, #tpu.memory_space<hbm>>
      tpu.wait_dma2 semaphore(%run_scoped3A : memref<!tpu.dma_semaphore, #tpu.memory_space<semaphore_mem>>) src(%arg10 : memref<64x128xf32, #tpu.memory_space<vmem>>) dst(%dma_wait3A_136 : memref<64x128xf32, #tpu.memory_space<hbm>>)
      tpu.yield
    }) : () -> ()
    %mul3A_111 = arith.constant 640 : i32
    %mul3A_112 = arith.muli %arg1, %mul3A_111 : i32
    %add3A_113 = arith.constant 512 : i32
    %add3A_114 = arith.addi %mul3A_112, %add3A_113 : i32
    "tpu.region"() ({
      %run_scoped3A = tpu.sem_alloc : memref<!tpu.dma_semaphore, #tpu.memory_space<semaphore_mem>>
      %dma_start3A = arith.constant 0 : i32
      %dma_start3A_127 = tpu.memref_slice %arg11[%add3A_114, %dma_start3A] : memref<10240x128xf32, #tpu.memory_space<vmem_shared>> -> memref<64x128xf32, #tpu.memory_space<vmem_shared>>
      %dma_start3A_128 = arith.constant 0 : i32
      %dma_start3A_129 = tpu.memref_slice %arg11[%add3A_114, %dma_start3A_128] : memref<10240x128xf32, #tpu.memory_space<vmem_shared>> -> memref<64x128xf32, #tpu.memory_space<vmem_shared>>
      tpu.enqueue_dma source(%dma_start3A_129 : memref<64x128xf32, #tpu.memory_space<vmem_shared>>) target(%arg10 : memref<64x128xf32, #tpu.memory_space<vmem>>) target_semaphore(%run_scoped3A : memref<!tpu.dma_semaphore, #tpu.memory_space<semaphore_mem>>)
      %dma_wait3A = arith.constant 0 : i32
      %dma_wait3A_130 = tpu.memref_slice %arg11[%add3A_114, %dma_wait3A] : memref<10240x128xf32, #tpu.memory_space<vmem_shared>> -> memref<64x128xf32, #tpu.memory_space<vmem_shared>>
      %dma_wait3A_131 = arith.constant 0 : i32
      %dma_wait3A_132 = tpu.memref_slice %arg11[%add3A_114, %dma_wait3A_131] : memref<10240x128xf32, #tpu.memory_space<vmem_shared>> -> memref<64x128xf32, #tpu.memory_space<vmem_shared>>
      tpu.wait_dma2 semaphore(%run_scoped3A : memref<!tpu.dma_semaphore, #tpu.memory_space<semaphore_mem>>) src(%dma_wait3A_132 : memref<64x128xf32, #tpu.memory_space<vmem_shared>>) dst(%arg10 : memref<64x128xf32, #tpu.memory_space<vmem>>)
      tpu.yield
    }) : () -> ()
    %mul3A_115 = arith.constant 640 : i32
    %mul3A_116 = arith.muli %arg1, %mul3A_115 : i32
    %add3A_117 = arith.constant 512 : i32
    %add3A_118 = arith.addi %mul3A_116, %add3A_117 : i32
    "tpu.region"() ({
      %run_scoped3A = tpu.sem_alloc : memref<!tpu.dma_semaphore, #tpu.memory_space<semaphore_mem>>
      %dma_start3A = arith.constant 0 : i32
      %dma_start3A_127 = tpu.memref_slice %arg6[%arg0, %add3A_118, %dma_start3A] : memref<2x10240x128xf32, #tpu.memory_space<hbm>> -> memref<1x64x128xf32, #tpu.memory_space<hbm>>
      %dma_start3A_128 = tpu.memref_squeeze %dma_start3A_127 : memref<1x64x128xf32, #tpu.memory_space<hbm>> -> memref<64x128xf32, #tpu.memory_space<hbm>>
      %dma_start3A_129 = arith.constant 0 : i32
      %dma_start3A_130 = tpu.memref_slice %arg6[%arg0, %add3A_118, %dma_start3A_129] : memref<2x10240x128xf32, #tpu.memory_space<hbm>> -> memref<1x64x128xf32, #tpu.memory_space<hbm>>
      %dma_start3A_131 = tpu.memref_squeeze %dma_start3A_130 : memref<1x64x128xf32, #tpu.memory_space<hbm>> -> memref<64x128xf32, #tpu.memory_space<hbm>>
      tpu.enqueue_dma source(%arg10 : memref<64x128xf32, #tpu.memory_space<vmem>>) target(%dma_start3A_131 : memref<64x128xf32, #tpu.memory_space<hbm>>) target_semaphore(%run_scoped3A : memref<!tpu.dma_semaphore, #tpu.memory_space<semaphore_mem>>)
      %dma_wait3A = arith.constant 0 : i32
      %dma_wait3A_132 = tpu.memref_slice %arg6[%arg0, %add3A_118, %dma_wait3A] : memref<2x10240x128xf32, #tpu.memory_space<hbm>> -> memref<1x64x128xf32, #tpu.memory_space<hbm>>
      %dma_wait3A_133 = tpu.memref_squeeze %dma_wait3A_132 : memref<1x64x128xf32, #tpu.memory_space<hbm>> -> memref<64x128xf32, #tpu.memory_space<hbm>>
      %dma_wait3A_134 = arith.constant 0 : i32
      %dma_wait3A_135 = tpu.memref_slice %arg6[%arg0, %add3A_118, %dma_wait3A_134] : memref<2x10240x128xf32, #tpu.memory_space<hbm>> -> memref<1x64x128xf32, #tpu.memory_space<hbm>>
      %dma_wait3A_136 = tpu.memref_squeeze %dma_wait3A_135 : memref<1x64x128xf32, #tpu.memory_space<hbm>> -> memref<64x128xf32, #tpu.memory_space<hbm>>
      tpu.wait_dma2 semaphore(%run_scoped3A : memref<!tpu.dma_semaphore, #tpu.memory_space<semaphore_mem>>) src(%arg10 : memref<64x128xf32, #tpu.memory_space<vmem>>) dst(%dma_wait3A_136 : memref<64x128xf32, #tpu.memory_space<hbm>>)
      tpu.yield
    }) : () -> ()
    %mul3A_119 = arith.constant 640 : i32
    %mul3A_120 = arith.muli %arg1, %mul3A_119 : i32
    %add3A_121 = arith.constant 576 : i32
    %add3A_122 = arith.addi %mul3A_120, %add3A_121 : i32
    "tpu.region"() ({
      %run_scoped3A = tpu.sem_alloc : memref<!tpu.dma_semaphore, #tpu.memory_space<semaphore_mem>>
      %dma_start3A = arith.constant 0 : i32
      %dma_start3A_127 = tpu.memref_slice %arg11[%add3A_122, %dma_start3A] : memref<10240x128xf32, #tpu.memory_space<vmem_shared>> -> memref<64x128xf32, #tpu.memory_space<vmem_shared>>
      %dma_start3A_128 = arith.constant 0 : i32
      %dma_start3A_129 = tpu.memref_slice %arg11[%add3A_122, %dma_start3A_128] : memref<10240x128xf32, #tpu.memory_space<vmem_shared>> -> memref<64x128xf32, #tpu.memory_space<vmem_shared>>
      tpu.enqueue_dma source(%dma_start3A_129 : memref<64x128xf32, #tpu.memory_space<vmem_shared>>) target(%arg10 : memref<64x128xf32, #tpu.memory_space<vmem>>) target_semaphore(%run_scoped3A : memref<!tpu.dma_semaphore, #tpu.memory_space<semaphore_mem>>)
      %dma_wait3A = arith.constant 0 : i32
      %dma_wait3A_130 = tpu.memref_slice %arg11[%add3A_122, %dma_wait3A] : memref<10240x128xf32, #tpu.memory_space<vmem_shared>> -> memref<64x128xf32, #tpu.memory_space<vmem_shared>>
      %dma_wait3A_131 = arith.constant 0 : i32
      %dma_wait3A_132 = tpu.memref_slice %arg11[%add3A_122, %dma_wait3A_131] : memref<10240x128xf32, #tpu.memory_space<vmem_shared>> -> memref<64x128xf32, #tpu.memory_space<vmem_shared>>
      tpu.wait_dma2 semaphore(%run_scoped3A : memref<!tpu.dma_semaphore, #tpu.memory_space<semaphore_mem>>) src(%dma_wait3A_132 : memref<64x128xf32, #tpu.memory_space<vmem_shared>>) dst(%arg10 : memref<64x128xf32, #tpu.memory_space<vmem>>)
      tpu.yield
    }) : () -> ()
    %mul3A_123 = arith.constant 640 : i32
    %mul3A_124 = arith.muli %arg1, %mul3A_123 : i32
    %add3A_125 = arith.constant 576 : i32
    %add3A_126 = arith.addi %mul3A_124, %add3A_125 : i32
    "tpu.region"() ({
      %run_scoped3A = tpu.sem_alloc : memref<!tpu.dma_semaphore, #tpu.memory_space<semaphore_mem>>
      %dma_start3A = arith.constant 0 : i32
      %dma_start3A_127 = tpu.memref_slice %arg6[%arg0, %add3A_126, %dma_start3A] : memref<2x10240x128xf32, #tpu.memory_space<hbm>> -> memref<1x64x128xf32, #tpu.memory_space<hbm>>
      %dma_start3A_128 = tpu.memref_squeeze %dma_start3A_127 : memref<1x64x128xf32, #tpu.memory_space<hbm>> -> memref<64x128xf32, #tpu.memory_space<hbm>>
      %dma_start3A_129 = arith.constant 0 : i32
      %dma_start3A_130 = tpu.memref_slice %arg6[%arg0, %add3A_126, %dma_start3A_129] : memref<2x10240x128xf32, #tpu.memory_space<hbm>> -> memref<1x64x128xf32, #tpu.memory_space<hbm>>
      %dma_start3A_131 = tpu.memref_squeeze %dma_start3A_130 : memref<1x64x128xf32, #tpu.memory_space<hbm>> -> memref<64x128xf32, #tpu.memory_space<hbm>>
      tpu.enqueue_dma source(%arg10 : memref<64x128xf32, #tpu.memory_space<vmem>>) target(%dma_start3A_131 : memref<64x128xf32, #tpu.memory_space<hbm>>) target_semaphore(%run_scoped3A : memref<!tpu.dma_semaphore, #tpu.memory_space<semaphore_mem>>)
      %dma_wait3A = arith.constant 0 : i32
      %dma_wait3A_132 = tpu.memref_slice %arg6[%arg0, %add3A_126, %dma_wait3A] : memref<2x10240x128xf32, #tpu.memory_space<hbm>> -> memref<1x64x128xf32, #tpu.memory_space<hbm>>
      %dma_wait3A_133 = tpu.memref_squeeze %dma_wait3A_132 : memref<1x64x128xf32, #tpu.memory_space<hbm>> -> memref<64x128xf32, #tpu.memory_space<hbm>>
      %dma_wait3A_134 = arith.constant 0 : i32
      %dma_wait3A_135 = tpu.memref_slice %arg6[%arg0, %add3A_126, %dma_wait3A_134] : memref<2x10240x128xf32, #tpu.memory_space<hbm>> -> memref<1x64x128xf32, #tpu.memory_space<hbm>>
      %dma_wait3A_136 = tpu.memref_squeeze %dma_wait3A_135 : memref<1x64x128xf32, #tpu.memory_space<hbm>> -> memref<64x128xf32, #tpu.memory_space<hbm>>
      tpu.wait_dma2 semaphore(%run_scoped3A : memref<!tpu.dma_semaphore, #tpu.memory_space<semaphore_mem>>) src(%arg10 : memref<64x128xf32, #tpu.memory_space<vmem>>) dst(%dma_wait3A_136 : memref<64x128xf32, #tpu.memory_space<hbm>>)
      tpu.yield
    }) : () -> ()
    return
  }
}

module attributes {stable_mosaic.version = 14 : i64} {
  func.func @_tc_body(%arg0: i32, %arg1: memref<2x1000x128xf32, #tpu.memory_space<vmem>>, %arg2: memref<2x1000x1xf32, #tpu.memory_space<vmem>>, %arg3: memref<1000x128xf32, #tpu.memory_space<vmem>>, %arg4: memref<128x128xf32, #tpu.memory_space<vmem>>, %arg5: memref<128x128xf32, #tpu.memory_space<vmem>>, %arg6: memref<1x128xf32, #tpu.memory_space<vmem>>, %arg7: memref<1x128xf32, #tpu.memory_space<vmem>>, %arg8: memref<1000x128xf32, #tpu.memory_space<vmem>>) attributes {dimension_semantics = [#tpu.dimension_semantics<arbitrary>], iteration_bounds = array<i64: 10>, scalar_prefetch = 0 : i64, scratch_operands = 0 : i64, tpu.core_type = #tpu.core_type<tc>, window_params = [{transform_indices = @transform_0, window_bounds = array<i64: 2, 1000, 128>}, {transform_indices = @transform_1, window_bounds = array<i64: 2, 1000, 1>}, {transform_indices = @transform_2, window_bounds = array<i64: 1000, 128>}, {pipeline_mode = #tpu.pipeline_mode<synchronous>, transform_indices = @transform_3, window_bounds = array<i64: 128, 128>}, {pipeline_mode = #tpu.pipeline_mode<synchronous>, transform_indices = @transform_4, window_bounds = array<i64: 128, 128>}, {pipeline_mode = #tpu.pipeline_mode<synchronous>, transform_indices = @transform_5, window_bounds = array<i64: 1, 128>}, {pipeline_mode = #tpu.pipeline_mode<synchronous>, transform_indices = @transform_6, window_bounds = array<i64: 1, 128>}, {transform_indices = @transform_7, window_bounds = array<i64: 1000, 128>}]} {
    %get3A = arith.constant 0 : index
    %get3A_0 = arith.constant 0 : index
    %get3A_1 = arith.constant 0 : index
    %get3A_2 = vector.load %arg1[%get3A, %get3A_0, %get3A_1] : memref<2x1000x128xf32, #tpu.memory_space<vmem>>, vector<1x1000x128xf32>
    %get3A_3 = vector.shape_cast %get3A_2 : vector<1x1000x128xf32> to vector<1000x128xf32>
    %get3A_4 = arith.constant 1 : index
    %get3A_5 = arith.constant 0 : index
    %get3A_6 = arith.constant 0 : index
    %get3A_7 = vector.load %arg1[%get3A_4, %get3A_5, %get3A_6] : memref<2x1000x128xf32, #tpu.memory_space<vmem>>, vector<1x1000x128xf32>
    %get3A_8 = vector.shape_cast %get3A_7 : vector<1x1000x128xf32> to vector<1000x128xf32>
    %add3A = arith.addf %get3A_3, %get3A_8 : vector<1000x128xf32>
    %get3A_9 = arith.constant 0 : index
    %get3A_10 = arith.constant 0 : index
    %get3A_11 = arith.constant 0 : index
    %get3A_12 = vector.load %arg2[%get3A_9, %get3A_10, %get3A_11] : memref<2x1000x1xf32, #tpu.memory_space<vmem>>, vector<1x1000x1xf32>
    %get3A_13 = vector.shape_cast %get3A_12 : vector<1x1000x1xf32> to vector<1000x1xf32>
    %get3A_14 = arith.constant 1 : index
    %get3A_15 = arith.constant 0 : index
    %get3A_16 = arith.constant 0 : index
    %get3A_17 = vector.load %arg2[%get3A_14, %get3A_15, %get3A_16] : memref<2x1000x1xf32, #tpu.memory_space<vmem>>, vector<1x1000x1xf32>
    %get3A_18 = vector.shape_cast %get3A_17 : vector<1x1000x1xf32> to vector<1000x1xf32>
    %add3A_19 = arith.addf %get3A_13, %get3A_18 : vector<1000x1xf32>
    %max3A = arith.constant 1.000000e+00 : f32
    %max3A_20 = vector.broadcast %max3A : f32 to vector<1000x1xf32>
    %max3A_21 = arith.maximumf %add3A_19, %max3A_20 : vector<1000x1xf32>
    %div3A = vector.broadcast %max3A_21 : vector<1000x1xf32> to vector<1000x128xf32>
    %div3A_22 = arith.divf %add3A, %div3A : vector<1000x128xf32>
    %get3A_23 = arith.constant 0 : index
    %get3A_24 = arith.constant 0 : index
    %get3A_25 = vector.load %arg4[%get3A_23, %get3A_24] : memref<128x128xf32, #tpu.memory_space<vmem>>, vector<128x128xf32>
    %dot_general3A = arith.constant dense<0.000000e+00> : vector<1000x128xf32>
    %dot_general3A_26 = tpu.matmul %div3A_22, %get3A_25, %dot_general3A {dimension_numbers = #tpu.dot_dimension_numbers<[1], [1], [0], [0], [0, 0, 1, 0], [], []>, transpose_lhs_hint = false} : vector<1000x128xf32>, vector<128x128xf32>, vector<1000x128xf32> -> vector<1000x128xf32>
    %get3A_27 = arith.constant 0 : index
    %get3A_28 = arith.constant 0 : index
    %get3A_29 = vector.load %arg3[%get3A_27, %get3A_28] : memref<1000x128xf32, #tpu.memory_space<vmem>>, vector<1000x128xf32>
    %get3A_30 = arith.constant 0 : index
    %get3A_31 = arith.constant 0 : index
    %get3A_32 = vector.load %arg5[%get3A_30, %get3A_31] : memref<128x128xf32, #tpu.memory_space<vmem>>, vector<128x128xf32>
    %dot_general3A_33 = arith.constant dense<0.000000e+00> : vector<1000x128xf32>
    %dot_general3A_34 = tpu.matmul %get3A_29, %get3A_32, %dot_general3A_33 {dimension_numbers = #tpu.dot_dimension_numbers<[1], [1], [0], [0], [0, 0, 1, 0], [], []>, transpose_lhs_hint = false} : vector<1000x128xf32>, vector<128x128xf32>, vector<1000x128xf32> -> vector<1000x128xf32>
    %add3A_35 = arith.addf %dot_general3A_26, %dot_general3A_34 : vector<1000x128xf32>
    %get3A_36 = arith.constant 0 : index
    %get3A_37 = arith.constant 0 : index
    %get3A_38 = vector.load %arg6[%get3A_36, %get3A_37] : memref<1x128xf32, #tpu.memory_space<vmem>>, vector<1x128xf32>
    %add3A_39 = vector.broadcast %get3A_38 : vector<1x128xf32> to vector<1000x128xf32>
    %add3A_40 = arith.addf %add3A_35, %add3A_39 : vector<1000x128xf32>
    %get3A_41 = arith.constant 0 : index
    %get3A_42 = arith.constant 0 : index
    %get3A_43 = vector.load %arg7[%get3A_41, %get3A_42] : memref<1x128xf32, #tpu.memory_space<vmem>>, vector<1x128xf32>
    %add3A_44 = vector.broadcast %get3A_43 : vector<1x128xf32> to vector<1000x128xf32>
    %add3A_45 = arith.addf %add3A_40, %add3A_44 : vector<1000x128xf32>
    %max3A_46 = arith.constant 0.000000e+00 : f32
    %max3A_47 = vector.broadcast %max3A_46 : f32 to vector<1000x128xf32>
    %max3A_48 = arith.maximumf %add3A_45, %max3A_47 : vector<1000x128xf32>
    %swap3A = arith.constant 0 : index
    %swap3A_49 = arith.constant 0 : index
    %swap3A_50 = vector.load %arg8[%swap3A, %swap3A_49] : memref<1000x128xf32, #tpu.memory_space<vmem>>, vector<1000x128xf32>
    tpu.vector_store %arg8[%swap3A, %swap3A_49], %max3A_48 {strides = array<i32>} : memref<1000x128xf32, #tpu.memory_space<vmem>>, vector<1000x128xf32>,
    return
  }
  func.func @transform_0(%arg0: i32) -> (i32, i32, i32) {
    %c0_i32 = arith.constant 0 : i32
    %c0_i32_0 = arith.constant 0 : i32
    %c0_i32_1 = arith.constant 0 : i32
    return %c0_i32, %arg0, %c0_i32_0 : i32, i32, i32
  }
  func.func @transform_1(%arg0: i32) -> (i32, i32, i32) {
    %c0_i32 = arith.constant 0 : i32
    %c0_i32_0 = arith.constant 0 : i32
    %c0_i32_1 = arith.constant 0 : i32
    return %c0_i32, %arg0, %c0_i32_0 : i32, i32, i32
  }
  func.func @transform_2(%arg0: i32) -> (i32, i32) {
    %c0_i32 = arith.constant 0 : i32
    %c0_i32_0 = arith.constant 0 : i32
    return %arg0, %c0_i32 : i32, i32
  }
  func.func @transform_3(%arg0: i32) -> (i32, i32) {
    %c0_i32 = arith.constant 0 : i32
    %c0_i32_0 = arith.constant 0 : i32
    %c0_i32_1 = arith.constant 0 : i32
    return %c0_i32, %c0_i32_0 : i32, i32
  }
  func.func @transform_4(%arg0: i32) -> (i32, i32) {
    %c0_i32 = arith.constant 0 : i32
    %c0_i32_0 = arith.constant 0 : i32
    %c0_i32_1 = arith.constant 0 : i32
    return %c0_i32, %c0_i32_0 : i32, i32
  }
  func.func @transform_5(%arg0: i32) -> (i32, i32) {
    %c0_i32 = arith.constant 0 : i32
    %c0_i32_0 = arith.constant 0 : i32
    %c0_i32_1 = arith.constant 0 : i32
    return %c0_i32, %c0_i32_0 : i32, i32
  }
  func.func @transform_6(%arg0: i32) -> (i32, i32) {
    %c0_i32 = arith.constant 0 : i32
    %c0_i32_0 = arith.constant 0 : i32
    %c0_i32_1 = arith.constant 0 : i32
    return %c0_i32, %c0_i32_0 : i32, i32
  }
  func.func @transform_7(%arg0: i32) -> (i32, i32) {
    %c0_i32 = arith.constant 0 : i32
    %c0_i32_0 = arith.constant 0 : i32
    return %arg0, %c0_i32 : i32, i32
  }
}

module attributes {stable_mosaic.version = 14 : i64} {
  func.func @_tc_body(%arg0: i32, %arg1: memref<2x1000x128xf32, #tpu.memory_space<vmem>>, %arg2: memref<2x1000x1xf32, #tpu.memory_space<vmem>>, %arg3: memref<1000x128xf32, #tpu.memory_space<vmem>>, %arg4: memref<128x128xf32, #tpu.memory_space<vmem>>, %arg5: memref<128x128xf32, #tpu.memory_space<vmem>>, %arg6: memref<1x128xf32, #tpu.memory_space<vmem>>, %arg7: memref<1x128xf32, #tpu.memory_space<vmem>>, %arg8: memref<1000x128xf32, #tpu.memory_space<vmem>>) attributes {dimension_semantics = [#tpu.dimension_semantics<arbitrary>], iteration_bounds = array<i64: 10>, scalar_prefetch = 0 : i64, scratch_operands = 0 : i64, tpu.core_type = #tpu.core_type<tc>, window_params = [{transform_indices = @transform_0, window_bounds = array<i64: 2, 1000, 128>}, {transform_indices = @transform_1, window_bounds = array<i64: 2, 1000, 1>}, {transform_indices = @transform_2, window_bounds = array<i64: 1000, 128>}, {pipeline_mode = #tpu.pipeline_mode<synchronous>, transform_indices = @transform_3, window_bounds = array<i64: 128, 128>}, {pipeline_mode = #tpu.pipeline_mode<synchronous>, transform_indices = @transform_4, window_bounds = array<i64: 128, 128>}, {pipeline_mode = #tpu.pipeline_mode<synchronous>, transform_indices = @transform_5, window_bounds = array<i64: 1, 128>}, {pipeline_mode = #tpu.pipeline_mode<synchronous>, transform_indices = @transform_6, window_bounds = array<i64: 1, 128>}, {transform_indices = @transform_7, window_bounds = array<i64: 1000, 128>}]} {
    %get3A = arith.constant 0 : index
    %get3A_0 = arith.constant 0 : index
    %get3A_1 = arith.constant 0 : index
    %get3A_2 = vector.load %arg1[%get3A, %get3A_0, %get3A_1] : memref<2x1000x128xf32, #tpu.memory_space<vmem>>, vector<1x1000x128xf32>
    %get3A_3 = vector.shape_cast %get3A_2 : vector<1x1000x128xf32> to vector<1000x128xf32>
    %get3A_4 = arith.constant 1 : index
    %get3A_5 = arith.constant 0 : index
    %get3A_6 = arith.constant 0 : index
    %get3A_7 = vector.load %arg1[%get3A_4, %get3A_5, %get3A_6] : memref<2x1000x128xf32, #tpu.memory_space<vmem>>, vector<1x1000x128xf32>
    %get3A_8 = vector.shape_cast %get3A_7 : vector<1x1000x128xf32> to vector<1000x128xf32>
    %add3A = arith.addf %get3A_3, %get3A_8 : vector<1000x128xf32>
    %get3A_9 = arith.constant 0 : index
    %get3A_10 = arith.constant 0 : index
    %get3A_11 = arith.constant 0 : index
    %get3A_12 = vector.load %arg2[%get3A_9, %get3A_10, %get3A_11] : memref<2x1000x1xf32, #tpu.memory_space<vmem>>, vector<1x1000x1xf32>
    %get3A_13 = vector.shape_cast %get3A_12 : vector<1x1000x1xf32> to vector<1000x1xf32>
    %get3A_14 = arith.constant 1 : index
    %get3A_15 = arith.constant 0 : index
    %get3A_16 = arith.constant 0 : index
    %get3A_17 = vector.load %arg2[%get3A_14, %get3A_15, %get3A_16] : memref<2x1000x1xf32, #tpu.memory_space<vmem>>, vector<1x1000x1xf32>
    %get3A_18 = vector.shape_cast %get3A_17 : vector<1x1000x1xf32> to vector<1000x1xf32>
    %add3A_19 = arith.addf %get3A_13, %get3A_18 : vector<1000x1xf32>
    %max3A = arith.constant 1.000000e+00 : f32
    %max3A_20 = vector.broadcast %max3A : f32 to vector<1000x1xf32>
    %max3A_21 = arith.maximumf %add3A_19, %max3A_20 : vector<1000x1xf32>
    %div3A = vector.broadcast %max3A_21 : vector<1000x1xf32> to vector<1000x128xf32>
    %div3A_22 = arith.divf %add3A, %div3A : vector<1000x128xf32>
    %get3A_23 = arith.constant 0 : index
    %get3A_24 = arith.constant 0 : index
    %get3A_25 = vector.load %arg4[%get3A_23, %get3A_24] : memref<128x128xf32, #tpu.memory_space<vmem>>, vector<128x128xf32>
    %dot_general3A = arith.constant dense<0.000000e+00> : vector<1000x128xf32>
    %dot_general3A_26 = tpu.matmul %div3A_22, %get3A_25, %dot_general3A {dimension_numbers = #tpu.dot_dimension_numbers<[1], [1], [0], [0], [0, 0, 1, 0], [], []>, transpose_lhs_hint = false} : vector<1000x128xf32>, vector<128x128xf32>, vector<1000x128xf32> -> vector<1000x128xf32>
    %get3A_27 = arith.constant 0 : index
    %get3A_28 = arith.constant 0 : index
    %get3A_29 = vector.load %arg3[%get3A_27, %get3A_28] : memref<1000x128xf32, #tpu.memory_space<vmem>>, vector<1000x128xf32>
    %get3A_30 = arith.constant 0 : index
    %get3A_31 = arith.constant 0 : index
    %get3A_32 = vector.load %arg5[%get3A_30, %get3A_31] : memref<128x128xf32, #tpu.memory_space<vmem>>, vector<128x128xf32>
    %dot_general3A_33 = arith.constant dense<0.000000e+00> : vector<1000x128xf32>
    %dot_general3A_34 = tpu.matmul %get3A_29, %get3A_32, %dot_general3A_33 {dimension_numbers = #tpu.dot_dimension_numbers<[1], [1], [0], [0], [0, 0, 1, 0], [], []>, transpose_lhs_hint = false} : vector<1000x128xf32>, vector<128x128xf32>, vector<1000x128xf32> -> vector<1000x128xf32>
    %add3A_35 = arith.addf %dot_general3A_26, %dot_general3A_34 : vector<1000x128xf32>
    %get3A_36 = arith.constant 0 : index
    %get3A_37 = arith.constant 0 : index
    %get3A_38 = vector.load %arg6[%get3A_36, %get3A_37] : memref<1x128xf32, #tpu.memory_space<vmem>>, vector<1x128xf32>
    %add3A_39 = vector.broadcast %get3A_38 : vector<1x128xf32> to vector<1000x128xf32>
    %add3A_40 = arith.addf %add3A_35, %add3A_39 : vector<1000x128xf32>
    %get3A_41 = arith.constant 0 : index
    %get3A_42 = arith.constant 0 : index
    %get3A_43 = vector.load %arg7[%get3A_41, %get3A_42] : memref<1x128xf32, #tpu.memory_space<vmem>>, vector<1x128xf32>
    %add3A_44 = vector.broadcast %get3A_43 : vector<1x128xf32> to vector<1000x128xf32>
    %add3A_45 = arith.addf %add3A_40, %add3A_44 : vector<1000x128xf32>
    %max3A_46 = arith.constant 0.000000e+00 : f32
    %max3A_47 = vector.broadcast %max3A_46 : f32 to vector<1000x128xf32>
    %max3A_48 = arith.maximumf %add3A_45, %max3A_47 : vector<1000x128xf32>
    %swap3A = arith.constant 0 : index
    %swap3A_49 = arith.constant 0 : index
    %swap3A_50 = vector.load %arg8[%swap3A, %swap3A_49] : memref<1000x128xf32, #tpu.memory_space<vmem>>, vector<1000x128xf32>
    tpu.vector_store %arg8[%swap3A, %swap3A_49], %max3A_48 {strides = array<i32>} : memref<1000x128xf32, #tpu.memory_space<vmem>>, vector<1000x128xf32>,
    return
  }
  func.func @transform_0(%arg0: i32) -> (i32, i32, i32) {
    %c0_i32 = arith.constant 0 : i32
    %c0_i32_0 = arith.constant 0 : i32
    %c0_i32_1 = arith.constant 0 : i32
    return %c0_i32, %arg0, %c0_i32_0 : i32, i32, i32
  }
  func.func @transform_1(%arg0: i32) -> (i32, i32, i32) {
    %c0_i32 = arith.constant 0 : i32
    %c0_i32_0 = arith.constant 0 : i32
    %c0_i32_1 = arith.constant 0 : i32
    return %c0_i32, %arg0, %c0_i32_0 : i32, i32, i32
  }
  func.func @transform_2(%arg0: i32) -> (i32, i32) {
    %c0_i32 = arith.constant 0 : i32
    %c0_i32_0 = arith.constant 0 : i32
    return %arg0, %c0_i32 : i32, i32
  }
  func.func @transform_3(%arg0: i32) -> (i32, i32) {
    %c0_i32 = arith.constant 0 : i32
    %c0_i32_0 = arith.constant 0 : i32
    %c0_i32_1 = arith.constant 0 : i32
    return %c0_i32, %c0_i32_0 : i32, i32
  }
  func.func @transform_4(%arg0: i32) -> (i32, i32) {
    %c0_i32 = arith.constant 0 : i32
    %c0_i32_0 = arith.constant 0 : i32
    %c0_i32_1 = arith.constant 0 : i32
    return %c0_i32, %c0_i32_0 : i32, i32
  }
  func.func @transform_5(%arg0: i32) -> (i32, i32) {
    %c0_i32 = arith.constant 0 : i32
    %c0_i32_0 = arith.constant 0 : i32
    %c0_i32_1 = arith.constant 0 : i32
    return %c0_i32, %c0_i32_0 : i32, i32
  }
  func.func @transform_6(%arg0: i32) -> (i32, i32) {
    %c0_i32 = arith.constant 0 : i32
    %c0_i32_0 = arith.constant 0 : i32
    %c0_i32_1 = arith.constant 0 : i32
    return %c0_i32, %c0_i32_0 : i32, i32
  }
  func.func @transform_7(%arg0: i32) -> (i32, i32) {
    %c0_i32 = arith.constant 0 : i32
    %c0_i32_0 = arith.constant 0 : i32
    return %arg0, %c0_i32 : i32, i32
  }
}

</mosaic_0001>

<sc_bundles>
// kernel: kernel.6.cloned.1.call-start
scs
__scs_entry_jumppad:
0x0: {  	(pc) =	sbr.rel $0x88, $3  }
0x1: {  	(tag) =	ssettag $0x0;
	lr =	simm.s32 $0x1  }
0x2: {  	[smem:$0x3F97] =	sst lr;
	_ =	strace $0xD0000000  }
0x3: {  	_ = 	snop  }
0x4: {  	_ = 	snop  }
0x5: {  	_ = 	snop  }
0x6: {  	_ = 	snop  }
0x7: {  	_ = 	snop  }
__scs_overlays_trampoline_lowered:
0x8: {  	[smem:$0x3FA6] =	sst s0  }
0x9: {  	[smem:$0x3FA7] =	sst s1  }
0xa: {  	[smem:$0x3FA8] =	sst s2  }
0xb: {  	[smem:$0x3FA9] =	sst s3  }
0xc: {  	[smem:$0x3FAA] =	sst s4  }
0xd: {  	[smem:$0x3FAB] =	sst s5  }
0xe: {  	[smem:$0x3FAC] =	sst s6  }
0xf: {  	[smem:$0x3FAD] =	sst s7  }
0x10: {  	[smem:$0x3FAE] =	sst s8  }
0x11: {  	[smem:$0x3FAF] =	sst s9;
	s0 =	simm.s32 @!p0 $0x0  }
0x12: {  	s1 =	sld [smem:$0x3F95];
	s0 =	simm.s32 @p0 $0x1  }
0x13: {  	[smem:$0x3FB0] =	sst s0;
	s0 =	simm.s32 @!p1 $0x0  }
0x14: {  	s2 =	sld [smem:$0x3F94];
	s0 =	simm.s32 @p1 $0x1  }
0x15: {  	[smem:$0x3FB1] =	sst s0;
	s0 =	simm.s32 @!p2 $0x0  }
0x16: {  	s3 =	sld [smem:$0x3FDB];
	s0 =	simm.s32 @p2 $0x1  }
0x17: {  	s4 =	simm.s32 $0x1BF5;
	[smem:$0x3FB3] =	sst s0  }
0x18: {  	s0 =	sld [smem:$0x3F96];
	_ =	swait.ge [sflag:s4], $0x0  }
0x19: {  	s7 =	sld [smem:$0x3F97]  }
0x1a: {  	s8 =	sadd.s32 $0xFFFFE003, lr  }
0x1b: {  	s9 =	sadd.s32 $0xFFFFFEF7, lr;
	s5 =	simm.s32 $0xFFFFFFFF;
	p2 =	slt.u32 s8, $0xFFFFF086  }
0x1c: {  	p1 =	slt.u32 s9, $0xF7A;
	s5 =	simm.s32 @!p2 $0x0  }
0x1d: {  	s5 =	simm.s32 @p1 $0x1;
	p0 =	seq.s32 s7, s2  }
0x1e: {  	s7 =	smul.u32 @!p0 $0xF7A, s2;
	p2 =	seq.s32 @!p0 s5, $0x0  }
0x1f: {  	s9 =	smul.u32 $0xF7A, s1;
	s8 =	simm.s32 @!p0 $0x1BF5;
	p2 =	por !p2, p0  }
0x20: {  	[sflag:s8] =	ssyncset.s32 @!p0 $0xFFFFF086;
	s6 =	sadd.s32 @!p0 s3, s7;
	s7 =	simm.s32 @!p0 $0x108  }
0x21: {  	s3 =	sadd.s32 s3, s9;
	s6 =	sadd.s32 @!p0 $0x88, s6;
	s7 =	simm.s32 @p2 $0x1082  }
0x22: {  	[simem:s7], [sflag:s8] =	dma.local @!p0 [hbm:s6], $0xF7A  }
0x23: {  	s9 =	sor.u32 $0xD0000000, s2;
	s6 =	simm.s32 $0x108;
	_ =	swait.ge @!p0 [sflag:s8], $0x0  }
0x24: {  	s3 =	sadd.s32 $0x88, s3;
	s6 =	simm.s32 @!p1 $0x1082;
	[sflag:s4] =	ssyncset.s32 $0xFFFFF086  }
0x25: {  	[simem:s6], [sflag:s4] =	dma.local [hbm:s3], $0xF7A  }
0x26: {  	[smem:$0x3F97] =	sst s1;
	(tag) =	ssettag s2;
	_ =	strace s9  }
0x27: {  	s1 =	sld [smem:$0x3FA7]  }
0x28: {  	s2 =	sld [smem:$0x3FA8]  }
0x29: {  	s4 =	sld [smem:$0x3FAA]  }
0x2a: {  	p0 =	seq.s32 s5, $0x0;
	s5 =	sld [smem:$0x3FAB]  }
0x2b: {  	s6 =	sld [smem:$0x3FAC]  }
0x2c: {  	s7 =	sld [smem:$0x3FAD]  }
0x2d: {  	s3 =	simm.s32 $0x108;
	s8 =	sld [smem:$0x3FAE]  }
0x2e: {  	s3 =	simm.s32 @!p0 $0x1082;
	s9 =	sld [smem:$0x3FAF]  }
0x2f: {  	lr =	sadd.s32 s0, s3;
	s0 =	sld [smem:$0x3FA6]  }
0x30: {  	s3 =	sld [smem:$0x3FA9]  }
0x31: {  	[smem:$0x3FB2] =	sst s10  }
0x32: {  	s10 =	sld [smem:$0x3FB0];
	_ =	sdelay $0x3  }
0x33: {  	p0 =	seq.s32 s10, $0x1;
	s10 =	sld [smem:$0x3FB2];
	_ =	sdelay $0x3  }
0x34: {  	[smem:$0x3FB2] =	sst s10  }
0x35: {  	s10 =	sld [smem:$0x3FB1];
	_ =	sdelay $0x3  }
0x36: {  	p1 =	seq.s32 s10, $0x1;
	s10 =	sld [smem:$0x3FB2];
	_ =	sdelay $0x3  }
0x37: {  	[smem:$0x3FB2] =	sst s10  }
0x38: {  	s10 =	sld [smem:$0x3FB3]  }
0x39: {  	_ = 	snop;
	(pc) =	sbr.ind lr, $3  }
0x3a: {  	_ = 	snop  }
0x3b: {  	_ = 	snop  }
0x3c: {  	p2 =	seq.s32 s10, $0x1;
	s10 =	sld [smem:$0x3FB2]  }
0x3d: {  	_ =	shalt  }
0x3e: {  	_ =	shalt  }
0x3f: {  	_ =	shalt  }
0x40: {  	_ =	shalt  }
0x41: {  	_ =	shalt  }
0x42: {  	_ =	shalt  }
0x43: {  	_ =	shalt  }
0x44: {  	_ =	shalt  }
0x45: {  	_ =	shalt  }
0x46: {  	_ =	shalt  }
0x47: {  	_ =	shalt  }
0x48: {  	_ =	shalt  }
0x49: {  	_ =	shalt  }
0x4a: {  	_ =	shalt  }
0x4b: {  	_ =	shalt  }
0x4c: {  	_ =	shalt  }
0x4d: {  	_ =	shalt  }
0x4e: {  	_ =	shalt  }
0x4f: {  	_ =	shalt  }
0x50: {  	_ =	shalt  }
0x51: {  	_ =	shalt  }
0x52: {  	_ =	shalt  }
0x53: {  	_ =	shalt  }
0x54: {  	_ =	shalt  }
0x55: {  	_ =	shalt  }
0x56: {  	_ =	shalt  }
0x57: {  	_ =	shalt  }
0x58: {  	_ =	shalt  }
0x59: {  	_ =	shalt  }
0x5a: {  	_ =	shalt  }
0x5b: {  	_ =	shalt  }
0x5c: {  	_ =	shalt  }
0x5d: {  	_ =	shalt  }
0x5e: {  	_ =	shalt  }
0x5f: {  	_ =	shalt  }
0x60: {  	_ =	shalt  }
0x61: {  	_ =	shalt  }
0x62: {  	_ =	shalt  }
0x63: {  	_ =	shalt  }
0x64: {  	_ =	shalt  }
0x65: {  	_ =	shalt  }
0x66: {  	_ =	shalt  }
0x67: {  	_ =	shalt  }
0x68: {  	_ =	shalt  }
0x69: {  	_ =	shalt  }
0x6a: {  	_ =	shalt  }
0x6b: {  	_ =	shalt  }
0x6c: {  	_ =	shalt  }
0x6d: {  	_ =	shalt  }
0x6e: {  	_ =	shalt  }
0x6f: {  	_ =	shalt  }
0x70: {  	_ =	shalt  }
0x71: {  	_ =	shalt  }
0x72: {  	_ =	shalt  }
0x73: {  	_ =	shalt  }
0x74: {  	_ =	shalt  }
0x75: {  	_ =	shalt  }
0x76: {  	_ =	shalt  }
0x77: {  	_ =	shalt  }
0x78: {  	_ =	shalt  }
0x79: {  	_ =	shalt  }
0x7a: {  	_ =	shalt  }
0x7b: {  	_ =	shalt  }
0x7c: {  	_ =	shalt  }
0x7d: {  	_ =	shalt  }
0x7e: {  	_ =	shalt  }
0x7f: {  	_ =	shalt  }
0x80: {  	_ =	shalt  }
0x81: {  	_ =	shalt  }
0x82: {  	_ =	shalt  }
0x83: {  	_ =	shalt  }
0x84: {  	_ =	shalt  }
0x85: {  	_ =	shalt  }
0x86: {  	_ =	shalt  }
0x87: {  	_ =	shalt  }
.Lfunc_end0:
.L_simem_size_0:
called_computation_lowered:
.L_overlay_start_0:
0x88: {  	s2 =	sld [smem:$0x3FD9]  }
0x89: {  	s3 =	sld [smem:$0x3FFE];
	_ =	sdelay $0x1  }
0x8a: {  	s1 =	srdreg.scid  }
0x8b: {  	s0 =	sand.u32 $0x1, s1  }
0x8c: {  	s17 =	sshll.u32 s0, $0xA;
	s2 =	sadd.s32 s3, s2  }
0x8d: {  	s2 =	sadd.s32 s2, s17  }
0x8e: {  	[smem:$0x3FBE] =	sst s2  }
0x8f: {  	_ = 	snop  }
0x90: {  	s2 =	sld [smem:$0x3FC9]  }
0x91: {  	s18 =	sld [smem:$0x3FD0];
	(tm) =	ssettm $0x1  }
0x92: {  	s4 =	sld [smem:$0x3FFB];
	_ =	sdelay $0x3  }
0x93: {  	_ =	strace s4  }
0x94: {  	s4 =	sld [smem:$0x3FFC];
	_ =	sdelay $0x3  }
0x95: {  	_ =	strace s4  }
0x96: {  	s4 =	sld [smem:$0x3FFD];
	_ =	sdelay $0x3  }
0x97: {  	_ =	strace s4  }
0x98: {  	_ =	strace $0x8FFFFFFF  }
0x99: {  	s19 =	sld [smem:$0x3FDB];
	_ =	sdelay $0x1  }
0x9a: {  	s5 =	simm.s32 $_scs_section_size  }
0x9b: {  	s6 =	simm.s32 $_size__tile_overlayer_lowered;
	s7 =	simm.s32 $_tile_overlayer_lowered  }
0x9c: {  	s22 =	simm.s32 $0x1BFF;
	s21 =	sshll.u32 s7, $0x1;
	s4 =	sadd.s32 s5, s19  }
0x9d: {  	s8 =	simm.s32 $0x0;
	s20 =	sshll.u32 s6, $0x1;
	s6 =	sadd.s32 s21, s4  }
0x9e: {  	[timem:s8], [sflag:s22] =	dma.local [hbm:s6], s20  }
0x9f: {  	_ =	swait.ge [sflag:s22], s20  }
0xa0: {  	s5 =	ssub.s32 $0x0, s20;
	[sflag:s22] =	ssyncset.done $0x0  }
0xa1: {  	[sflag:s22] =	ssyncadd.s32 s5;
	_ =	sdelay $0x1  }
0xa2: {  	s23 =	simm.s32 $0x1B8B  }
0xa3: {  	_ =	swait.ge [sflag:s23], $0x1  }
0xa4: {  	[sflag:s23] =	ssyncset.done $0x0  }
0xa5: {  	s25 =	simm.s32 $0x1B8E;
	s24 =	sld [smem:$0x3FFE];
	[sflag:s23] =	ssyncadd.s32 $0xFFFFFFFF  }
0xa6: {  	s26 =	simm.s32 $execute0_lowered;
	[smem:$0x3FD2] =	sst s25  }
0xa7: {  	s6 =	sshll.u32 s26, $0x1;
	_ =	strace $0x80000046;
	[dreg:$0x1] =	wrdreg $0xFFFFFFFF  }
0xa8: {  	s28 =	simm.s32 $_size_execute0_lowered;
	s4 =	sadd.s32 s4, s6;
	[dreg:$0x0] =	wrdreg $0x0  }
0xa9: {  	s6 =	sshll.u32 s28, $0x1;
	[dreg:$0x2] =	wrdreg s4  }
0xaa: {  	[dreg:$0x3] =	wrdreg s6  }
0xab: {  	[dreg:$0x4] =	wrdreg $0xC0  }
0xac: {  	_ =	task [dreg:s8], $0x5FFFF  }
0xad: {  	[dreg:$0x1] =	wrdreg $0xFFFFFFFF  }
0xae: {  	[dreg:$0x0] =	wrdreg $0x60  }
0xaf: {  	[dreg:$0x2] =	wrdreg s2  }
0xb0: {  	[dreg:$0x3] =	wrdreg s24  }
0xb1: {  	[dreg:$0x4] =	wrdreg s18  }
0xb2: {  	[dreg:$0x5] =	wrdreg $0xB0000  }
0xb3: {  	[dreg:$0x6] =	wrdreg $0x1F3000  }
0xb4: {  	[dreg:$0x7] =	wrdreg $0x9  }
0xb5: {  	_ =	task.clear_ibuf [dreg:s8], $0x8FFFF;
	_ =	strace $0x90000046  }
0xb6: {  	s29 =	simm.s32 $0x9;
	_ =	strace $0x80000048  }
0xb7: {  	_ =	swait.ge [sflag:s29], $0x1  }
0xb8: {  	[sflag:s29] =	ssyncadd.s32 $0xFFFFFFFF  }
0xb9: {  	_ =	strace $0x90000048  }
0xba: {  	_ =	sfence  }
0xbb: {  	s30 =	sld [smem:$0x0];
	_ =	sdelay $0x2  }
0xbc: {  	s31 =	sshll.u32 s1, $0xD;
	s1 =	sshrl.u32 s1, $0x2  }
0xbd: {  	s3 =	sand.u32 $0x4000, s31;
	s1 =	sadd.s32 s1, s30  }
0xbe: {  	s0 =	sor.u32 s3, s0;
	s1 =	sshll.u32 s1, $0x11  }
0xbf: {  	s0 =	sor.u32 s1, s0  }
0xc0: {  	s0 =	sadd.s32 $0x8F2B, s0  }
0xc1: {  	[sflag:s0] =	ssyncadd.remote.s32 $0x1  }
0xc2: {  	_ =	sfence.sel $0xFFFF  }
0xc3: {  	[dreg:$0x0] =	wrdreg $0xFFFFFFFF;
	(pc) =	sbr.abs _section_cstart, $3  }
0xc4: {  	[dreg:$0x1] =	wrdreg $0xFFFFFFFF  }
0xc5: {  	_ =	task.clear_ibuf [dreg:s8], $0x2FFFF;
	_ =	strace $0x9FFFFFFF  }
0xc6: {  	(tm) =	ssettm $0x7FFFFFFF  }
0xc7: {  	_ =	shalt  }
tec
execute0_lowered:
.L_overlay_start_1:
0x0: {  	(tag) =	ssettag $0x1  }
0x1: {  	s0 =	srdreg.scid;
	s18 =	stileid.u32  }
0x2: {  	s1 =	rddreg [dreg:$0x0];
	s12 =	sand.u32 $0x1, s0;
	s22 =	smul.u32 $0x280, s18  }
0x3: {  	s3 =	rddreg [dreg:$0x1];
	s16 =	smul.u32 $0x14000, s18;
	s2 =	ssub.s32 $0x2, s12  }
0x4: {  	s14 =	sadd.s32 $0x16C00, s3;
	s15 =	smul.u32 $0x140000, s12;
	s4 =	sshrl.u32 s2, $0x1  }
0x5: {  	[dreg:$0x13] =	wrdreg s22;
	s11 =	sshll.u32 s22, $0x7;
	s2 =	ssub.s32 s2, s4  }
0x6: {  	s4 =	sor.u32 $0x2000, s11;
	s5 =	sadd.s32 $0x4000, s11;
	s6 =	sadd.s32 $0x6000, s11  }
0x7: {  	s7 =	sadd.s32 $0x8000, s11;
	s8 =	sadd.s32 $0xA000, s11;
	s9 =	sadd.s32 $0xC000, s11  }
0x8: {  	s10 =	sadd.s32 $0xE000, s11;
	s13 =	sadd.s32 $0x10000, s11;
	s16 =	sadd.s32 s16, s15  }
0x9: {  	s0 =	sadd.s32 $0x12000, s11;
	s23 =	sshrl.u32 s16, $0x3;
	s24 =	sadd.s32 s15, s4  }
0xa: {  	s26 =	sadd.s32 s15, s5;
	s17 =	sadd.s32 s15, s6;
	s20 =	sadd.s32 s15, s7  }
0xb: {  	s22 =	sadd.s32 s15, s8;
	s11 =	sadd.s32 s14, s23;
	s25 =	sshrl.u32 s24, $0x3  }
0xc: {  	s16 =	sshrl.u32 s26, $0x3;
	s19 =	sshrl.u32 s17, $0x3;
	s21 =	sshrl.u32 s20, $0x3  }
0xd: {  	s23 =	sshrl.u32 s22, $0x3;
	s24 =	sadd.s32 s15, s9;
	s26 =	sadd.s32 s15, s10  }
0xe: {  	s17 =	sadd.s32 s15, s13;
	s15 =	sadd.s32 s15, s0;
	s22 =	rddreg [dreg:$0x2]  }
0xf: {  	s20 =	smul.u32 $0x500, s18;
	[dreg:$0x6] =	wrdreg s11;
	s11 =	sadd.s32 s14, s25  }
0x10: {  	s25 =	sshrl.u32 s24, $0x3;
	[dreg:$0x7] =	wrdreg s11;
	s11 =	sadd.s32 s14, s16  }
0x11: {  	s16 =	sshrl.u32 s26, $0x3;
	[dreg:$0x8] =	wrdreg s11;
	s11 =	sadd.s32 s14, s19  }
0x12: {  	[dreg:$0x9] =	wrdreg s11;
	s11 =	sadd.s32 s14, s21;
	s21 =	sshll.u32 s12, $0x4  }
0x13: {  	s12 =	sshll.u32 s12, $0x7;
	[dreg:$0xa] =	wrdreg s11;
	s11 =	sadd.s32 s14, s23  }
0x14: {  	s12 =	sor.u32 s12, s20;
	[dreg:$0xb] =	wrdreg s11;
	s11 =	sadd.s32 s14, s25  }
0x15: {  	s12 =	sshrl.u32 s12, $0x3;
	[dreg:$0xc] =	wrdreg s11;
	s11 =	sadd.s32 s14, s16  }
0x16: {  	s19 =	sshrl.u32 s17, $0x3;
	s12 =	sadd.s32 s22, s12;
	[dreg:$0xd] =	wrdreg s11  }
0x17: {  	s15 =	sshrl.u32 s15, $0x3;
	s11 =	sadd.s32 s14, s19;
	[dreg:$0x10] =	wrdreg s12  }
0x18: {  	s14 =	sadd.s32 s14, s15;
	[dreg:$0xe] =	wrdreg s11  }
0x19: {  	s2 =	smax.u32 s2, $0x1;
	s26 =	sadd.s32 $0x16600, s3;
	[dreg:$0xf] =	wrdreg s14  }
0x1a: {  	s23 =	smul.u32 $0x50000, s18;
	s15 =	sor.u32 s18, s21;
	s14 =	rddreg [dreg:$0x3]  }
0x1b: {  	s11 =	simm.s32 $0x0;
	s17 =	smul.u32 $0x500, s15;
	s15 =	rddreg [dreg:$0x4]  }
0x1c: {  	s25 =	sadd.s32 $0x16800, s3;
	s19 =	sadd.s32 $0x16400, s3;
	[smem:$0x7FF] =	sst s11  }
0x1d: {  	s28 =	sadd.s32 s8, s14;
	s29 =	sadd.s32 s9, s14;
	s30 =	sadd.s32 s10, s14  }
0x1e: {  	s31 =	sadd.s32 s13, s14;
	s13 =	sadd.s32 s0, s14;
	s8 =	simm.s32 $0x5000  }
0x1f: {  	s9 =	simm.s32 $0x1;
	_ =	strace $0x80000047;
	[dreg:$0x11] =	wrdreg s25  }
0x20: {  	s10 =	simm.s32 $0x0;
	s24 =	sadd.s32 s17, s3;
	[dreg:$0x12] =	wrdreg s26  }
0x21: {  	s17 =	sshrl.u32 s23, $0x2;
	s23 =	sadd.s32 s4, s14;
	s25 =	sadd.s32 s6, s14  }
0x22: {  	s26 =	sadd.s32 s7, s14;
	s3 =	simm.s32 $0x2;
	s4 =	simm.s32 $0x9000  }
0x23: {  	s6 =	simm.s32 $0x1F280;
	s7 =	simm.s32 $0x80;
	s20 =	sadd.s32 $0xC400, s24  }
0x24: {  	s21 =	sadd.s32 $0x2400, s24;
	s22 =	sadd.s32 s17, s14;
	s18 =	rddreg [dreg:$0x13]  }
0x25: {  	s24 =	sadd.s32 s5, s14;
	s5 =	simm.s32 $0x1F000;
	s0 =	sadd.s32 s18, s15  }
.LBB2_1:
0x26: {  	[tilespmem:s11], [sflag:$0x2] =	stream.linear.gather [hbm4b:s20+s11], $0x2780, $0x38;
	[tilespmem:$0x1F580] =	vst v63  }
0x27: {  	_ =	swait.ge [sflag:s3], $0x2780  }
0x28: {  	[sflag:s3] =	ssyncset.done $0x0  }
0x29: {  	s12 =	simm.s32 $0x2800;
	[sflag:s3] =	ssyncadd.s32 $0xFFFFD880  }
0x2a: {  	[tilespmem:s12], [sflag:$0x2] =	stream.linear.gather [hbm4b:s21+s11], $0x2780, $0x38;
	[tilespmem:$0x1F580] =	vst v63  }
0x2b: {  	_ =	swait.ge [sflag:s3], $0x2780  }
0x2c: {  	[sflag:s3] =	ssyncset.done $0x0  }
0x2d: {  	s18 =	rddreg [dreg:$0x11];
	[sflag:s3] =	ssyncadd.s32 $0xFFFFD880  }
0x2e: {  	[tilespmem:s4], [sflag:$0x2] =	stream.linear.gather [hbm4b:s18+s11], $0x2000, $0x38;
	[tilespmem:$0x1F580] =	vst v63  }
0x2f: {  	_ =	swait.ge [sflag:s3], $0x2000  }
0x30: {  	[sflag:s3] =	ssyncset.done $0x0  }
0x31: {  	[sflag:s3] =	ssyncadd.s32 $0xFFFFE000  }
0x32: {  	[spmem:s22] =	stream.linear.scatter [tilespmem:s4], [sflag:$0x2], $0x2000, $0x38;
	[tilespmem:$0x1F580] =	vst v63  }
0x33: {  	_ =	swait.ge [sflag:s3], $0x2000  }
0x34: {  	[sflag:s3] =	ssyncset.done $0x0  }
0x35: {  	[sflag:s3] =	ssyncadd.s32 $0xFFFFE000  }
0x36: {  	[spmem:s23] =	stream.linear.scatter [tilespmem:s4], [sflag:$0x2], $0x2000, $0x38;
	[tilespmem:$0x1F580] =	vst v63  }
0x37: {  	_ =	swait.ge [sflag:s3], $0x2000  }
0x38: {  	[sflag:s3] =	ssyncset.done $0x0  }
0x39: {  	[sflag:s3] =	ssyncadd.s32 $0xFFFFE000  }
0x3a: {  	[spmem:s24] =	stream.linear.scatter [tilespmem:s4], [sflag:$0x2], $0x2000, $0x38;
	[tilespmem:$0x1F580] =	vst v63  }
0x3b: {  	_ =	swait.ge [sflag:s3], $0x2000  }
0x3c: {  	[sflag:s3] =	ssyncset.done $0x0  }
0x3d: {  	[sflag:s3] =	ssyncadd.s32 $0xFFFFE000  }
0x3e: {  	[spmem:s25] =	stream.linear.scatter [tilespmem:s4], [sflag:$0x2], $0x2000, $0x38;
	[tilespmem:$0x1F580] =	vst v63  }
0x3f: {  	_ =	swait.ge [sflag:s3], $0x2000  }
0x40: {  	[sflag:s3] =	ssyncset.done $0x0  }
0x41: {  	[sflag:s3] =	ssyncadd.s32 $0xFFFFE000  }
0x42: {  	[spmem:s26] =	stream.linear.scatter [tilespmem:s4], [sflag:$0x2], $0x2000, $0x38;
	[tilespmem:$0x1F580] =	vst v63  }
0x43: {  	_ =	swait.ge [sflag:s3], $0x2000  }
0x44: {  	[sflag:s3] =	ssyncset.done $0x0  }
0x45: {  	[sflag:s3] =	ssyncadd.s32 $0xFFFFE000  }
0x46: {  	[spmem:s28] =	stream.linear.scatter [tilespmem:s4], [sflag:$0x2], $0x2000, $0x38;
	[tilespmem:$0x1F580] =	vst v63  }
0x47: {  	_ =	swait.ge [sflag:s3], $0x2000  }
0x48: {  	[sflag:s3] =	ssyncset.done $0x0  }
0x49: {  	[sflag:s3] =	ssyncadd.s32 $0xFFFFE000  }
0x4a: {  	[spmem:s29] =	stream.linear.scatter [tilespmem:s4], [sflag:$0x2], $0x2000, $0x38;
	[tilespmem:$0x1F580] =	vst v63  }
0x4b: {  	_ =	swait.ge [sflag:s3], $0x2000  }
0x4c: {  	[sflag:s3] =	ssyncset.done $0x0  }
0x4d: {  	[sflag:s3] =	ssyncadd.s32 $0xFFFFE000  }
0x4e: {  	[spmem:s30] =	stream.linear.scatter [tilespmem:s4], [sflag:$0x2], $0x2000, $0x38;
	[tilespmem:$0x1F580] =	vst v63  }
0x4f: {  	_ =	swait.ge [sflag:s3], $0x2000  }
0x50: {  	[sflag:s3] =	ssyncset.done $0x0  }
0x51: {  	[sflag:s3] =	ssyncadd.s32 $0xFFFFE000  }
0x52: {  	[spmem:s31] =	stream.linear.scatter [tilespmem:s4], [sflag:$0x2], $0x2000, $0x38;
	[tilespmem:$0x1F580] =	vst v63  }
0x53: {  	_ =	swait.ge [sflag:s3], $0x2000  }
0x54: {  	[sflag:s3] =	ssyncset.done $0x0  }
0x55: {  	[sflag:s3] =	ssyncadd.s32 $0xFFFFE000  }
0x56: {  	[spmem:s13] =	stream.linear.scatter [tilespmem:s4], [sflag:$0x2], $0x2000, $0x38;
	[tilespmem:$0x1F580] =	vst v63  }
0x57: {  	_ =	swait.ge [sflag:s3], $0x2000  }
0x58: {  	[sflag:s3] =	ssyncset.done $0x0  }
0x59: {  	s16 =	rddreg [dreg:$0x12];
	[sflag:s3] =	ssyncadd.s32 $0xFFFFE000  }
0x5a: {  	[tilespmem:s5], [sflag:$0x2] =	stream.linear.gather [hbm4b:s16+s11], $0x280, $0x38;
	[tilespmem:$0x1F580] =	vst v63  }
0x5b: {  	_ =	swait.ge [sflag:s3], $0x280  }
0x5c: {  	[sflag:s3] =	ssyncset.done $0x0  }
0x5d: {  	[sflag:s3] =	ssyncadd.s32 $0xFFFFFD80  }
0x5e: {  	[spmem:s0] =	stream.linear.scatter [tilespmem:s5], [sflag:$0x2], $0x280, $0x38;
	[tilespmem:$0x1F580] =	vst v63  }
0x5f: {  	_ =	swait.ge [sflag:s3], $0x280  }
0x60: {  	[sflag:s3] =	ssyncset.done $0x0  }
0x61: {  	[sflag:s3] =	ssyncadd.s32 $0xFFFFFD80  }
0x62: {  	[tilespmem:s6], [sflag:$0x2] =	stream.linear.gather [hbm4b:s19+s11], $0x80, $0x38;
	[tilespmem:$0x1F580] =	vst v63  }
0x63: {  	_ =	swait.ge [sflag:s3], $0x80  }
0x64: {  	[sflag:s3] =	ssyncset.done $0x0  }
0x65: {  	[sflag:s3] =	ssyncadd.s32 $0xFFFFFF80  }
0x66: {  	s17 =	simm.s32 $0x0;
	[bflag:$0x0] =	sbarrier.arrive $0xFFFF  }
0x67: {  	[tilespmem:s8], [sflag:$0x1] =	stream.indirect.gather [hbm4b:s1+s7], $0x80, s17, s7, $0xb8;
	[tilespmem:$0x1F580] =	vst v63  }
0x68: {  	_ =	swait.ge [sflag:s9], $0x4000  }
0x69: {  	[sflag:s9] =	ssyncset.done $0x0  }
0x6a: {  	s18 =	simm.s32 $0x2800;
	[sflag:s9] =	ssyncadd.s32 $0xFFFFC000  }
0x6b: {  	[spmem:s14] =	stream.indirect.scatter.add.f32 [tilespmem:s8], [sflag:$0x2], $0x80, s18, s7, $0xb8;
	[tilespmem:$0x1F580] =	vst v63  }
0x6c: {  	_ =	swait.ge [sflag:s3], $0x4000  }
0x6d: {  	[sflag:s3] =	ssyncset.done $0x0  }
0x6e: {  	[sflag:s3] =	ssyncadd.s32 $0xFFFFC000  }
0x6f: {  	[spmem:s15] =	stream.indirect.scatter.add.f32 [tilespmem:s6], [sflag:$0x2], $0x1, s18, s7, $0xb8;
	[tilespmem:$0x1F580] =	vst v63  }
0x70: {  	_ =	swait.ge [sflag:s3], $0x80  }
0x71: {  	s12 =	simm.s32 $0x200;
	s16 =	simm.s32 $0x400;
	[sflag:s3] =	ssyncset.done $0x0  }
.LBB2_2:
0x72: {  	s17 =	sshra.s32 s12, $0x2  }
0x73: {  	[sflag:s3] =	ssyncadd.s32 $0xFFFFFF80;
	s12 =	smov.u32 s16;
	s18 =	sadd.s32 $0x200, s16  }
0x74: {  	[tilespmem:s8], [sflag:$0x1] =	stream.indirect.gather [hbm4b:s1+s7], $0x80, s17, s7, $0xb8;
	[tilespmem:$0x1F580] =	vst v63  }
0x75: {  	p0 =	sne.s32 s16, $0x9C00;
	_ =	swait.ge [sflag:s9], $0x4000  }
0x76: {  	[sflag:s9] =	ssyncset.done $0x0  }
0x77: {  	s16 =	sadd.s32 $0x2800, s17;
	[sflag:s9] =	ssyncadd.s32 $0xFFFFC000  }
0x78: {  	[spmem:s14] =	stream.indirect.scatter.add.f32 [tilespmem:s8], [sflag:$0x2], $0x80, s16, s7, $0xb8;
	[tilespmem:$0x1F580] =	vst v63  }
0x79: {  	_ =	swait.ge [sflag:s3], $0x4000  }
.Ltmp0:
0x7a: {  	[sflag:s3] =	ssyncset.done $0x0;
	(pc) =	sbr.rel @p0 .LBB2_2-.Ltmp0, $4  }
0x7b: {  	[sflag:s3] =	ssyncadd.s32 $0xFFFFC000  }
0x7c: {  	[spmem:s15] =	stream.indirect.scatter.add.f32 [tilespmem:s6], [sflag:$0x2], $0x1, s16, s7, $0xb8;
	[tilespmem:$0x1F580] =	vst v63  }
0x7d: {  	_ =	swait.ge [sflag:s3], $0x80  }
0x7e: {  	s16 =	smov.u32 s18;
	[sflag:s3] =	ssyncset.done $0x0  }
0x7f: {  	s12 =	sshra.s32 s12, $0x2;
	[sflag:s3] =	ssyncadd.s32 $0xFFFFFF80  }
0x80: {  	[tilespmem:s8], [sflag:$0x1] =	stream.indirect.gather [hbm4b:s1+s7], $0x80, s12, s7, $0xb8;
	[tilespmem:$0x1F580] =	vst v63  }
0x81: {  	_ =	swait.ge [sflag:s9], $0x4000  }
0x82: {  	[sflag:s9] =	ssyncset.done $0x0  }
0x83: {  	s12 =	sadd.s32 $0x2800, s12;
	[sflag:s9] =	ssyncadd.s32 $0xFFFFC000  }
0x84: {  	[spmem:s14] =	stream.indirect.scatter.add.f32 [tilespmem:s8], [sflag:$0x2], $0x80, s12, s7, $0xb8;
	[tilespmem:$0x1F580] =	vst v63  }
0x85: {  	_ =	swait.ge [sflag:s3], $0x4000  }
0x86: {  	[sflag:s3] =	ssyncset.done $0x0  }
0x87: {  	[sflag:s3] =	ssyncadd.s32 $0xFFFFC000  }
0x88: {  	[spmem:s15] =	stream.indirect.scatter.add.f32 [tilespmem:s6], [sflag:$0x2], $0x1, s12, s7, $0xb8;
	[tilespmem:$0x1F580] =	vst v63  }
0x89: {  	_ =	swait.ge [sflag:s3], $0x80  }
0x8a: {  	[sflag:s3] =	ssyncset.done $0x0  }
0x8b: {  	[sflag:s3] =	ssyncadd.s32 $0xFFFFFF80  }
0x8c: {  	[bflag:$0x0] =	sbarrier.arrive $0xFFFF  }
0x8d: {  	[tilespmem:s4], [sflag:$0x2] =	stream.linear.gather [spmem:s22], $0x2000, $0x38;
	[tilespmem:$0x1F580] =	vst v63  }
0x8e: {  	_ =	swait.ge [sflag:s3], $0x2000  }
0x8f: {  	[sflag:s3] =	ssyncset.done $0x0  }
0x90: {  	s17 =	rddreg [dreg:$0x6];
	[sflag:s3] =	ssyncadd.s32 $0xFFFFE000  }
0x91: {  	[hbm4b:s17+s11] =	stream.linear.scatter [tilespmem:s4], [sflag:$0x2], $0x2000, $0x38;
	[tilespmem:$0x1F580] =	vst v63  }
0x92: {  	_ =	swait.ge [sflag:s3], $0x2000  }
0x93: {  	[sflag:s3] =	ssyncset.done $0x0  }
0x94: {  	[sflag:s3] =	ssyncadd.s32 $0xFFFFE000  }
0x95: {  	[tilespmem:s4], [sflag:$0x2] =	stream.linear.gather [spmem:s23], $0x2000, $0x38;
	[tilespmem:$0x1F580] =	vst v63  }
0x96: {  	_ =	swait.ge [sflag:s3], $0x2000  }
0x97: {  	[sflag:s3] =	ssyncset.done $0x0  }
0x98: {  	s18 =	rddreg [dreg:$0x7];
	[sflag:s3] =	ssyncadd.s32 $0xFFFFE000  }
0x99: {  	[hbm4b:s18+s11] =	stream.linear.scatter [tilespmem:s4], [sflag:$0x2], $0x2000, $0x38;
	[tilespmem:$0x1F580] =	vst v63  }
0x9a: {  	_ =	swait.ge [sflag:s3], $0x2000  }
0x9b: {  	[sflag:s3] =	ssyncset.done $0x0  }
0x9c: {  	[sflag:s3] =	ssyncadd.s32 $0xFFFFE000  }
0x9d: {  	[tilespmem:s4], [sflag:$0x2] =	stream.linear.gather [spmem:s24], $0x2000, $0x38;
	[tilespmem:$0x1F580] =	vst v63  }
0x9e: {  	_ =	swait.ge [sflag:s3], $0x2000  }
0x9f: {  	[sflag:s3] =	ssyncset.done $0x0  }
0xa0: {  	s16 =	rddreg [dreg:$0x8];
	[sflag:s3] =	ssyncadd.s32 $0xFFFFE000  }
0xa1: {  	[hbm4b:s16+s11] =	stream.linear.scatter [tilespmem:s4], [sflag:$0x2], $0x2000, $0x38;
	[tilespmem:$0x1F580] =	vst v63  }
0xa2: {  	_ =	swait.ge [sflag:s3], $0x2000  }
0xa3: {  	[sflag:s3] =	ssyncset.done $0x0  }
0xa4: {  	[sflag:s3] =	ssyncadd.s32 $0xFFFFE000  }
0xa5: {  	[tilespmem:s4], [sflag:$0x2] =	stream.linear.gather [spmem:s25], $0x2000, $0x38;
	[tilespmem:$0x1F580] =	vst v63  }
0xa6: {  	_ =	swait.ge [sflag:s3], $0x2000  }
0xa7: {  	[sflag:s3] =	ssyncset.done $0x0  }
0xa8: {  	s17 =	rddreg [dreg:$0x9];
	[sflag:s3] =	ssyncadd.s32 $0xFFFFE000  }
0xa9: {  	[hbm4b:s17+s11] =	stream.linear.scatter [tilespmem:s4], [sflag:$0x2], $0x2000, $0x38;
	[tilespmem:$0x1F580] =	vst v63  }
0xaa: {  	_ =	swait.ge [sflag:s3], $0x2000  }
0xab: {  	[sflag:s3] =	ssyncset.done $0x0  }
0xac: {  	[sflag:s3] =	ssyncadd.s32 $0xFFFFE000  }
0xad: {  	[tilespmem:s4], [sflag:$0x2] =	stream.linear.gather [spmem:s26], $0x2000, $0x38;
	[tilespmem:$0x1F580] =	vst v63  }
0xae: {  	_ =	swait.ge [sflag:s3], $0x2000  }
0xaf: {  	[sflag:s3] =	ssyncset.done $0x0  }
0xb0: {  	s18 =	rddreg [dreg:$0xa];
	[sflag:s3] =	ssyncadd.s32 $0xFFFFE000  }
0xb1: {  	[hbm4b:s18+s11] =	stream.linear.scatter [tilespmem:s4], [sflag:$0x2], $0x2000, $0x38;
	[tilespmem:$0x1F580] =	vst v63  }
0xb2: {  	_ =	swait.ge [sflag:s3], $0x2000  }
0xb3: {  	[sflag:s3] =	ssyncset.done $0x0  }
0xb4: {  	[sflag:s3] =	ssyncadd.s32 $0xFFFFE000  }
0xb5: {  	[tilespmem:s4], [sflag:$0x2] =	stream.linear.gather [spmem:s28], $0x2000, $0x38;
	[tilespmem:$0x1F580] =	vst v63  }
0xb6: {  	_ =	swait.ge [sflag:s3], $0x2000  }
0xb7: {  	[sflag:s3] =	ssyncset.done $0x0  }
0xb8: {  	s16 =	rddreg [dreg:$0xb];
	[sflag:s3] =	ssyncadd.s32 $0xFFFFE000  }
0xb9: {  	[hbm4b:s16+s11] =	stream.linear.scatter [tilespmem:s4], [sflag:$0x2], $0x2000, $0x38;
	[tilespmem:$0x1F580] =	vst v63  }
0xba: {  	_ =	swait.ge [sflag:s3], $0x2000  }
0xbb: {  	[sflag:s3] =	ssyncset.done $0x0  }
0xbc: {  	[sflag:s3] =	ssyncadd.s32 $0xFFFFE000  }
0xbd: {  	[tilespmem:s4], [sflag:$0x2] =	stream.linear.gather [spmem:s29], $0x2000, $0x38;
	[tilespmem:$0x1F580] =	vst v63  }
0xbe: {  	_ =	swait.ge [sflag:s3], $0x2000  }
0xbf: {  	[sflag:s3] =	ssyncset.done $0x0  }
0xc0: {  	s17 =	rddreg [dreg:$0xc];
	[sflag:s3] =	ssyncadd.s32 $0xFFFFE000  }
0xc1: {  	[hbm4b:s17+s11] =	stream.linear.scatter [tilespmem:s4], [sflag:$0x2], $0x2000, $0x38;
	[tilespmem:$0x1F580] =	vst v63  }
0xc2: {  	_ =	swait.ge [sflag:s3], $0x2000  }
0xc3: {  	[sflag:s3] =	ssyncset.done $0x0  }
0xc4: {  	[sflag:s3] =	ssyncadd.s32 $0xFFFFE000  }
0xc5: {  	[tilespmem:s4], [sflag:$0x2] =	stream.linear.gather [spmem:s30], $0x2000, $0x38;
	[tilespmem:$0x1F580] =	vst v63  }
0xc6: {  	_ =	swait.ge [sflag:s3], $0x2000  }
0xc7: {  	[sflag:s3] =	ssyncset.done $0x0  }
0xc8: {  	s18 =	rddreg [dreg:$0xd];
	[sflag:s3] =	ssyncadd.s32 $0xFFFFE000  }
0xc9: {  	[hbm4b:s18+s11] =	stream.linear.scatter [tilespmem:s4], [sflag:$0x2], $0x2000, $0x38;
	[tilespmem:$0x1F580] =	vst v63  }
0xca: {  	_ =	swait.ge [sflag:s3], $0x2000  }
0xcb: {  	[sflag:s3] =	ssyncset.done $0x0  }
0xcc: {  	[sflag:s3] =	ssyncadd.s32 $0xFFFFE000  }
0xcd: {  	[tilespmem:s4], [sflag:$0x2] =	stream.linear.gather [spmem:s31], $0x2000, $0x38;
	[tilespmem:$0x1F580] =	vst v63  }
0xce: {  	_ =	swait.ge [sflag:s3], $0x2000  }
0xcf: {  	[sflag:s3] =	ssyncset.done $0x0  }
0xd0: {  	s16 =	rddreg [dreg:$0xe];
	[sflag:s3] =	ssyncadd.s32 $0xFFFFE000  }
0xd1: {  	[hbm4b:s16+s11] =	stream.linear.scatter [tilespmem:s4], [sflag:$0x2], $0x2000, $0x38;
	[tilespmem:$0x1F580] =	vst v63  }
0xd2: {  	_ =	swait.ge [sflag:s3], $0x2000  }
0xd3: {  	[sflag:s3] =	ssyncset.done $0x0  }
0xd4: {  	[sflag:s3] =	ssyncadd.s32 $0xFFFFE000  }
0xd5: {  	[tilespmem:s4], [sflag:$0x2] =	stream.linear.gather [spmem:s13], $0x2000, $0x38;
	[tilespmem:$0x1F580] =	vst v63  }
0xd6: {  	_ =	swait.ge [sflag:s3], $0x2000  }
0xd7: {  	[sflag:s3] =	ssyncset.done $0x0  }
0xd8: {  	s17 =	rddreg [dreg:$0xf];
	[sflag:s3] =	ssyncadd.s32 $0xFFFFE000  }
0xd9: {  	[hbm4b:s17+s11] =	stream.linear.scatter [tilespmem:s4], [sflag:$0x2], $0x2000, $0x38;
	[tilespmem:$0x1F580] =	vst v63  }
0xda: {  	_ =	swait.ge [sflag:s3], $0x2000  }
0xdb: {  	[sflag:s3] =	ssyncset.done $0x0  }
0xdc: {  	[sflag:s3] =	ssyncadd.s32 $0xFFFFE000  }
0xdd: {  	[tilespmem:s5], [sflag:$0x2] =	stream.linear.gather [spmem:s0], $0x280, $0x38;
	[tilespmem:$0x1F580] =	vst v63  }
0xde: {  	s10 =	sadd.s32 $0x1, s10;
	_ =	swait.ge [sflag:s3], $0x280  }
0xdf: {  	p0 =	sne.s32 s10, s2;
	s16 =	simm.s32 $0x100;
	[sflag:s3] =	ssyncset.done $0x0  }
.Ltmp1:
0xe0: {  	s18 =	rddreg [dreg:$0x10];
	[sflag:s3] =	ssyncadd.s32 $0xFFFFFD80;
	(pc) =	sbr.rel @p0 .LBB2_1-.Ltmp1, $4  }
0xe1: {  	[hbm4b:s18+s7] =	stream.strided.scatter [tilespmem:s5], [sflag:$0x2], $0x280, s16, s7, $0x38;
	[tilespmem:$0x1F580] =	vst v63  }
0xe2: {  	_ =	swait.ge [sflag:s3], $0x280  }
0xe3: {  	[sflag:s3] =	ssyncset.done $0x0  }
0xe4: {  	[sflag:s3] =	ssyncadd.s32 $0xFFFFFD80  }
0xe5: {  	_ =	sfence.sel $0x180000  }
0xe6: {  	[bflag:$0x0] =	sbarrier.arrive $0xFFFF  }
0xe7: {  	_ =	strace $0x90000047  }
0xe8: {  	s0 =	stileid.u32;
	[bflag:$0x2] =	sbarrier.arrive $0xFFFF  }
0xe9: {  	p0 =	sne.s32 s0, $0x0;
	s0 =	rddreg [dreg:$0x5]  }
0xea: {  	s0 =	sadd.s32 @!p0 $0x100000, s0  }
0xeb: {  	[sflag:s0] =	ssyncadd.tile.s32 @!p0 $0x1;
	_ =	shalt  }
.Lfunc_end2:
_tile_overlayer_lowered:
.L_overlay_start_2:
0xec: {  	(tag) =	ssettag $0x2  }
0xed: {  	s0 =	rddreg [dreg:$0x0];
	s2 =	stileid.u32  }
0xee: {  	s1 =	rddreg [dreg:$0x1];
	p0 =	sne.s32 s2, $0x0  }
0xef: {  	s3 =	rddreg [dreg:$0x2];
	[bflag:$0x3] =	sbarrier.arrive $0xFFFF;
	s2 =	simm.s32 @!p0 $0x1C02  }
0xf0: {  	[timem:s3], [sflag:s2] =	dma.local @!p0 [hbm:s0], s1  }
0xf1: {  	s0 =	simm.s32 @!p0 $0x2  }
0xf2: {  	_ =	swait.ge @!p0 [sflag:s0], s1  }
0xf3: {  	s1 =	ssub.s32 @!p0 $0x0, s1;
	[sflag:s0] =	ssyncset.done @!p0 $0x0  }
0xf4: {  	[sflag:s0] =	ssyncadd.s32 @!p0 s1  }
0xf5: {  	[bflag:$0x3] =	sbarrier.arrive $0xFFFF  }
0xf6: {  	_ =	shalt  }

// kernel: kernel.9.cloned.1.call-start
scs
__scs_entry_jumppad:
0x0: {  	(pc) =	sbr.rel $0x88, $3  }
0x1: {  	(tag) =	ssettag $0x0;
	lr =	simm.s32 $0x1  }
0x2: {  	[smem:$0x3F97] =	sst lr;
	_ =	strace $0xD0000000  }
0x3: {  	_ = 	snop  }
0x4: {  	_ = 	snop  }
0x5: {  	_ = 	snop  }
0x6: {  	_ = 	snop  }
0x7: {  	_ = 	snop  }
__scs_overlays_trampoline_lowered:
0x8: {  	[smem:$0x3FA6] =	sst s0  }
0x9: {  	[smem:$0x3FA7] =	sst s1  }
0xa: {  	[smem:$0x3FA8] =	sst s2  }
0xb: {  	[smem:$0x3FA9] =	sst s3  }
0xc: {  	[smem:$0x3FAA] =	sst s4  }
0xd: {  	[smem:$0x3FAB] =	sst s5  }
0xe: {  	[smem:$0x3FAC] =	sst s6  }
0xf: {  	[smem:$0x3FAD] =	sst s7  }
0x10: {  	[smem:$0x3FAE] =	sst s8  }
0x11: {  	[smem:$0x3FAF] =	sst s9;
	s0 =	simm.s32 @!p0 $0x0  }
0x12: {  	s1 =	sld [smem:$0x3F95];
	s0 =	simm.s32 @p0 $0x1  }
0x13: {  	[smem:$0x3FB0] =	sst s0;
	s0 =	simm.s32 @!p1 $0x0  }
0x14: {  	s2 =	sld [smem:$0x3F94];
	s0 =	simm.s32 @p1 $0x1  }
0x15: {  	[smem:$0x3FB1] =	sst s0;
	s0 =	simm.s32 @!p2 $0x0  }
0x16: {  	s3 =	sld [smem:$0x3FDB];
	s0 =	simm.s32 @p2 $0x1  }
0x17: {  	s4 =	simm.s32 $0x1BF5;
	[smem:$0x3FB3] =	sst s0  }
0x18: {  	s0 =	sld [smem:$0x3F96];
	_ =	swait.ge [sflag:s4], $0x0  }
0x19: {  	s7 =	sld [smem:$0x3F97]  }
0x1a: {  	s8 =	sadd.s32 $0xFFFFE003, lr  }
0x1b: {  	s9 =	sadd.s32 $0xFFFFFEF7, lr;
	s5 =	simm.s32 $0xFFFFFFFF;
	p2 =	slt.u32 s8, $0xFFFFF086  }
0x1c: {  	p1 =	slt.u32 s9, $0xF7A;
	s5 =	simm.s32 @!p2 $0x0  }
0x1d: {  	s5 =	simm.s32 @p1 $0x1;
	p0 =	seq.s32 s7, s2  }
0x1e: {  	s7 =	smul.u32 @!p0 $0xF7A, s2;
	p2 =	seq.s32 @!p0 s5, $0x0  }
0x1f: {  	s9 =	smul.u32 $0xF7A, s1;
	s8 =	simm.s32 @!p0 $0x1BF5;
	p2 =	por !p2, p0  }
0x20: {  	[sflag:s8] =	ssyncset.s32 @!p0 $0xFFFFF086;
	s6 =	sadd.s32 @!p0 s3, s7;
	s7 =	simm.s32 @!p0 $0x108  }
0x21: {  	s3 =	sadd.s32 s3, s9;
	s6 =	sadd.s32 @!p0 $0x88, s6;
	s7 =	simm.s32 @p2 $0x1082  }
0x22: {  	[simem:s7], [sflag:s8] =	dma.local @!p0 [hbm:s6], $0xF7A  }
0x23: {  	s9 =	sor.u32 $0xD0000000, s2;
	s6 =	simm.s32 $0x108;
	_ =	swait.ge @!p0 [sflag:s8], $0x0  }
0x24: {  	s3 =	sadd.s32 $0x88, s3;
	s6 =	simm.s32 @!p1 $0x1082;
	[sflag:s4] =	ssyncset.s32 $0xFFFFF086  }
0x25: {  	[simem:s6], [sflag:s4] =	dma.local [hbm:s3], $0xF7A  }
0x26: {  	[smem:$0x3F97] =	sst s1;
	(tag) =	ssettag s2;
	_ =	strace s9  }
0x27: {  	s1 =	sld [smem:$0x3FA7]  }
0x28: {  	s2 =	sld [smem:$0x3FA8]  }
0x29: {  	s4 =	sld [smem:$0x3FAA]  }
0x2a: {  	p0 =	seq.s32 s5, $0x0;
	s5 =	sld [smem:$0x3FAB]  }
0x2b: {  	s6 =	sld [smem:$0x3FAC]  }
0x2c: {  	s7 =	sld [smem:$0x3FAD]  }
0x2d: {  	s3 =	simm.s32 $0x108;
	s8 =	sld [smem:$0x3FAE]  }
0x2e: {  	s3 =	simm.s32 @!p0 $0x1082;
	s9 =	sld [smem:$0x3FAF]  }
0x2f: {  	lr =	sadd.s32 s0, s3;
	s0 =	sld [smem:$0x3FA6]  }
0x30: {  	s3 =	sld [smem:$0x3FA9]  }
0x31: {  	[smem:$0x3FB2] =	sst s10  }
0x32: {  	s10 =	sld [smem:$0x3FB0];
	_ =	sdelay $0x3  }
0x33: {  	p0 =	seq.s32 s10, $0x1;
	s10 =	sld [smem:$0x3FB2];
	_ =	sdelay $0x3  }
0x34: {  	[smem:$0x3FB2] =	sst s10  }
0x35: {  	s10 =	sld [smem:$0x3FB1];
	_ =	sdelay $0x3  }
0x36: {  	p1 =	seq.s32 s10, $0x1;
	s10 =	sld [smem:$0x3FB2];
	_ =	sdelay $0x3  }
0x37: {  	[smem:$0x3FB2] =	sst s10  }
0x38: {  	s10 =	sld [smem:$0x3FB3]  }
0x39: {  	_ = 	snop;
	(pc) =	sbr.ind lr, $3  }
0x3a: {  	_ = 	snop  }
0x3b: {  	_ = 	snop  }
0x3c: {  	p2 =	seq.s32 s10, $0x1;
	s10 =	sld [smem:$0x3FB2]  }
0x3d: {  	_ =	shalt  }
0x3e: {  	_ =	shalt  }
0x3f: {  	_ =	shalt  }
0x40: {  	_ =	shalt  }
0x41: {  	_ =	shalt  }
0x42: {  	_ =	shalt  }
0x43: {  	_ =	shalt  }
0x44: {  	_ =	shalt  }
0x45: {  	_ =	shalt  }
0x46: {  	_ =	shalt  }
0x47: {  	_ =	shalt  }
0x48: {  	_ =	shalt  }
0x49: {  	_ =	shalt  }
0x4a: {  	_ =	shalt  }
0x4b: {  	_ =	shalt  }
0x4c: {  	_ =	shalt  }
0x4d: {  	_ =	shalt  }
0x4e: {  	_ =	shalt  }
0x4f: {  	_ =	shalt  }
0x50: {  	_ =	shalt  }
0x51: {  	_ =	shalt  }
0x52: {  	_ =	shalt  }
0x53: {  	_ =	shalt  }
0x54: {  	_ =	shalt  }
0x55: {  	_ =	shalt  }
0x56: {  	_ =	shalt  }
0x57: {  	_ =	shalt  }
0x58: {  	_ =	shalt  }
0x59: {  	_ =	shalt  }
0x5a: {  	_ =	shalt  }
0x5b: {  	_ =	shalt  }
0x5c: {  	_ =	shalt  }
0x5d: {  	_ =	shalt  }
0x5e: {  	_ =	shalt  }
0x5f: {  	_ =	shalt  }
0x60: {  	_ =	shalt  }
0x61: {  	_ =	shalt  }
0x62: {  	_ =	shalt  }
0x63: {  	_ =	shalt  }
0x64: {  	_ =	shalt  }
0x65: {  	_ =	shalt  }
0x66: {  	_ =	shalt  }
0x67: {  	_ =	shalt  }
0x68: {  	_ =	shalt  }
0x69: {  	_ =	shalt  }
0x6a: {  	_ =	shalt  }
0x6b: {  	_ =	shalt  }
0x6c: {  	_ =	shalt  }
0x6d: {  	_ =	shalt  }
0x6e: {  	_ =	shalt  }
0x6f: {  	_ =	shalt  }
0x70: {  	_ =	shalt  }
0x71: {  	_ =	shalt  }
0x72: {  	_ =	shalt  }
0x73: {  	_ =	shalt  }
0x74: {  	_ =	shalt  }
0x75: {  	_ =	shalt  }
0x76: {  	_ =	shalt  }
0x77: {  	_ =	shalt  }
0x78: {  	_ =	shalt  }
0x79: {  	_ =	shalt  }
0x7a: {  	_ =	shalt  }
0x7b: {  	_ =	shalt  }
0x7c: {  	_ =	shalt  }
0x7d: {  	_ =	shalt  }
0x7e: {  	_ =	shalt  }
0x7f: {  	_ =	shalt  }
0x80: {  	_ =	shalt  }
0x81: {  	_ =	shalt  }
0x82: {  	_ =	shalt  }
0x83: {  	_ =	shalt  }
0x84: {  	_ =	shalt  }
0x85: {  	_ =	shalt  }
0x86: {  	_ =	shalt  }
0x87: {  	_ =	shalt  }
.Lfunc_end0:
.L_simem_size_0:
called_computation.1_lowered:
.L_overlay_start_0:
0x88: {  	s2 =	sld [smem:$0x3FD9]  }
0x89: {  	s3 =	sld [smem:$0x3FFE];
	_ =	sdelay $0x1  }
0x8a: {  	s1 =	srdreg.scid  }
0x8b: {  	s0 =	sand.u32 $0x1, s1  }
0x8c: {  	s17 =	sshll.u32 s0, $0xA;
	s2 =	sadd.s32 s3, s2  }
0x8d: {  	s2 =	sadd.s32 s2, s17  }
0x8e: {  	[smem:$0x3FBE] =	sst s2  }
0x8f: {  	_ = 	snop  }
0x90: {  	s2 =	sld [smem:$0x3FD0];
	(tm) =	ssettm $0x1  }
0x91: {  	s18 =	sld [smem:$0x3FFB];
	_ =	sdelay $0x3  }
0x92: {  	_ =	strace s18  }
0x93: {  	s3 =	sld [smem:$0x3FFC];
	_ =	sdelay $0x3  }
0x94: {  	_ =	strace s3  }
0x95: {  	s3 =	sld [smem:$0x3FFD];
	_ =	sdelay $0x3  }
0x96: {  	_ =	strace s3  }
0x97: {  	_ =	strace $0x8FFFFFFF  }
0x98: {  	s19 =	sld [smem:$0x3FDB];
	_ =	sdelay $0x1  }
0x99: {  	s4 =	simm.s32 $_scs_section_size  }
0x9a: {  	s5 =	simm.s32 $_size__tile_overlayer_lowered;
	s6 =	simm.s32 $_tile_overlayer_lowered  }
0x9b: {  	s22 =	simm.s32 $0x1BFF;
	s21 =	sshll.u32 s6, $0x1;
	s3 =	sadd.s32 s4, s19  }
0x9c: {  	s7 =	simm.s32 $0x0;
	s20 =	sshll.u32 s5, $0x1;
	s5 =	sadd.s32 s21, s3  }
0x9d: {  	[timem:s7], [sflag:s22] =	dma.local [hbm:s5], s20  }
0x9e: {  	_ =	swait.ge [sflag:s22], s20  }
0x9f: {  	s4 =	ssub.s32 $0x0, s20;
	[sflag:s22] =	ssyncset.done $0x0  }
0xa0: {  	[sflag:s22] =	ssyncadd.s32 s4;
	_ =	sdelay $0x1  }
0xa1: {  	s23 =	simm.s32 $0x1B8B  }
0xa2: {  	_ =	swait.ge [sflag:s23], $0x1  }
0xa3: {  	[sflag:s23] =	ssyncset.done $0x0  }
0xa4: {  	s25 =	simm.s32 $0x1B8E;
	s24 =	sld [smem:$0x3FFE];
	[sflag:s23] =	ssyncadd.s32 $0xFFFFFFFF  }
0xa5: {  	s26 =	simm.s32 $execute0_lowered;
	[smem:$0x3FD2] =	sst s25  }
0xa6: {  	s5 =	sshll.u32 s26, $0x1;
	_ =	strace $0x80000049;
	[dreg:$0x1] =	wrdreg $0xFFFFFFFF  }
0xa7: {  	s28 =	simm.s32 $_size_execute0_lowered;
	s3 =	sadd.s32 s3, s5;
	[dreg:$0x0] =	wrdreg $0x0  }
0xa8: {  	s5 =	sshll.u32 s28, $0x1;
	[dreg:$0x2] =	wrdreg s3  }
0xa9: {  	[dreg:$0x3] =	wrdreg s5  }
0xaa: {  	[dreg:$0x4] =	wrdreg $0xC0  }
0xab: {  	_ =	task [dreg:s7], $0x5FFFF  }
0xac: {  	[dreg:$0x1] =	wrdreg $0xFFFFFFFF  }
0xad: {  	[dreg:$0x0] =	wrdreg $0x60  }
0xae: {  	[dreg:$0x2] =	wrdreg s2  }
0xaf: {  	[dreg:$0x3] =	wrdreg s24  }
0xb0: {  	[dreg:$0x4] =	wrdreg $0xB0000  }
0xb1: {  	[dreg:$0x5] =	wrdreg $0x9  }
0xb2: {  	_ =	task.clear_ibuf [dreg:s7], $0x6FFFF;
	_ =	strace $0x90000049  }
0xb3: {  	s29 =	simm.s32 $0x9;
	_ =	strace $0x8000004B  }
0xb4: {  	_ =	swait.ge [sflag:s29], $0x1  }
0xb5: {  	[sflag:s29] =	ssyncadd.s32 $0xFFFFFFFF  }
0xb6: {  	_ =	strace $0x9000004B  }
0xb7: {  	_ =	sfence  }
0xb8: {  	s30 =	sld [smem:$0x0];
	_ =	sdelay $0x2  }
0xb9: {  	s31 =	sshll.u32 s1, $0xD;
	s1 =	sshrl.u32 s1, $0x2  }
0xba: {  	s3 =	sand.u32 $0x4000, s31;
	s1 =	sadd.s32 s1, s30  }
0xbb: {  	s0 =	sor.u32 s3, s0;
	s1 =	sshll.u32 s1, $0x11  }
0xbc: {  	s0 =	sor.u32 s1, s0  }
0xbd: {  	s0 =	sadd.s32 $0x8F2B, s0  }
0xbe: {  	[sflag:s0] =	ssyncadd.remote.s32 $0x1  }
0xbf: {  	_ =	sfence.sel $0xFFFF  }
0xc0: {  	[dreg:$0x0] =	wrdreg $0xFFFFFFFF;
	(pc) =	sbr.abs _section_cstart, $3  }
0xc1: {  	[dreg:$0x1] =	wrdreg $0xFFFFFFFF  }
0xc2: {  	_ =	task.clear_ibuf [dreg:s7], $0x2FFFF;
	_ =	strace $0x9FFFFFFF  }
0xc3: {  	(tm) =	ssettm $0x7FFFFFFF  }
tec
execute0_lowered:
.L_overlay_start_1:
0x0: {  	(tag) =	ssettag $0x1  }
0x1: {  	s0 =	rddreg [dreg:$0x0];
	s1 =	srdreg.scid  }
0x2: {  	s3 =	rddreg [dreg:$0x1];
	s2 =	simm.s32 $0x0;
	s15 =	stileid.u32  }
0x3: {  	s30 =	simm.s32 $0x2;
	s31 =	simm.s32 $0x5000;
	s1 =	sand.u32 $0x1, s1  }
0x4: {  	s6 =	smul.u32 $0x14000, s15;
	[smem:$0x7FF] =	sst s2;
	s11 =	sadd.s32 $0x16C00, s3  }
0x5: {  	s4 =	sshll.u32 s1, $0x4;
	s5 =	ssub.s32 $0x2, s1;
	s1 =	smul.u32 $0x140000, s1  }
0x6: {  	s4 =	sor.u32 s15, s4;
	s7 =	sshrl.u32 s5, $0x1;
	s19 =	sor.u32 $0x2000, s6  }
0x7: {  	s20 =	sadd.s32 $0x4000, s6;
	s21 =	sadd.s32 $0x6000, s6;
	s22 =	sadd.s32 $0x8000, s6  }
0x8: {  	s23 =	sadd.s32 $0xA000, s6;
	s24 =	sadd.s32 $0xC000, s6;
	s25 =	sadd.s32 $0xE000, s6  }
0x9: {  	s26 =	sadd.s32 $0x10000, s6;
	s4 =	smul.u32 $0x500, s4;
	s5 =	ssub.s32 s5, s7  }
0xa: {  	s16 =	sadd.s32 s6, s1;
	s6 =	sadd.s32 $0x12000, s6;
	s8 =	sadd.s32 s1, s19  }
0xb: {  	s18 =	sadd.s32 s1, s20;
	s10 =	sadd.s32 s1, s21;
	s13 =	sadd.s32 s1, s22  }
0xc: {  	s7 =	sshrl.u32 s16, $0x3;
	s17 =	sshrl.u32 s8, $0x3;
	s9 =	sshrl.u32 s18, $0x3  }
0xd: {  	s12 =	sshrl.u32 s10, $0x3;
	s14 =	sshrl.u32 s13, $0x3;
	s16 =	sadd.s32 s1, s23  }
0xe: {  	s10 =	sadd.s32 s1, s25;
	s13 =	rddreg [dreg:$0x2];
	s18 =	smul.u32 $0x50000, s15  }
0xf: {  	s15 =	sadd.s32 $0x16800, s3;
	s29 =	smax.u32 s5, $0x1;
	s7 =	sadd.s32 s11, s7  }
0x10: {  	s8 =	sshrl.u32 s16, $0x3;
	s10 =	sshrl.u32 s10, $0x3;
	s4 =	sadd.s32 s4, s3  }
0x11: {  	s19 =	sadd.s32 s19, s13;
	s20 =	sadd.s32 s20, s13;
	s21 =	sadd.s32 s21, s13  }
0x12: {  	s22 =	sadd.s32 s22, s13;
	s23 =	sadd.s32 s23, s13;
	s25 =	sadd.s32 s25, s13  }
0x13: {  	s28 =	sadd.s32 s6, s13;
	s3 =	simm.s32 $0x1;
	[dreg:$0x4] =	wrdreg s7  }
0x14: {  	s7 =	sadd.s32 s11, s17;
	s17 =	sadd.s32 s11, s8;
	s10 =	sadd.s32 s11, s10  }
0x15: {  	s16 =	sadd.s32 $0xC400, s4;
	[dreg:$0x5] =	wrdreg s7;
	s7 =	sadd.s32 s11, s9  }
0x16: {  	s9 =	sadd.s32 s1, s24;
	[dreg:$0x9] =	wrdreg s17;
	s17 =	sadd.s32 $0x2400, s4  }
0x17: {  	s24 =	sadd.s32 s24, s13;
	s4 =	simm.s32 $0x0;
	[dreg:$0x6] =	wrdreg s7  }
0x18: {  	s7 =	sadd.s32 s11, s12;
	s9 =	sshrl.u32 s9, $0x3;
	s12 =	sadd.s32 s1, s26  }
0x19: {  	s1 =	sadd.s32 s1, s6;
	s26 =	sadd.s32 s26, s13;
	[dreg:$0x7] =	wrdreg s7  }
0x1a: {  	s7 =	sadd.s32 s11, s14;
	s9 =	sadd.s32 s11, s9;
	s12 =	sshrl.u32 s12, $0x3  }
0x1b: {  	s1 =	sshrl.u32 s1, $0x3;
	[dreg:$0x8] =	wrdreg s7;
	s12 =	sadd.s32 s11, s12  }
0x1c: {  	s14 =	sadd.s32 s11, s1;
	s1 =	sshrl.u32 s18, $0x2;
	s11 =	simm.s32 $0x9000  }
0x1d: {  	_ =	strace $0x8000004A;
	s18 =	sadd.s32 s1, s13;
	s1 =	simm.s32 $0x80  }
.LBB2_1:
0x1e: {  	[tilespmem:s2], [sflag:$0x2] =	stream.linear.gather [hbm4b:s16+s2], $0x2780, $0x38;
	[tilespmem:$0x1F000] =	vst v63  }
0x1f: {  	_ =	swait.ge [sflag:s30], $0x2780  }
0x20: {  	[sflag:s30] =	ssyncset.done $0x0  }
0x21: {  	s5 =	simm.s32 $0x2800;
	[sflag:s30] =	ssyncadd.s32 $0xFFFFD880  }
0x22: {  	[tilespmem:s5], [sflag:$0x2] =	stream.linear.gather [hbm4b:s17+s2], $0x2780, $0x38;
	[tilespmem:$0x1F000] =	vst v63  }
0x23: {  	_ =	swait.ge [sflag:s30], $0x2780  }
0x24: {  	[sflag:s30] =	ssyncset.done $0x0  }
0x25: {  	[sflag:s30] =	ssyncadd.s32 $0xFFFFD880  }
0x26: {  	[tilespmem:s11], [sflag:$0x2] =	stream.linear.gather [hbm4b:s15+s2], $0x2000, $0x38;
	[tilespmem:$0x1F000] =	vst v63  }
0x27: {  	_ =	swait.ge [sflag:s30], $0x2000  }
0x28: {  	[sflag:s30] =	ssyncset.done $0x0  }
0x29: {  	[sflag:s30] =	ssyncadd.s32 $0xFFFFE000  }
0x2a: {  	[spmem:s18] =	stream.linear.scatter [tilespmem:s11], [sflag:$0x2], $0x2000, $0x38;
	[tilespmem:$0x1F000] =	vst v63  }
0x2b: {  	_ =	swait.ge [sflag:s30], $0x2000  }
0x2c: {  	[sflag:s30] =	ssyncset.done $0x0  }
0x2d: {  	[sflag:s30] =	ssyncadd.s32 $0xFFFFE000  }
0x2e: {  	[spmem:s19] =	stream.linear.scatter [tilespmem:s11], [sflag:$0x2], $0x2000, $0x38;
	[tilespmem:$0x1F000] =	vst v63  }
0x2f: {  	_ =	swait.ge [sflag:s30], $0x2000  }
0x30: {  	[sflag:s30] =	ssyncset.done $0x0  }
0x31: {  	[sflag:s30] =	ssyncadd.s32 $0xFFFFE000  }
0x32: {  	[spmem:s20] =	stream.linear.scatter [tilespmem:s11], [sflag:$0x2], $0x2000, $0x38;
	[tilespmem:$0x1F000] =	vst v63  }
0x33: {  	_ =	swait.ge [sflag:s30], $0x2000  }
0x34: {  	[sflag:s30] =	ssyncset.done $0x0  }
0x35: {  	[sflag:s30] =	ssyncadd.s32 $0xFFFFE000  }
0x36: {  	[spmem:s21] =	stream.linear.scatter [tilespmem:s11], [sflag:$0x2], $0x2000, $0x38;
	[tilespmem:$0x1F000] =	vst v63  }
0x37: {  	_ =	swait.ge [sflag:s30], $0x2000  }
0x38: {  	[sflag:s30] =	ssyncset.done $0x0  }
0x39: {  	[sflag:s30] =	ssyncadd.s32 $0xFFFFE000  }
0x3a: {  	[spmem:s22] =	stream.linear.scatter [tilespmem:s11], [sflag:$0x2], $0x2000, $0x38;
	[tilespmem:$0x1F000] =	vst v63  }
0x3b: {  	_ =	swait.ge [sflag:s30], $0x2000  }
0x3c: {  	[sflag:s30] =	ssyncset.done $0x0  }
0x3d: {  	[sflag:s30] =	ssyncadd.s32 $0xFFFFE000  }
0x3e: {  	[spmem:s23] =	stream.linear.scatter [tilespmem:s11], [sflag:$0x2], $0x2000, $0x38;
	[tilespmem:$0x1F000] =	vst v63  }
0x3f: {  	_ =	swait.ge [sflag:s30], $0x2000  }
0x40: {  	[sflag:s30] =	ssyncset.done $0x0  }
0x41: {  	[sflag:s30] =	ssyncadd.s32 $0xFFFFE000  }
0x42: {  	[spmem:s24] =	stream.linear.scatter [tilespmem:s11], [sflag:$0x2], $0x2000, $0x38;
	[tilespmem:$0x1F000] =	vst v63  }
0x43: {  	_ =	swait.ge [sflag:s30], $0x2000  }
0x44: {  	[sflag:s30] =	ssyncset.done $0x0  }
0x45: {  	[sflag:s30] =	ssyncadd.s32 $0xFFFFE000  }
0x46: {  	[spmem:s25] =	stream.linear.scatter [tilespmem:s11], [sflag:$0x2], $0x2000, $0x38;
	[tilespmem:$0x1F000] =	vst v63  }
0x47: {  	_ =	swait.ge [sflag:s30], $0x2000  }
0x48: {  	[sflag:s30] =	ssyncset.done $0x0  }
0x49: {  	[sflag:s30] =	ssyncadd.s32 $0xFFFFE000  }
0x4a: {  	[spmem:s26] =	stream.linear.scatter [tilespmem:s11], [sflag:$0x2], $0x2000, $0x38;
	[tilespmem:$0x1F000] =	vst v63  }
0x4b: {  	_ =	swait.ge [sflag:s30], $0x2000  }
0x4c: {  	[sflag:s30] =	ssyncset.done $0x0  }
0x4d: {  	[sflag:s30] =	ssyncadd.s32 $0xFFFFE000  }
0x4e: {  	[spmem:s28] =	stream.linear.scatter [tilespmem:s11], [sflag:$0x2], $0x2000, $0x38;
	[tilespmem:$0x1F000] =	vst v63  }
0x4f: {  	_ =	swait.ge [sflag:s30], $0x2000  }
0x50: {  	[sflag:s30] =	ssyncset.done $0x0  }
0x51: {  	[sflag:s30] =	ssyncadd.s32 $0xFFFFE000  }
0x52: {  	s7 =	simm.s32 $0x0;
	[bflag:$0x0] =	sbarrier.arrive $0xFFFF  }
0x53: {  	[tilespmem:s31], [sflag:$0x1] =	stream.indirect.gather [hbm4b:s0+s1], $0x80, s7, s1, $0xb8;
	[tilespmem:$0x1F000] =	vst v63  }
0x54: {  	_ =	swait.ge [sflag:s3], $0x4000  }
0x55: {  	[sflag:s3] =	ssyncset.done $0x0  }
0x56: {  	s8 =	simm.s32 $0x2800;
	[sflag:s3] =	ssyncadd.s32 $0xFFFFC000  }
0x57: {  	[spmem:s13] =	stream.indirect.scatter.add.f32 [tilespmem:s31], [sflag:$0x2], $0x80, s8, s1, $0xb8;
	[tilespmem:$0x1F000] =	vst v63  }
0x58: {  	_ =	swait.ge [sflag:s30], $0x4000  }
0x59: {  	s6 =	simm.s32 $0x400;
	s5 =	simm.s32 $0x200;
	[sflag:s30] =	ssyncset.done $0x0  }
.LBB2_2:
0x5a: {  	s7 =	sshra.s32 s5, $0x2  }
0x5b: {  	[sflag:s30] =	ssyncadd.s32 $0xFFFFC000;
	s5 =	smov.u32 s6;
	s8 =	sadd.s32 $0x200, s6  }
0x5c: {  	[tilespmem:s31], [sflag:$0x1] =	stream.indirect.gather [hbm4b:s0+s1], $0x80, s7, s1, $0xb8;
	[tilespmem:$0x1F000] =	vst v63  }
0x5d: {  	p0 =	sne.s32 s6, $0x9C00;
	_ =	swait.ge [sflag:s3], $0x4000  }
.Ltmp0:
0x5e: {  	[sflag:s3] =	ssyncset.done $0x0;
	(pc) =	sbr.rel @p0 .LBB2_2-.Ltmp0, $4  }
0x5f: {  	s6 =	sadd.s32 $0x2800, s7;
	[sflag:s3] =	ssyncadd.s32 $0xFFFFC000  }
0x60: {  	[spmem:s13] =	stream.indirect.scatter.add.f32 [tilespmem:s31], [sflag:$0x2], $0x80, s6, s1, $0xb8;
	[tilespmem:$0x1F000] =	vst v63  }
0x61: {  	_ =	swait.ge [sflag:s30], $0x4000  }
0x62: {  	s6 =	smov.u32 s8;
	[sflag:s30] =	ssyncset.done $0x0  }
0x63: {  	s5 =	sshra.s32 s5, $0x2;
	[sflag:s30] =	ssyncadd.s32 $0xFFFFC000  }
0x64: {  	[tilespmem:s31], [sflag:$0x1] =	stream.indirect.gather [hbm4b:s0+s1], $0x80, s5, s1, $0xb8;
	[tilespmem:$0x1F000] =	vst v63  }
0x65: {  	_ =	swait.ge [sflag:s3], $0x4000  }
0x66: {  	[sflag:s3] =	ssyncset.done $0x0  }
0x67: {  	s5 =	sadd.s32 $0x2800, s5;
	[sflag:s3] =	ssyncadd.s32 $0xFFFFC000  }
0x68: {  	[spmem:s13] =	stream.indirect.scatter.add.f32 [tilespmem:s31], [sflag:$0x2], $0x80, s5, s1, $0xb8;
	[tilespmem:$0x1F000] =	vst v63  }
0x69: {  	_ =	swait.ge [sflag:s30], $0x4000  }
0x6a: {  	[sflag:s30] =	ssyncset.done $0x0  }
0x6b: {  	[sflag:s30] =	ssyncadd.s32 $0xFFFFC000  }
0x6c: {  	[bflag:$0x0] =	sbarrier.arrive $0xFFFF  }
0x6d: {  	[tilespmem:s11], [sflag:$0x2] =	stream.linear.gather [spmem:s18], $0x2000, $0x38;
	[tilespmem:$0x1F000] =	vst v63  }
0x6e: {  	_ =	swait.ge [sflag:s30], $0x2000  }
0x6f: {  	[sflag:s30] =	ssyncset.done $0x0  }
0x70: {  	s6 =	rddreg [dreg:$0x4];
	[sflag:s30] =	ssyncadd.s32 $0xFFFFE000  }
0x71: {  	[hbm4b:s6+s2] =	stream.linear.scatter [tilespmem:s11], [sflag:$0x2], $0x2000, $0x38;
	[tilespmem:$0x1F000] =	vst v63  }
0x72: {  	_ =	swait.ge [sflag:s30], $0x2000  }
0x73: {  	[sflag:s30] =	ssyncset.done $0x0  }
0x74: {  	[sflag:s30] =	ssyncadd.s32 $0xFFFFE000  }
0x75: {  	[tilespmem:s11], [sflag:$0x2] =	stream.linear.gather [spmem:s19], $0x2000, $0x38;
	[tilespmem:$0x1F000] =	vst v63  }
0x76: {  	_ =	swait.ge [sflag:s30], $0x2000  }
0x77: {  	[sflag:s30] =	ssyncset.done $0x0  }
0x78: {  	s7 =	rddreg [dreg:$0x5];
	[sflag:s30] =	ssyncadd.s32 $0xFFFFE000  }
0x79: {  	[hbm4b:s7+s2] =	stream.linear.scatter [tilespmem:s11], [sflag:$0x2], $0x2000, $0x38;
	[tilespmem:$0x1F000] =	vst v63  }
0x7a: {  	_ =	swait.ge [sflag:s30], $0x2000  }
0x7b: {  	[sflag:s30] =	ssyncset.done $0x0  }
0x7c: {  	[sflag:s30] =	ssyncadd.s32 $0xFFFFE000  }
0x7d: {  	[tilespmem:s11], [sflag:$0x2] =	stream.linear.gather [spmem:s20], $0x2000, $0x38;
	[tilespmem:$0x1F000] =	vst v63  }
0x7e: {  	_ =	swait.ge [sflag:s30], $0x2000  }
0x7f: {  	[sflag:s30] =	ssyncset.done $0x0  }
0x80: {  	s8 =	rddreg [dreg:$0x6];
	[sflag:s30] =	ssyncadd.s32 $0xFFFFE000  }
0x81: {  	[hbm4b:s8+s2] =	stream.linear.scatter [tilespmem:s11], [sflag:$0x2], $0x2000, $0x38;
	[tilespmem:$0x1F000] =	vst v63  }
0x82: {  	_ =	swait.ge [sflag:s30], $0x2000  }
0x83: {  	[sflag:s30] =	ssyncset.done $0x0  }
0x84: {  	[sflag:s30] =	ssyncadd.s32 $0xFFFFE000  }
0x85: {  	[tilespmem:s11], [sflag:$0x2] =	stream.linear.gather [spmem:s21], $0x2000, $0x38;
	[tilespmem:$0x1F000] =	vst v63  }
0x86: {  	_ =	swait.ge [sflag:s30], $0x2000  }
0x87: {  	[sflag:s30] =	ssyncset.done $0x0  }
0x88: {  	s6 =	rddreg [dreg:$0x7];
	[sflag:s30] =	ssyncadd.s32 $0xFFFFE000  }
0x89: {  	[hbm4b:s6+s2] =	stream.linear.scatter [tilespmem:s11], [sflag:$0x2], $0x2000, $0x38;
	[tilespmem:$0x1F000] =	vst v63  }
0x8a: {  	_ =	swait.ge [sflag:s30], $0x2000  }
0x8b: {  	[sflag:s30] =	ssyncset.done $0x0  }
0x8c: {  	[sflag:s30] =	ssyncadd.s32 $0xFFFFE000  }
0x8d: {  	[tilespmem:s11], [sflag:$0x2] =	stream.linear.gather [spmem:s22], $0x2000, $0x38;
	[tilespmem:$0x1F000] =	vst v63  }
0x8e: {  	_ =	swait.ge [sflag:s30], $0x2000  }
0x8f: {  	[sflag:s30] =	ssyncset.done $0x0  }
0x90: {  	s7 =	rddreg [dreg:$0x8];
	[sflag:s30] =	ssyncadd.s32 $0xFFFFE000  }
0x91: {  	[hbm4b:s7+s2] =	stream.linear.scatter [tilespmem:s11], [sflag:$0x2], $0x2000, $0x38;
	[tilespmem:$0x1F000] =	vst v63  }
0x92: {  	_ =	swait.ge [sflag:s30], $0x2000  }
0x93: {  	[sflag:s30] =	ssyncset.done $0x0  }
0x94: {  	[sflag:s30] =	ssyncadd.s32 $0xFFFFE000  }
0x95: {  	[tilespmem:s11], [sflag:$0x2] =	stream.linear.gather [spmem:s23], $0x2000, $0x38;
	[tilespmem:$0x1F000] =	vst v63  }
0x96: {  	_ =	swait.ge [sflag:s30], $0x2000  }
0x97: {  	[sflag:s30] =	ssyncset.done $0x0  }
0x98: {  	s8 =	rddreg [dreg:$0x9];
	[sflag:s30] =	ssyncadd.s32 $0xFFFFE000  }
0x99: {  	[hbm4b:s8+s2] =	stream.linear.scatter [tilespmem:s11], [sflag:$0x2], $0x2000, $0x38;
	[tilespmem:$0x1F000] =	vst v63  }
0x9a: {  	_ =	swait.ge [sflag:s30], $0x2000  }
0x9b: {  	[sflag:s30] =	ssyncset.done $0x0  }
0x9c: {  	[sflag:s30] =	ssyncadd.s32 $0xFFFFE000  }
0x9d: {  	[tilespmem:s11], [sflag:$0x2] =	stream.linear.gather [spmem:s24], $0x2000, $0x38;
	[tilespmem:$0x1F000] =	vst v63  }
0x9e: {  	_ =	swait.ge [sflag:s30], $0x2000  }
0x9f: {  	[sflag:s30] =	ssyncset.done $0x0  }
0xa0: {  	[sflag:s30] =	ssyncadd.s32 $0xFFFFE000  }
0xa1: {  	[hbm4b:s9+s2] =	stream.linear.scatter [tilespmem:s11], [sflag:$0x2], $0x2000, $0x38;
	[tilespmem:$0x1F000] =	vst v63  }
0xa2: {  	_ =	swait.ge [sflag:s30], $0x2000  }
0xa3: {  	[sflag:s30] =	ssyncset.done $0x0  }
0xa4: {  	[sflag:s30] =	ssyncadd.s32 $0xFFFFE000  }
0xa5: {  	[tilespmem:s11], [sflag:$0x2] =	stream.linear.gather [spmem:s25], $0x2000, $0x38;
	[tilespmem:$0x1F000] =	vst v63  }
0xa6: {  	_ =	swait.ge [sflag:s30], $0x2000  }
0xa7: {  	[sflag:s30] =	ssyncset.done $0x0  }
0xa8: {  	[sflag:s30] =	ssyncadd.s32 $0xFFFFE000  }
0xa9: {  	[hbm4b:s10+s2] =	stream.linear.scatter [tilespmem:s11], [sflag:$0x2], $0x2000, $0x38;
	[tilespmem:$0x1F000] =	vst v63  }
0xaa: {  	_ =	swait.ge [sflag:s30], $0x2000  }
0xab: {  	[sflag:s30] =	ssyncset.done $0x0  }
0xac: {  	[sflag:s30] =	ssyncadd.s32 $0xFFFFE000  }
0xad: {  	[tilespmem:s11], [sflag:$0x2] =	stream.linear.gather [spmem:s26], $0x2000, $0x38;
	[tilespmem:$0x1F000] =	vst v63  }
0xae: {  	_ =	swait.ge [sflag:s30], $0x2000  }
0xaf: {  	[sflag:s30] =	ssyncset.done $0x0  }
0xb0: {  	[sflag:s30] =	ssyncadd.s32 $0xFFFFE000  }
0xb1: {  	[hbm4b:s12+s2] =	stream.linear.scatter [tilespmem:s11], [sflag:$0x2], $0x2000, $0x38;
	[tilespmem:$0x1F000] =	vst v63  }
0xb2: {  	_ =	swait.ge [sflag:s30], $0x2000  }
0xb3: {  	[sflag:s30] =	ssyncset.done $0x0  }
0xb4: {  	[sflag:s30] =	ssyncadd.s32 $0xFFFFE000  }
0xb5: {  	[tilespmem:s11], [sflag:$0x2] =	stream.linear.gather [spmem:s28], $0x2000, $0x38;
	[tilespmem:$0x1F000] =	vst v63  }
0xb6: {  	s4 =	sadd.s32 $0x1, s4;
	_ =	swait.ge [sflag:s30], $0x2000  }
0xb7: {  	p0 =	sne.s32 s4, s29;
	[sflag:s30] =	ssyncset.done $0x0  }
.Ltmp1:
0xb8: {  	[sflag:s30] =	ssyncadd.s32 $0xFFFFE000;
	(pc) =	sbr.rel @p0 .LBB2_1-.Ltmp1, $4  }
0xb9: {  	[hbm4b:s14+s2] =	stream.linear.scatter [tilespmem:s11], [sflag:$0x2], $0x2000, $0x38;
	[tilespmem:$0x1F000] =	vst v63  }
0xba: {  	_ =	swait.ge [sflag:s30], $0x2000  }
0xbb: {  	[sflag:s30] =	ssyncset.done $0x0  }
0xbc: {  	[sflag:s30] =	ssyncadd.s32 $0xFFFFE000  }
0xbd: {  	_ =	sfence.sel $0x180000  }
0xbe: {  	[bflag:$0x0] =	sbarrier.arrive $0xFFFF  }
0xbf: {  	_ =	strace $0x9000004A  }
0xc0: {  	s0 =	stileid.u32;
	[bflag:$0x2] =	sbarrier.arrive $0xFFFF  }
0xc1: {  	p0 =	sne.s32 s0, $0x0;
	s0 =	rddreg [dreg:$0x3]  }
0xc2: {  	s0 =	sadd.s32 @!p0 $0x100000, s0  }
0xc3: {  	[sflag:s0] =	ssyncadd.tile.s32 @!p0 $0x1;
	_ =	shalt  }
.Lfunc_end2:
_tile_overlayer_lowered:
.L_overlay_start_2:
0xc4: {  	(tag) =	ssettag $0x2  }
0xc5: {  	s0 =	rddreg [dreg:$0x0];
	s2 =	stileid.u32  }
0xc6: {  	s1 =	rddreg [dreg:$0x1];
	p0 =	sne.s32 s2, $0x0  }
0xc7: {  	s3 =	rddreg [dreg:$0x2];
	[bflag:$0x3] =	sbarrier.arrive $0xFFFF;
	s2 =	simm.s32 @!p0 $0x1C02  }
0xc8: {  	[timem:s3], [sflag:s2] =	dma.local @!p0 [hbm:s0], s1  }
0xc9: {  	s0 =	simm.s32 @!p0 $0x2  }
0xca: {  	_ =	swait.ge @!p0 [sflag:s0], s1  }
0xcb: {  	s1 =	ssub.s32 @!p0 $0x0, s1;
	[sflag:s0] =	ssyncset.done @!p0 $0x0  }
0xcc: {  	[sflag:s0] =	ssyncadd.s32 @!p0 s1  }
0xcd: {  	[bflag:$0x3] =	sbarrier.arrive $0xFFFF  }
0xce: {  	_ =	shalt  }

</sc_bundles>
